<compile_context>
chip_gen: v7x
topology: tpu7x:2x2x1
jax: 0.10.2.dev20260603
libtpu: 0.0.44.dev20260713+nightly
codegen_flags: <defaults>
</compile_context>

<pallas_src>
import functools

import jax
import jax.numpy as jnp
from jax import lax
from jax.experimental import pallas as pl
from jax.experimental.pallas import tpu as pltpu
from jax.experimental.pallas import tpu_sc as plsc

NC = 2
NS = 16
CHUNK = 128


def _sc_mesh():
    return plsc.VectorSubcoreMesh(
        core_axis_name="c", subcore_axis_name="s", num_cores=NC, num_subcores=NS
    )


def _zero_fill(buf, nrows, width):
    per_row = width // 16

    def body(t, carry):
        buf[t // per_row, pl.ds((t % per_row) * 16, 16)] = jnp.zeros(
            (16,), jnp.float32)
        return carry

    lax.fori_loop(0, nrows * per_row, body, None)


def _zero_acc(acc, zbuf, row0, nrows):
    nfull, rem = nrows // 128, nrows % 128
    for i in range(nfull):
        pltpu.sync_copy(zbuf, acc.at[pl.ds(row0 + i * 128, 128)])
    if rem:
        pltpu.sync_copy(zbuf.at[pl.ds(0, rem)],
                        acc.at[pl.ds(row0 + nfull * 128, rem)])


def _make_deg_kernel(np_, ep):
    ew = ep // (NC * NS)
    nch = ew // CHUNK
    rows_per_s = np_ // NS

    @functools.partial(
        pl.kernel,
        out_type=jax.ShapeDtypeStruct((NC, np_, 16), jnp.float32),
        mesh=_sc_mesh(),
        scratch_types=[
            pltpu.VMEM((CHUNK, 16), jnp.float32),
            pltpu.VMEM((CHUNK, 16), jnp.float32),
            pltpu.VMEM((nch, CHUNK), jnp.int32),
            pltpu.VMEM_SHARED((np_, 16), jnp.float32),
            pltpu.SemaphoreType.DMA,
        ],
        compiler_params=pltpu.CompilerParams(use_tc_tiling_on_sc=False),
    )
    def deg_kernel(dst_hbm, out_hbm, ones_v, zbuf, idx_v, acc, sem):
        c = lax.axis_index("c")
        s = lax.axis_index("s")
        w = c * NS + s

        def fill(j, carry):
            ones_v[j] = jnp.full((16,), 1.0, jnp.float32)
            return carry

        lax.fori_loop(0, CHUNK, fill, None)
        _zero_fill(zbuf, CHUNK, 16)
        pltpu.sync_copy(dst_hbm.at[pl.ds(w * nch, nch)], idx_v)
        _zero_acc(acc, zbuf, s * rows_per_s, rows_per_s)
        plsc.subcore_barrier()

        def outer(g, carry):
            for j in range(8):
                cc = g * 8 + j

                @pl.when(cc < nch)
                def _():
                    pltpu.async_copy(ones_v, acc.at[idx_v.at[cc]], sem,
                                     add=True)

            for j in range(8):
                cc = g * 8 + j

                @pl.when(cc < nch)
                def _():
                    pltpu.make_async_copy(
                        ones_v, acc.at[idx_v.at[0]], sem).wait()

            return carry

        lax.fori_loop(0, (nch + 7) // 8, outer, None)
        plsc.subcore_barrier()
        pltpu.sync_copy(
            acc.at[pl.ds(s * rows_per_s, rows_per_s)],
            out_hbm.at[c, pl.ds(s * rows_per_s, rows_per_s)],
        )

    return deg_kernel


def _make_prop_kernel(np_, ep, n_tab):
    ew = ep // (NC * NS)
    nch = ew // CHUNK
    rows_per_s = np_ // NS
    nbuf = 4
    nslots = ((nch + nbuf + nbuf - 1) // nbuf) * nbuf

    @functools.partial(
        pl.kernel,
        out_type=jax.ShapeDtypeStruct((NC, np_, 64), jnp.float32),
        mesh=_sc_mesh(),
        scratch_types=[
            pltpu.VMEM((nbuf, CHUNK, 64), jnp.float32),
            pltpu.VMEM((nch, CHUNK), jnp.int32),
            pltpu.VMEM((nch, CHUNK), jnp.int32),
            pltpu.VMEM_SHARED((np_, 64), jnp.float32),
        ] + [pltpu.SemaphoreType.DMA] * (2 * nbuf),
        compiler_params=pltpu.CompilerParams(use_tc_tiling_on_sc=False),
    )
    def prop_kernel(tab_hbm, src_hbm, dst_hbm, out_hbm,
                    gbufs, src_v, dst_v, acc, *sems):
        c = lax.axis_index("c")
        s = lax.axis_index("s")
        w = c * NS + s
        sg = sems[:nbuf]
        ss = sems[nbuf:]

        _zero_fill(gbufs.at[0], CHUNK, 64)
        pltpu.sync_copy(src_hbm.at[pl.ds(w * nch, nch)], src_v)
        pltpu.sync_copy(dst_hbm.at[pl.ds(w * nch, nch)], dst_v)
        _zero_acc(acc, gbufs.at[0], s * rows_per_s, rows_per_s)
        plsc.subcore_barrier()

        def outer(g, carry):
            for j in range(nbuf):
                t = g * nbuf + j
                b = j
                b2 = (j + nbuf - 2) % nbuf

                @pl.when((t >= nbuf) & (t <= nch + nbuf - 1))
                def _():
                    pltpu.make_async_copy(
                        gbufs.at[b], acc.at[dst_v.at[0]], ss[b]).wait()

                @pl.when(t < nch)
                def _():
                    pltpu.async_copy(tab_hbm.at[src_v.at[t]], gbufs.at[b],
                                     sg[b])

                @pl.when((t >= 2) & (t <= nch + 1))
                def _():
                    pltpu.make_async_copy(
                        tab_hbm.at[src_v.at[0]], gbufs.at[b2],
                        sg[b2]).wait()
                    pltpu.async_copy(gbufs.at[b2], acc.at[dst_v.at[t - 2]],
                                     ss[b2], add=True)

            return carry

        lax.fori_loop(0, nslots // nbuf, outer, None)
        plsc.subcore_barrier()
        pltpu.sync_copy(
            acc.at[pl.ds(s * rows_per_s, rows_per_s)],
            out_hbm.at[c, pl.ds(s * rows_per_s, rows_per_s)],
        )

    return prop_kernel


def _tc_pre(x, W1, dpart):
    n = x.shape[0]

    def body(x_ref, w_ref, dp_ref, hp_ref, dinv_ref):
        deg = dp_ref[0, :n, :] + dp_ref[1, :n, :] + 1.0
        dinv = lax.rsqrt(deg)
        dinv_ref[...] = dinv
        h = jnp.dot(x_ref[...], w_ref[...], preferred_element_type=jnp.float32)
        hp_ref[...] = h * dinv[:, :1]

    return pl.pallas_call(
        body,
        out_shape=(
            jax.ShapeDtypeStruct((n, 64), jnp.float32),
            jax.ShapeDtypeStruct((n, 16), jnp.float32),
        ),
    )(x, W1, dpart)


def _tc_mid(u, hp, dinv, b1):
    n = hp.shape[0]

    def body(u_ref, hp_ref, dinv_ref, b_ref, out_ref):
        t = dinv_ref[...][:, :1]
        usum = u_ref[0, :n, :] + u_ref[1, :n, :]
        pre = (usum + hp_ref[...]) * t + b_ref[...]
        out_ref[...] = jnp.maximum(pre, 0.0) * t

    return pl.pallas_call(
        body,
        out_shape=jax.ShapeDtypeStruct((n, 64), jnp.float32),
    )(u, hp, dinv, b1)


def _tc_heads(u, hp, dinv, Wmu, bmu, Wsig, bsig):
    n = hp.shape[0]

    def body(u_ref, hp_ref, dinv_ref, wm_ref, bm_ref, ws_ref,
             bs_ref, mu_ref, sig_ref):
        usum = u_ref[0, :n, :] + u_ref[1, :n, :]
        g = (usum + hp_ref[...]) * dinv_ref[...][:, :1]
        mu_ref[...] = jnp.dot(g, wm_ref[...],
                              preferred_element_type=jnp.float32) + bm_ref[...]
        sig_ref[...] = jnp.dot(g, ws_ref[...],
                               preferred_element_type=jnp.float32) + bs_ref[...]

    return pl.pallas_call(
        body,
        out_shape=(
            jax.ShapeDtypeStruct((n, 32), jnp.float32),
            jax.ShapeDtypeStruct((n, 32), jnp.float32),
        ),
    )(u, hp, dinv, Wmu, bmu, Wsig, bsig)


@jax.jit
def kernel(x, edge_index, W1, b1, Wmu, bmu, Wsig, bsig):
    n = x.shape[0]
    e = edge_index.shape[1]
    np_ = ((n + 16 + 127) // 128) * 128

    quant = NC * NS * CHUNK * 8
    ep = ((e + quant - 1) // quant) * quant
    pad_n = ep - e
    ar = jnp.arange(pad_n, dtype=edge_index.dtype)
    src = jnp.concatenate([edge_index[0], ar % n]).reshape(ep // CHUNK, CHUNK)
    dst = jnp.concatenate([edge_index[1], n + ar % (np_ - n)]).reshape(
        ep // CHUNK, CHUNK)

    dpart = _make_deg_kernel(np_, ep)(dst)
    prop = _make_prop_kernel(np_, ep, n)

    hp, dinv = _tc_pre(x, W1, dpart)
    u = prop(hp, src, dst)
    h2p = _tc_mid(u, hp, dinv, b1.reshape(1, 64))
    u2 = prop(h2p, src, dst)
    mu, sig = _tc_heads(u2, h2p, dinv, Wmu,
                        bmu.reshape(1, 32), Wsig, bsig.reshape(1, 32))
    return (mu, sig)

# --- scband reference (transcript-rebuilt; emitter-appended) ---
"""Pipeline reference for scband-vgae-encoder-24335284699606 (READ-ONLY COPY).

The authoritative reference and input builder live on the scoring server;
editing this copy changes nothing except your own understanding.
"""

import jax, jax.numpy as jnp
import numpy as np

N = 10000
E = 320000
D_IN = 128
D_HID = 64  # 2 * out_channels
D_OUT = 32


def gcn_conv(x, src, dst, W, b):
    n = x.shape[0]
    loop = jnp.arange(n, dtype=src.dtype)
    s = jnp.concatenate([src, loop])
    d = jnp.concatenate([dst, loop])
    deg = jax.ops.segment_sum(jnp.ones(s.shape[0], dtype=x.dtype), d, num_segments=n)
    dinv = jnp.where(deg > 0, deg ** -0.5, 0.0)
    h = x @ W
    norm = dinv[s] * dinv[d]
    msg = h[s] * norm[:, None]
    out = jax.ops.segment_sum(msg, d, num_segments=n)
    return out + b


def setup_inputs(seed: int = 0) -> dict:
    key = jax.random.key(seed)
    ks = jax.random.split(key, 8)
    x = jax.random.normal(ks[0], (N, D_IN), dtype=jnp.float32)
    edge_index = jax.random.randint(ks[1], (2, E), 0, N)
    W1 = jax.random.normal(ks[2], (D_IN, D_HID), dtype=jnp.float32) * (1.0 / np.sqrt(D_IN))
    b1 = jnp.zeros((D_HID,), dtype=jnp.float32)
    Wmu = jax.random.normal(ks[3], (D_HID, D_OUT), dtype=jnp.float32) * (1.0 / np.sqrt(D_HID))
    bmu = jnp.zeros((D_OUT,), dtype=jnp.float32)
    Wsig = jax.random.normal(ks[4], (D_HID, D_OUT), dtype=jnp.float32) * (1.0 / np.sqrt(D_HID))
    bsig = jnp.zeros((D_OUT,), dtype=jnp.float32)
    return {"x": x, "edge_index": edge_index, "W1": W1, "b1": b1, "Wmu": Wmu, "bmu": bmu, "Wsig": Wsig, "bsig": bsig}


def reference(x, edge_index, W1, b1, Wmu, bmu, Wsig, bsig):
    src = edge_index[0]
    dst = edge_index[1]
    h = gcn_conv(x, src, dst, W1, b1)
    h = jax.nn.relu(h)
    x_mu = gcn_conv(h, src, dst, Wmu, bmu)
    x_sig = gcn_conv(h, src, dst, Wsig, bsig)
    return (x_mu, x_sig)

if __name__ == "__main__":
    import jax
    _d = setup_inputs()
    print(jax.jit(kernel)(*tuple(_d.values())))

</pallas_src>

<mosaic_0001>
#map = affine_map<(d0, d1) -> (0, 0)>
#map1 = affine_map<(d0, d1) -> (0, 0, 0)>
module attributes {stable_mosaic.version = 14 : i64} {
  func.func @deg_kernel(%arg0: i32, %arg1: i32, %arg2: memref<2560x128xi32, #tpu.memory_space<hbm>>, %arg3: memref<2x10112x16xf32, #tpu.memory_space<hbm>>, %arg4: memref<128x16xf32, #tpu.memory_space<vmem>>, %arg5: memref<128x16xf32, #tpu.memory_space<vmem>>, %arg6: memref<80x128xi32, #tpu.memory_space<vmem>>, %arg7: memref<10112x16xf32, #tpu.memory_space<vmem_shared>>, %arg8: memref<!tpu.dma_semaphore, #tpu.memory_space<semaphore_mem>>) attributes {dimension_semantics = [#tpu.dimension_semantics<core_parallel>, #tpu.dimension_semantics<subcore_parallel>], iteration_bounds = array<i64: 2, 16>, scalar_prefetch = 0 : i64, scratch_operands = 5 : i64, tpu.core_type = #tpu.core_type<sc_vector_subcore>, window_params = [{transform_indices = #map}, {transform_indices = #map1}]} {
    %mul3A = arith.constant 16 : i32
    %mul3A_0 = arith.muli %arg0, %mul3A : i32
    %add3A = arith.addi %mul3A_0, %arg1 : i32
    %scan3A = arith.constant 0 : i32
    %scan3A_1 = arith.constant 128 : i32
    %scan3A_2 = arith.addi %scan3A, %scan3A_1 : i32
    %scan3A_3 = arith.constant 1 : i32
    scf.for %scan3A_34 = %scan3A to %scan3A_2 step %scan3A_3  : i32 {
      %broadcast_in_dim3A = arith.constant 1.000000e+00 : f32
      %broadcast_in_dim3A_35 = vector.broadcast %broadcast_in_dim3A : f32 to vector<16xf32>
      %swap3A = arith.index_cast %scan3A_34 : i32 to index
      %swap3A_36 = arith.constant 0 : index
      %swap3A_37 = tpu.vector_load %arg4[%swap3A, %swap3A_36] {strides = array<i32>} : memref<128x16xf32, #tpu.memory_space<vmem>>, vector<1x16xf32>,
      %swap3A_38 = vector.shape_cast %swap3A_37 : vector<1x16xf32> to vector<16xf32>
      %swap3A_39 = vector.shape_cast %broadcast_in_dim3A_35 : vector<16xf32> to vector<1x16xf32>
      tpu.vector_store %arg4[%swap3A, %swap3A_36], %swap3A_39 {strides = array<i32>} : memref<128x16xf32, #tpu.memory_space<vmem>>, vector<1x16xf32>,
    }
    %scan3A_4 = arith.constant 128 : i32
    %scan3A_5 = arith.constant 0 : i32
    %scan3A_6 = arith.constant 128 : i32
    %scan3A_7 = arith.addi %scan3A_5, %scan3A_6 : i32
    %scan3A_8 = arith.constant 1 : i32
    scf.for %scan3A_34 = %scan3A_5 to %scan3A_7 step %scan3A_8  : i32 {
      %broadcast_in_dim3A = arith.constant 0.000000e+00 : f32
      %broadcast_in_dim3A_35 = vector.broadcast %broadcast_in_dim3A : f32 to vector<16xf32>
      %jit3A = arith.constant 1 : i32
      %div3A = arith.divsi %scan3A_34, %jit3A : i32
      %sign3A = arith.constant 0 : i32
      %sign3A_36 = arith.cmpi sgt, %scan3A_34, %sign3A : i32
      %sign3A_37 = arith.extui %sign3A_36 : i1 to i32
      %sign3A_38 = arith.constant 0 : i32
      %sign3A_39 = arith.cmpi slt, %scan3A_34, %sign3A_38 : i32
      %sign3A_40 = arith.extui %sign3A_39 : i1 to i32
      %sign3A_41 = arith.subi %sign3A_37, %sign3A_40 : i32
      %sign3A_42 = arith.constant 0 : i32
      %sign3A_43 = arith.cmpi sgt, %jit3A, %sign3A_42 : i32
      %sign3A_44 = arith.extui %sign3A_43 : i1 to i32
      %sign3A_45 = arith.constant 0 : i32
      %sign3A_46 = arith.cmpi slt, %jit3A, %sign3A_45 : i32
      %sign3A_47 = arith.extui %sign3A_46 : i1 to i32
      %sign3A_48 = arith.subi %sign3A_44, %sign3A_47 : i32
      %ne3A = arith.cmpi ne, %sign3A_41, %sign3A_48 : i32
      %rem3A = arith.remsi %scan3A_34, %jit3A : i32
      %ne3A_49 = arith.constant 0 : i32
      %ne3A_50 = arith.cmpi ne, %rem3A, %ne3A_49 : i32
      %and3A = arith.andi %ne3A, %ne3A_50 : i1
      %sub3A = arith.constant 1 : i32
      %sub3A_51 = arith.subi %div3A, %sub3A : i32
      %select_n3A = arith.select %and3A, %sub3A_51, %div3A : i32
      %jit3A_52 = arith.constant 1 : i32
      %eq3A = arith.constant 0 : i32
      %eq3A_53 = arith.cmpi eq, %jit3A_52, %eq3A : i32
      %jit3A_54 = arith.constant 1 : i32
      %select_n3A_55 = arith.select %eq3A_53, %jit3A_54, %jit3A_52 : i32
      %rem3A_56 = arith.remsi %scan3A_34, %select_n3A_55 : i32
      %ne3A_57 = arith.constant 0 : i32
      %ne3A_58 = arith.cmpi ne, %rem3A_56, %ne3A_57 : i32
      %lt3A = arith.constant 0 : i32
      %lt3A_59 = arith.cmpi slt, %rem3A_56, %lt3A : i32
      %lt3A_60 = arith.constant 0 : i32
      %lt3A_61 = arith.cmpi slt, %select_n3A_55, %lt3A_60 : i32
      %ne3A_62 = arith.xori %lt3A_59, %lt3A_61 : i1
      %and3A_63 = arith.andi %ne3A_62, %ne3A_58 : i1
      %add3A_64 = arith.addi %rem3A_56, %select_n3A_55 : i32
      %select_n3A_65 = arith.select %and3A_63, %add3A_64, %rem3A_56 : i32
      %mul3A_66 = arith.constant 16 : i32
      %mul3A_67 = arith.muli %select_n3A_65, %mul3A_66 : i32
      %swap3A = arith.index_cast %select_n3A : i32 to index
      %swap3A_68 = arith.index_cast %mul3A_67 : i32 to index
      %swap3A_69 = tpu.vector_load %arg5[%swap3A, %swap3A_68] {strides = array<i32>} : memref<128x16xf32, #tpu.memory_space<vmem>>, vector<1x16xf32>,
      %swap3A_70 = vector.shape_cast %swap3A_69 : vector<1x16xf32> to vector<16xf32>
      %swap3A_71 = vector.shape_cast %broadcast_in_dim3A_35 : vector<16xf32> to vector<1x16xf32>
      tpu.vector_store %arg5[%swap3A, %swap3A_68], %swap3A_71 {strides = array<i32>} : memref<128x16xf32, #tpu.memory_space<vmem>>, vector<1x16xf32>,
    }
    %scan3A_9 = arith.constant 128 : i32
    %mul3A_10 = arith.constant 80 : i32
    %mul3A_11 = arith.muli %add3A, %mul3A_10 : i32
    "tpu.region"() ({
      %run_scoped3A = tpu.sem_alloc : memref<!tpu.dma_semaphore, #tpu.memory_space<semaphore_mem>>
      %dma_start3A = arith.constant 0 : i32
      %dma_start3A_34 = tpu.memref_slice %arg2[%mul3A_11, %dma_start3A] : memref<2560x128xi32, #tpu.memory_space<hbm>> -> memref<80x128xi32, #tpu.memory_space<hbm>>
      %dma_start3A_35 = arith.constant 0 : i32
      %dma_start3A_36 = tpu.memref_slice %arg2[%mul3A_11, %dma_start3A_35] : memref<2560x128xi32, #tpu.memory_space<hbm>> -> memref<80x128xi32, #tpu.memory_space<hbm>>
      tpu.enqueue_dma source(%dma_start3A_36 : memref<80x128xi32, #tpu.memory_space<hbm>>) target(%arg6 : memref<80x128xi32, #tpu.memory_space<vmem>>) target_semaphore(%run_scoped3A : memref<!tpu.dma_semaphore, #tpu.memory_space<semaphore_mem>>)
      %dma_wait3A = arith.constant 0 : i32
      %dma_wait3A_37 = tpu.memref_slice %arg2[%mul3A_11, %dma_wait3A] : memref<2560x128xi32, #tpu.memory_space<hbm>> -> memref<80x128xi32, #tpu.memory_space<hbm>>
      %dma_wait3A_38 = arith.constant 0 : i32
      %dma_wait3A_39 = tpu.memref_slice %arg2[%mul3A_11, %dma_wait3A_38] : memref<2560x128xi32, #tpu.memory_space<hbm>> -> memref<80x128xi32, #tpu.memory_space<hbm>>
      tpu.wait_dma2 semaphore(%run_scoped3A : memref<!tpu.dma_semaphore, #tpu.memory_space<semaphore_mem>>) src(%dma_wait3A_39 : memref<80x128xi32, #tpu.memory_space<hbm>>) dst(%arg6 : memref<80x128xi32, #tpu.memory_space<vmem>>)
      tpu.yield
    }) : () -> ()
    %mul3A_12 = arith.constant 632 : i32
    %mul3A_13 = arith.muli %arg1, %mul3A_12 : i32
    %add3A_14 = arith.constant 0 : i32
    %add3A_15 = arith.addi %mul3A_13, %add3A_14 : i32
    "tpu.region"() ({
      %run_scoped3A = tpu.sem_alloc : memref<!tpu.dma_semaphore, #tpu.memory_space<semaphore_mem>>
      %dma_start3A = arith.constant 0 : i32
      %dma_start3A_34 = tpu.memref_slice %arg7[%add3A_15, %dma_start3A] : memref<10112x16xf32, #tpu.memory_space<vmem_shared>> -> memref<128x16xf32, #tpu.memory_space<vmem_shared>>
      %dma_start3A_35 = arith.constant 0 : i32
      %dma_start3A_36 = tpu.memref_slice %arg7[%add3A_15, %dma_start3A_35] : memref<10112x16xf32, #tpu.memory_space<vmem_shared>> -> memref<128x16xf32, #tpu.memory_space<vmem_shared>>
      tpu.enqueue_dma source(%arg5 : memref<128x16xf32, #tpu.memory_space<vmem>>) target(%dma_start3A_36 : memref<128x16xf32, #tpu.memory_space<vmem_shared>>) target_semaphore(%run_scoped3A : memref<!tpu.dma_semaphore, #tpu.memory_space<semaphore_mem>>)
      %dma_wait3A = arith.constant 0 : i32
      %dma_wait3A_37 = tpu.memref_slice %arg7[%add3A_15, %dma_wait3A] : memref<10112x16xf32, #tpu.memory_space<vmem_shared>> -> memref<128x16xf32, #tpu.memory_space<vmem_shared>>
      %dma_wait3A_38 = arith.constant 0 : i32
      %dma_wait3A_39 = tpu.memref_slice %arg7[%add3A_15, %dma_wait3A_38] : memref<10112x16xf32, #tpu.memory_space<vmem_shared>> -> memref<128x16xf32, #tpu.memory_space<vmem_shared>>
      tpu.wait_dma2 semaphore(%run_scoped3A : memref<!tpu.dma_semaphore, #tpu.memory_space<semaphore_mem>>) src(%arg5 : memref<128x16xf32, #tpu.memory_space<vmem>>) dst(%dma_wait3A_39 : memref<128x16xf32, #tpu.memory_space<vmem_shared>>)
      tpu.yield
    }) : () -> ()
    %add3A_16 = arith.constant 128 : i32
    %add3A_17 = arith.addi %mul3A_13, %add3A_16 : i32
    "tpu.region"() ({
      %run_scoped3A = tpu.sem_alloc : memref<!tpu.dma_semaphore, #tpu.memory_space<semaphore_mem>>
      %dma_start3A = arith.constant 0 : i32
      %dma_start3A_34 = tpu.memref_slice %arg7[%add3A_17, %dma_start3A] : memref<10112x16xf32, #tpu.memory_space<vmem_shared>> -> memref<128x16xf32, #tpu.memory_space<vmem_shared>>
      %dma_start3A_35 = arith.constant 0 : i32
      %dma_start3A_36 = tpu.memref_slice %arg7[%add3A_17, %dma_start3A_35] : memref<10112x16xf32, #tpu.memory_space<vmem_shared>> -> memref<128x16xf32, #tpu.memory_space<vmem_shared>>
      tpu.enqueue_dma source(%arg5 : memref<128x16xf32, #tpu.memory_space<vmem>>) target(%dma_start3A_36 : memref<128x16xf32, #tpu.memory_space<vmem_shared>>) target_semaphore(%run_scoped3A : memref<!tpu.dma_semaphore, #tpu.memory_space<semaphore_mem>>)
      %dma_wait3A = arith.constant 0 : i32
      %dma_wait3A_37 = tpu.memref_slice %arg7[%add3A_17, %dma_wait3A] : memref<10112x16xf32, #tpu.memory_space<vmem_shared>> -> memref<128x16xf32, #tpu.memory_space<vmem_shared>>
      %dma_wait3A_38 = arith.constant 0 : i32
      %dma_wait3A_39 = tpu.memref_slice %arg7[%add3A_17, %dma_wait3A_38] : memref<10112x16xf32, #tpu.memory_space<vmem_shared>> -> memref<128x16xf32, #tpu.memory_space<vmem_shared>>
      tpu.wait_dma2 semaphore(%run_scoped3A : memref<!tpu.dma_semaphore, #tpu.memory_space<semaphore_mem>>) src(%arg5 : memref<128x16xf32, #tpu.memory_space<vmem>>) dst(%dma_wait3A_39 : memref<128x16xf32, #tpu.memory_space<vmem_shared>>)
      tpu.yield
    }) : () -> ()
    %add3A_18 = arith.constant 256 : i32
    %add3A_19 = arith.addi %mul3A_13, %add3A_18 : i32
    "tpu.region"() ({
      %run_scoped3A = tpu.sem_alloc : memref<!tpu.dma_semaphore, #tpu.memory_space<semaphore_mem>>
      %dma_start3A = arith.constant 0 : i32
      %dma_start3A_34 = tpu.memref_slice %arg7[%add3A_19, %dma_start3A] : memref<10112x16xf32, #tpu.memory_space<vmem_shared>> -> memref<128x16xf32, #tpu.memory_space<vmem_shared>>
      %dma_start3A_35 = arith.constant 0 : i32
      %dma_start3A_36 = tpu.memref_slice %arg7[%add3A_19, %dma_start3A_35] : memref<10112x16xf32, #tpu.memory_space<vmem_shared>> -> memref<128x16xf32, #tpu.memory_space<vmem_shared>>
      tpu.enqueue_dma source(%arg5 : memref<128x16xf32, #tpu.memory_space<vmem>>) target(%dma_start3A_36 : memref<128x16xf32, #tpu.memory_space<vmem_shared>>) target_semaphore(%run_scoped3A : memref<!tpu.dma_semaphore, #tpu.memory_space<semaphore_mem>>)
      %dma_wait3A = arith.constant 0 : i32
      %dma_wait3A_37 = tpu.memref_slice %arg7[%add3A_19, %dma_wait3A] : memref<10112x16xf32, #tpu.memory_space<vmem_shared>> -> memref<128x16xf32, #tpu.memory_space<vmem_shared>>
      %dma_wait3A_38 = arith.constant 0 : i32
      %dma_wait3A_39 = tpu.memref_slice %arg7[%add3A_19, %dma_wait3A_38] : memref<10112x16xf32, #tpu.memory_space<vmem_shared>> -> memref<128x16xf32, #tpu.memory_space<vmem_shared>>
      tpu.wait_dma2 semaphore(%run_scoped3A : memref<!tpu.dma_semaphore, #tpu.memory_space<semaphore_mem>>) src(%arg5 : memref<128x16xf32, #tpu.memory_space<vmem>>) dst(%dma_wait3A_39 : memref<128x16xf32, #tpu.memory_space<vmem_shared>>)
      tpu.yield
    }) : () -> ()
    %add3A_20 = arith.constant 384 : i32
    %add3A_21 = arith.addi %mul3A_13, %add3A_20 : i32
    "tpu.region"() ({
      %run_scoped3A = tpu.sem_alloc : memref<!tpu.dma_semaphore, #tpu.memory_space<semaphore_mem>>
      %dma_start3A = arith.constant 0 : i32
      %dma_start3A_34 = tpu.memref_slice %arg7[%add3A_21, %dma_start3A] : memref<10112x16xf32, #tpu.memory_space<vmem_shared>> -> memref<128x16xf32, #tpu.memory_space<vmem_shared>>
      %dma_start3A_35 = arith.constant 0 : i32
      %dma_start3A_36 = tpu.memref_slice %arg7[%add3A_21, %dma_start3A_35] : memref<10112x16xf32, #tpu.memory_space<vmem_shared>> -> memref<128x16xf32, #tpu.memory_space<vmem_shared>>
      tpu.enqueue_dma source(%arg5 : memref<128x16xf32, #tpu.memory_space<vmem>>) target(%dma_start3A_36 : memref<128x16xf32, #tpu.memory_space<vmem_shared>>) target_semaphore(%run_scoped3A : memref<!tpu.dma_semaphore, #tpu.memory_space<semaphore_mem>>)
      %dma_wait3A = arith.constant 0 : i32
      %dma_wait3A_37 = tpu.memref_slice %arg7[%add3A_21, %dma_wait3A] : memref<10112x16xf32, #tpu.memory_space<vmem_shared>> -> memref<128x16xf32, #tpu.memory_space<vmem_shared>>
      %dma_wait3A_38 = arith.constant 0 : i32
      %dma_wait3A_39 = tpu.memref_slice %arg7[%add3A_21, %dma_wait3A_38] : memref<10112x16xf32, #tpu.memory_space<vmem_shared>> -> memref<128x16xf32, #tpu.memory_space<vmem_shared>>
      tpu.wait_dma2 semaphore(%run_scoped3A : memref<!tpu.dma_semaphore, #tpu.memory_space<semaphore_mem>>) src(%arg5 : memref<128x16xf32, #tpu.memory_space<vmem>>) dst(%dma_wait3A_39 : memref<128x16xf32, #tpu.memory_space<vmem_shared>>)
      tpu.yield
    }) : () -> ()
    %add3A_22 = arith.constant 512 : i32
    %add3A_23 = arith.addi %mul3A_13, %add3A_22 : i32
    "tpu.region"() ({
      %run_scoped3A = tpu.sem_alloc : memref<!tpu.dma_semaphore, #tpu.memory_space<semaphore_mem>>
      %dma_start3A = arith.constant 0 : i32
      %dma_start3A_34 = arith.constant 0 : i32
      %dma_start3A_35 = tpu.memref_slice %arg5[%dma_start3A, %dma_start3A_34] : memref<128x16xf32, #tpu.memory_space<vmem>> -> memref<120x16xf32, #tpu.memory_space<vmem>>
      %dma_start3A_36 = arith.constant 0 : i32
      %dma_start3A_37 = tpu.memref_slice %arg7[%add3A_23, %dma_start3A_36] : memref<10112x16xf32, #tpu.memory_space<vmem_shared>> -> memref<120x16xf32, #tpu.memory_space<vmem_shared>>
      %dma_start3A_38 = arith.constant 0 : i32
      %dma_start3A_39 = tpu.memref_slice %arg7[%add3A_23, %dma_start3A_38] : memref<10112x16xf32, #tpu.memory_space<vmem_shared>> -> memref<120x16xf32, #tpu.memory_space<vmem_shared>>
      %dma_start3A_40 = arith.constant 0 : i32
      %dma_start3A_41 = arith.constant 0 : i32
      %dma_start3A_42 = tpu.memref_slice %arg5[%dma_start3A_40, %dma_start3A_41] : memref<128x16xf32, #tpu.memory_space<vmem>> -> memref<120x16xf32, #tpu.memory_space<vmem>>
      tpu.enqueue_dma source(%dma_start3A_42 : memref<120x16xf32, #tpu.memory_space<vmem>>) target(%dma_start3A_39 : memref<120x16xf32, #tpu.memory_space<vmem_shared>>) target_semaphore(%run_scoped3A : memref<!tpu.dma_semaphore, #tpu.memory_space<semaphore_mem>>)
      %dma_wait3A = arith.constant 0 : i32
      %dma_wait3A_43 = arith.constant 0 : i32
      %dma_wait3A_44 = tpu.memref_slice %arg5[%dma_wait3A, %dma_wait3A_43] : memref<128x16xf32, #tpu.memory_space<vmem>> -> memref<120x16xf32, #tpu.memory_space<vmem>>
      %dma_wait3A_45 = arith.constant 0 : i32
      %dma_wait3A_46 = tpu.memref_slice %arg7[%add3A_23, %dma_wait3A_45] : memref<10112x16xf32, #tpu.memory_space<vmem_shared>> -> memref<120x16xf32, #tpu.memory_space<vmem_shared>>
      %dma_wait3A_47 = arith.constant 0 : i32
      %dma_wait3A_48 = tpu.memref_slice %arg7[%add3A_23, %dma_wait3A_47] : memref<10112x16xf32, #tpu.memory_space<vmem_shared>> -> memref<120x16xf32, #tpu.memory_space<vmem_shared>>
      %dma_wait3A_49 = arith.constant 0 : i32
      %dma_wait3A_50 = arith.constant 0 : i32
      %dma_wait3A_51 = tpu.memref_slice %arg5[%dma_wait3A_49, %dma_wait3A_50] : memref<128x16xf32, #tpu.memory_space<vmem>> -> memref<120x16xf32, #tpu.memory_space<vmem>>
      tpu.wait_dma2 semaphore(%run_scoped3A : memref<!tpu.dma_semaphore, #tpu.memory_space<semaphore_mem>>) src(%dma_wait3A_51 : memref<120x16xf32, #tpu.memory_space<vmem>>) dst(%dma_wait3A_48 : memref<120x16xf32, #tpu.memory_space<vmem_shared>>)
      tpu.yield
    }) : () -> ()
    %barrier3A = arith.constant 0 : index
    tpu.barrier barrier_id(%barrier3A)
    %scan3A_24 = arith.constant 0 : i32
    %scan3A_25 = arith.constant 10 : i32
    %scan3A_26 = arith.addi %scan3A_24, %scan3A_25 : i32
    %scan3A_27 = arith.constant 1 : i32
    scf.for %scan3A_34 = %scan3A_24 to %scan3A_26 step %scan3A_27  : i32 {
      %mul3A_35 = arith.constant 8 : i32
      %mul3A_36 = arith.muli %scan3A_34, %mul3A_35 : i32
      %add3A_37 = arith.constant 0 : i32
      %add3A_38 = arith.addi %mul3A_36, %add3A_37 : i32
      %lt3A = arith.constant 80 : i32
      %lt3A_39 = arith.cmpi slt, %add3A_38, %lt3A : i32
      %convert_element_type3A = arith.extui %lt3A_39 : i1 to i32
      %cond3A = arith.constant 0 : i32
      %cond3A_40 = arith.cmpi ne, %convert_element_type3A, %cond3A : i32
      scf.if %cond3A_40 {
        %dma_start3A = arith.constant 0 : i32
        %dma_start3A_176 = tpu.memref_slice %arg6[%add3A_38, %dma_start3A] : memref<80x128xi32, #tpu.memory_space<vmem>> -> memref<1x128xi32, #tpu.memory_space<vmem>>
        %dma_start3A_177 = tpu.memref_squeeze %dma_start3A_176 : memref<1x128xi32, #tpu.memory_space<vmem>> -> memref<128xi32, #tpu.memory_space<vmem>>
        %dma_start3A_178 = arith.constant 0 : i32
        %dma_start3A_179 = arith.constant 0 : i32
        %dma_start3A_180 = tpu.memref_slice %arg7[%dma_start3A_178, %dma_start3A_179] : memref<10112x16xf32, #tpu.memory_space<vmem_shared>> -> memref<10112x16xf32, #tpu.memory_space<vmem_shared>>
        tpu.enqueue_indirect_dma source(%arg4 : memref<128x16xf32, #tpu.memory_space<vmem>>) target(%dma_start3A_180 : memref<10112x16xf32, #tpu.memory_space<vmem_shared>>) offsets(%dma_start3A_177 : memref<128xi32, #tpu.memory_space<vmem>>) semaphore(%arg8 : memref<!tpu.dma_semaphore, #tpu.memory_space<semaphore_mem>>) {add = true}
      } else {
      }
      %mul3A_41 = arith.constant 8 : i32
      %mul3A_42 = arith.muli %scan3A_34, %mul3A_41 : i32
      %add3A_43 = arith.constant 1 : i32
      %add3A_44 = arith.addi %mul3A_42, %add3A_43 : i32
      %lt3A_45 = arith.constant 80 : i32
      %lt3A_46 = arith.cmpi slt, %add3A_44, %lt3A_45 : i32
      %convert_element_type3A_47 = arith.extui %lt3A_46 : i1 to i32
      %cond3A_48 = arith.constant 0 : i32
      %cond3A_49 = arith.cmpi ne, %convert_element_type3A_47, %cond3A_48 : i32
      scf.if %cond3A_49 {
        %dma_start3A = arith.constant 0 : i32
        %dma_start3A_176 = tpu.memref_slice %arg6[%add3A_44, %dma_start3A] : memref<80x128xi32, #tpu.memory_space<vmem>> -> memref<1x128xi32, #tpu.memory_space<vmem>>
        %dma_start3A_177 = tpu.memref_squeeze %dma_start3A_176 : memref<1x128xi32, #tpu.memory_space<vmem>> -> memref<128xi32, #tpu.memory_space<vmem>>
        %dma_start3A_178 = arith.constant 0 : i32
        %dma_start3A_179 = arith.constant 0 : i32
        %dma_start3A_180 = tpu.memref_slice %arg7[%dma_start3A_178, %dma_start3A_179] : memref<10112x16xf32, #tpu.memory_space<vmem_shared>> -> memref<10112x16xf32, #tpu.memory_space<vmem_shared>>
        tpu.enqueue_indirect_dma source(%arg4 : memref<128x16xf32, #tpu.memory_space<vmem>>) target(%dma_start3A_180 : memref<10112x16xf32, #tpu.memory_space<vmem_shared>>) offsets(%dma_start3A_177 : memref<128xi32, #tpu.memory_space<vmem>>) semaphore(%arg8 : memref<!tpu.dma_semaphore, #tpu.memory_space<semaphore_mem>>) {add = true}
      } else {
      }
      %mul3A_50 = arith.constant 8 : i32
      %mul3A_51 = arith.muli %scan3A_34, %mul3A_50 : i32
      %add3A_52 = arith.constant 2 : i32
      %add3A_53 = arith.addi %mul3A_51, %add3A_52 : i32
      %lt3A_54 = arith.constant 80 : i32
      %lt3A_55 = arith.cmpi slt, %add3A_53, %lt3A_54 : i32
      %convert_element_type3A_56 = arith.extui %lt3A_55 : i1 to i32
      %cond3A_57 = arith.constant 0 : i32
      %cond3A_58 = arith.cmpi ne, %convert_element_type3A_56, %cond3A_57 : i32
      scf.if %cond3A_58 {
        %dma_start3A = arith.constant 0 : i32
        %dma_start3A_176 = tpu.memref_slice %arg6[%add3A_53, %dma_start3A] : memref<80x128xi32, #tpu.memory_space<vmem>> -> memref<1x128xi32, #tpu.memory_space<vmem>>
        %dma_start3A_177 = tpu.memref_squeeze %dma_start3A_176 : memref<1x128xi32, #tpu.memory_space<vmem>> -> memref<128xi32, #tpu.memory_space<vmem>>
        %dma_start3A_178 = arith.constant 0 : i32
        %dma_start3A_179 = arith.constant 0 : i32
        %dma_start3A_180 = tpu.memref_slice %arg7[%dma_start3A_178, %dma_start3A_179] : memref<10112x16xf32, #tpu.memory_space<vmem_shared>> -> memref<10112x16xf32, #tpu.memory_space<vmem_shared>>
        tpu.enqueue_indirect_dma source(%arg4 : memref<128x16xf32, #tpu.memory_space<vmem>>) target(%dma_start3A_180 : memref<10112x16xf32, #tpu.memory_space<vmem_shared>>) offsets(%dma_start3A_177 : memref<128xi32, #tpu.memory_space<vmem>>) semaphore(%arg8 : memref<!tpu.dma_semaphore, #tpu.memory_space<semaphore_mem>>) {add = true}
      } else {
      }
      %mul3A_59 = arith.constant 8 : i32
      %mul3A_60 = arith.muli %scan3A_34, %mul3A_59 : i32
      %add3A_61 = arith.constant 3 : i32
      %add3A_62 = arith.addi %mul3A_60, %add3A_61 : i32
      %lt3A_63 = arith.constant 80 : i32
      %lt3A_64 = arith.cmpi slt, %add3A_62, %lt3A_63 : i32
      %convert_element_type3A_65 = arith.extui %lt3A_64 : i1 to i32
      %cond3A_66 = arith.constant 0 : i32
      %cond3A_67 = arith.cmpi ne, %convert_element_type3A_65, %cond3A_66 : i32
      scf.if %cond3A_67 {
        %dma_start3A = arith.constant 0 : i32
        %dma_start3A_176 = tpu.memref_slice %arg6[%add3A_62, %dma_start3A] : memref<80x128xi32, #tpu.memory_space<vmem>> -> memref<1x128xi32, #tpu.memory_space<vmem>>
        %dma_start3A_177 = tpu.memref_squeeze %dma_start3A_176 : memref<1x128xi32, #tpu.memory_space<vmem>> -> memref<128xi32, #tpu.memory_space<vmem>>
        %dma_start3A_178 = arith.constant 0 : i32
        %dma_start3A_179 = arith.constant 0 : i32
        %dma_start3A_180 = tpu.memref_slice %arg7[%dma_start3A_178, %dma_start3A_179] : memref<10112x16xf32, #tpu.memory_space<vmem_shared>> -> memref<10112x16xf32, #tpu.memory_space<vmem_shared>>
        tpu.enqueue_indirect_dma source(%arg4 : memref<128x16xf32, #tpu.memory_space<vmem>>) target(%dma_start3A_180 : memref<10112x16xf32, #tpu.memory_space<vmem_shared>>) offsets(%dma_start3A_177 : memref<128xi32, #tpu.memory_space<vmem>>) semaphore(%arg8 : memref<!tpu.dma_semaphore, #tpu.memory_space<semaphore_mem>>) {add = true}
      } else {
      }
      %mul3A_68 = arith.constant 8 : i32
      %mul3A_69 = arith.muli %scan3A_34, %mul3A_68 : i32
      %add3A_70 = arith.constant 4 : i32
      %add3A_71 = arith.addi %mul3A_69, %add3A_70 : i32
      %lt3A_72 = arith.constant 80 : i32
      %lt3A_73 = arith.cmpi slt, %add3A_71, %lt3A_72 : i32
      %convert_element_type3A_74 = arith.extui %lt3A_73 : i1 to i32
      %cond3A_75 = arith.constant 0 : i32
      %cond3A_76 = arith.cmpi ne, %convert_element_type3A_74, %cond3A_75 : i32
      scf.if %cond3A_76 {
        %dma_start3A = arith.constant 0 : i32
        %dma_start3A_176 = tpu.memref_slice %arg6[%add3A_71, %dma_start3A] : memref<80x128xi32, #tpu.memory_space<vmem>> -> memref<1x128xi32, #tpu.memory_space<vmem>>
        %dma_start3A_177 = tpu.memref_squeeze %dma_start3A_176 : memref<1x128xi32, #tpu.memory_space<vmem>> -> memref<128xi32, #tpu.memory_space<vmem>>
        %dma_start3A_178 = arith.constant 0 : i32
        %dma_start3A_179 = arith.constant 0 : i32
        %dma_start3A_180 = tpu.memref_slice %arg7[%dma_start3A_178, %dma_start3A_179] : memref<10112x16xf32, #tpu.memory_space<vmem_shared>> -> memref<10112x16xf32, #tpu.memory_space<vmem_shared>>
        tpu.enqueue_indirect_dma source(%arg4 : memref<128x16xf32, #tpu.memory_space<vmem>>) target(%dma_start3A_180 : memref<10112x16xf32, #tpu.memory_space<vmem_shared>>) offsets(%dma_start3A_177 : memref<128xi32, #tpu.memory_space<vmem>>) semaphore(%arg8 : memref<!tpu.dma_semaphore, #tpu.memory_space<semaphore_mem>>) {add = true}
      } else {
      }
      %mul3A_77 = arith.constant 8 : i32
      %mul3A_78 = arith.muli %scan3A_34, %mul3A_77 : i32
      %add3A_79 = arith.constant 5 : i32
      %add3A_80 = arith.addi %mul3A_78, %add3A_79 : i32
      %lt3A_81 = arith.constant 80 : i32
      %lt3A_82 = arith.cmpi slt, %add3A_80, %lt3A_81 : i32
      %convert_element_type3A_83 = arith.extui %lt3A_82 : i1 to i32
      %cond3A_84 = arith.constant 0 : i32
      %cond3A_85 = arith.cmpi ne, %convert_element_type3A_83, %cond3A_84 : i32
      scf.if %cond3A_85 {
        %dma_start3A = arith.constant 0 : i32
        %dma_start3A_176 = tpu.memref_slice %arg6[%add3A_80, %dma_start3A] : memref<80x128xi32, #tpu.memory_space<vmem>> -> memref<1x128xi32, #tpu.memory_space<vmem>>
        %dma_start3A_177 = tpu.memref_squeeze %dma_start3A_176 : memref<1x128xi32, #tpu.memory_space<vmem>> -> memref<128xi32, #tpu.memory_space<vmem>>
        %dma_start3A_178 = arith.constant 0 : i32
        %dma_start3A_179 = arith.constant 0 : i32
        %dma_start3A_180 = tpu.memref_slice %arg7[%dma_start3A_178, %dma_start3A_179] : memref<10112x16xf32, #tpu.memory_space<vmem_shared>> -> memref<10112x16xf32, #tpu.memory_space<vmem_shared>>
        tpu.enqueue_indirect_dma source(%arg4 : memref<128x16xf32, #tpu.memory_space<vmem>>) target(%dma_start3A_180 : memref<10112x16xf32, #tpu.memory_space<vmem_shared>>) offsets(%dma_start3A_177 : memref<128xi32, #tpu.memory_space<vmem>>) semaphore(%arg8 : memref<!tpu.dma_semaphore, #tpu.memory_space<semaphore_mem>>) {add = true}
      } else {
      }
      %mul3A_86 = arith.constant 8 : i32
      %mul3A_87 = arith.muli %scan3A_34, %mul3A_86 : i32
      %add3A_88 = arith.constant 6 : i32
      %add3A_89 = arith.addi %mul3A_87, %add3A_88 : i32
      %lt3A_90 = arith.constant 80 : i32
      %lt3A_91 = arith.cmpi slt, %add3A_89, %lt3A_90 : i32
      %convert_element_type3A_92 = arith.extui %lt3A_91 : i1 to i32
      %cond3A_93 = arith.constant 0 : i32
      %cond3A_94 = arith.cmpi ne, %convert_element_type3A_92, %cond3A_93 : i32
      scf.if %cond3A_94 {
        %dma_start3A = arith.constant 0 : i32
        %dma_start3A_176 = tpu.memref_slice %arg6[%add3A_89, %dma_start3A] : memref<80x128xi32, #tpu.memory_space<vmem>> -> memref<1x128xi32, #tpu.memory_space<vmem>>
        %dma_start3A_177 = tpu.memref_squeeze %dma_start3A_176 : memref<1x128xi32, #tpu.memory_space<vmem>> -> memref<128xi32, #tpu.memory_space<vmem>>
        %dma_start3A_178 = arith.constant 0 : i32
        %dma_start3A_179 = arith.constant 0 : i32
        %dma_start3A_180 = tpu.memref_slice %arg7[%dma_start3A_178, %dma_start3A_179] : memref<10112x16xf32, #tpu.memory_space<vmem_shared>> -> memref<10112x16xf32, #tpu.memory_space<vmem_shared>>
        tpu.enqueue_indirect_dma source(%arg4 : memref<128x16xf32, #tpu.memory_space<vmem>>) target(%dma_start3A_180 : memref<10112x16xf32, #tpu.memory_space<vmem_shared>>) offsets(%dma_start3A_177 : memref<128xi32, #tpu.memory_space<vmem>>) semaphore(%arg8 : memref<!tpu.dma_semaphore, #tpu.memory_space<semaphore_mem>>) {add = true}
      } else {
      }
      %mul3A_95 = arith.constant 8 : i32
      %mul3A_96 = arith.muli %scan3A_34, %mul3A_95 : i32
      %add3A_97 = arith.constant 7 : i32
      %add3A_98 = arith.addi %mul3A_96, %add3A_97 : i32
      %lt3A_99 = arith.constant 80 : i32
      %lt3A_100 = arith.cmpi slt, %add3A_98, %lt3A_99 : i32
      %convert_element_type3A_101 = arith.extui %lt3A_100 : i1 to i32
      %cond3A_102 = arith.constant 0 : i32
      %cond3A_103 = arith.cmpi ne, %convert_element_type3A_101, %cond3A_102 : i32
      scf.if %cond3A_103 {
        %dma_start3A = arith.constant 0 : i32
        %dma_start3A_176 = tpu.memref_slice %arg6[%add3A_98, %dma_start3A] : memref<80x128xi32, #tpu.memory_space<vmem>> -> memref<1x128xi32, #tpu.memory_space<vmem>>
        %dma_start3A_177 = tpu.memref_squeeze %dma_start3A_176 : memref<1x128xi32, #tpu.memory_space<vmem>> -> memref<128xi32, #tpu.memory_space<vmem>>
        %dma_start3A_178 = arith.constant 0 : i32
        %dma_start3A_179 = arith.constant 0 : i32
        %dma_start3A_180 = tpu.memref_slice %arg7[%dma_start3A_178, %dma_start3A_179] : memref<10112x16xf32, #tpu.memory_space<vmem_shared>> -> memref<10112x16xf32, #tpu.memory_space<vmem_shared>>
        tpu.enqueue_indirect_dma source(%arg4 : memref<128x16xf32, #tpu.memory_space<vmem>>) target(%dma_start3A_180 : memref<10112x16xf32, #tpu.memory_space<vmem_shared>>) offsets(%dma_start3A_177 : memref<128xi32, #tpu.memory_space<vmem>>) semaphore(%arg8 : memref<!tpu.dma_semaphore, #tpu.memory_space<semaphore_mem>>) {add = true}
      } else {
      }
      %mul3A_104 = arith.constant 8 : i32
      %mul3A_105 = arith.muli %scan3A_34, %mul3A_104 : i32
      %add3A_106 = arith.constant 0 : i32
      %add3A_107 = arith.addi %mul3A_105, %add3A_106 : i32
      %lt3A_108 = arith.constant 80 : i32
      %lt3A_109 = arith.cmpi slt, %add3A_107, %lt3A_108 : i32
      %convert_element_type3A_110 = arith.extui %lt3A_109 : i1 to i32
      %cond3A_111 = arith.constant 0 : i32
      %cond3A_112 = arith.cmpi ne, %convert_element_type3A_110, %cond3A_111 : i32
      scf.if %cond3A_112 {
        %dma_wait3A = arith.constant 0 : i32
        %dma_wait3A_176 = arith.constant 0 : i32
        %dma_wait3A_177 = tpu.memref_slice %arg6[%dma_wait3A, %dma_wait3A_176] : memref<80x128xi32, #tpu.memory_space<vmem>> -> memref<1x128xi32, #tpu.memory_space<vmem>>
        %dma_wait3A_178 = tpu.memref_squeeze %dma_wait3A_177 : memref<1x128xi32, #tpu.memory_space<vmem>> -> memref<128xi32, #tpu.memory_space<vmem>>
        %dma_wait3A_179 = arith.constant 0 : i32
        %dma_wait3A_180 = arith.constant 0 : i32
        %dma_wait3A_181 = tpu.memref_slice %arg7[%dma_wait3A_179, %dma_wait3A_180] : memref<10112x16xf32, #tpu.memory_space<vmem_shared>> -> memref<10112x16xf32, #tpu.memory_space<vmem_shared>>
        tpu.wait_indirect_dma semaphore(%arg8 : memref<!tpu.dma_semaphore, #tpu.memory_space<semaphore_mem>>) src(%arg4 : memref<128x16xf32, #tpu.memory_space<vmem>>) dst(%dma_wait3A_181 : memref<10112x16xf32, #tpu.memory_space<vmem_shared>>)
      } else {
      }
      %mul3A_113 = arith.constant 8 : i32
      %mul3A_114 = arith.muli %scan3A_34, %mul3A_113 : i32
      %add3A_115 = arith.constant 1 : i32
      %add3A_116 = arith.addi %mul3A_114, %add3A_115 : i32
      %lt3A_117 = arith.constant 80 : i32
      %lt3A_118 = arith.cmpi slt, %add3A_116, %lt3A_117 : i32
      %convert_element_type3A_119 = arith.extui %lt3A_118 : i1 to i32
      %cond3A_120 = arith.constant 0 : i32
      %cond3A_121 = arith.cmpi ne, %convert_element_type3A_119, %cond3A_120 : i32
      scf.if %cond3A_121 {
        %dma_wait3A = arith.constant 0 : i32
        %dma_wait3A_176 = arith.constant 0 : i32
        %dma_wait3A_177 = tpu.memref_slice %arg6[%dma_wait3A, %dma_wait3A_176] : memref<80x128xi32, #tpu.memory_space<vmem>> -> memref<1x128xi32, #tpu.memory_space<vmem>>
        %dma_wait3A_178 = tpu.memref_squeeze %dma_wait3A_177 : memref<1x128xi32, #tpu.memory_space<vmem>> -> memref<128xi32, #tpu.memory_space<vmem>>
        %dma_wait3A_179 = arith.constant 0 : i32
        %dma_wait3A_180 = arith.constant 0 : i32
        %dma_wait3A_181 = tpu.memref_slice %arg7[%dma_wait3A_179, %dma_wait3A_180] : memref<10112x16xf32, #tpu.memory_space<vmem_shared>> -> memref<10112x16xf32, #tpu.memory_space<vmem_shared>>
        tpu.wait_indirect_dma semaphore(%arg8 : memref<!tpu.dma_semaphore, #tpu.memory_space<semaphore_mem>>) src(%arg4 : memref<128x16xf32, #tpu.memory_space<vmem>>) dst(%dma_wait3A_181 : memref<10112x16xf32, #tpu.memory_space<vmem_shared>>)
      } else {
      }
      %mul3A_122 = arith.constant 8 : i32
      %mul3A_123 = arith.muli %scan3A_34, %mul3A_122 : i32
      %add3A_124 = arith.constant 2 : i32
      %add3A_125 = arith.addi %mul3A_123, %add3A_124 : i32
      %lt3A_126 = arith.constant 80 : i32
      %lt3A_127 = arith.cmpi slt, %add3A_125, %lt3A_126 : i32
      %convert_element_type3A_128 = arith.extui %lt3A_127 : i1 to i32
      %cond3A_129 = arith.constant 0 : i32
      %cond3A_130 = arith.cmpi ne, %convert_element_type3A_128, %cond3A_129 : i32
      scf.if %cond3A_130 {
        %dma_wait3A = arith.constant 0 : i32
        %dma_wait3A_176 = arith.constant 0 : i32
        %dma_wait3A_177 = tpu.memref_slice %arg6[%dma_wait3A, %dma_wait3A_176] : memref<80x128xi32, #tpu.memory_space<vmem>> -> memref<1x128xi32, #tpu.memory_space<vmem>>
        %dma_wait3A_178 = tpu.memref_squeeze %dma_wait3A_177 : memref<1x128xi32, #tpu.memory_space<vmem>> -> memref<128xi32, #tpu.memory_space<vmem>>
        %dma_wait3A_179 = arith.constant 0 : i32
        %dma_wait3A_180 = arith.constant 0 : i32
        %dma_wait3A_181 = tpu.memref_slice %arg7[%dma_wait3A_179, %dma_wait3A_180] : memref<10112x16xf32, #tpu.memory_space<vmem_shared>> -> memref<10112x16xf32, #tpu.memory_space<vmem_shared>>
        tpu.wait_indirect_dma semaphore(%arg8 : memref<!tpu.dma_semaphore, #tpu.memory_space<semaphore_mem>>) src(%arg4 : memref<128x16xf32, #tpu.memory_space<vmem>>) dst(%dma_wait3A_181 : memref<10112x16xf32, #tpu.memory_space<vmem_shared>>)
      } else {
      }
      %mul3A_131 = arith.constant 8 : i32
      %mul3A_132 = arith.muli %scan3A_34, %mul3A_131 : i32
      %add3A_133 = arith.constant 3 : i32
      %add3A_134 = arith.addi %mul3A_132, %add3A_133 : i32
      %lt3A_135 = arith.constant 80 : i32
      %lt3A_136 = arith.cmpi slt, %add3A_134, %lt3A_135 : i32
      %convert_element_type3A_137 = arith.extui %lt3A_136 : i1 to i32
      %cond3A_138 = arith.constant 0 : i32
      %cond3A_139 = arith.cmpi ne, %convert_element_type3A_137, %cond3A_138 : i32
      scf.if %cond3A_139 {
        %dma_wait3A = arith.constant 0 : i32
        %dma_wait3A_176 = arith.constant 0 : i32
        %dma_wait3A_177 = tpu.memref_slice %arg6[%dma_wait3A, %dma_wait3A_176] : memref<80x128xi32, #tpu.memory_space<vmem>> -> memref<1x128xi32, #tpu.memory_space<vmem>>
        %dma_wait3A_178 = tpu.memref_squeeze %dma_wait3A_177 : memref<1x128xi32, #tpu.memory_space<vmem>> -> memref<128xi32, #tpu.memory_space<vmem>>
        %dma_wait3A_179 = arith.constant 0 : i32
        %dma_wait3A_180 = arith.constant 0 : i32
        %dma_wait3A_181 = tpu.memref_slice %arg7[%dma_wait3A_179, %dma_wait3A_180] : memref<10112x16xf32, #tpu.memory_space<vmem_shared>> -> memref<10112x16xf32, #tpu.memory_space<vmem_shared>>
        tpu.wait_indirect_dma semaphore(%arg8 : memref<!tpu.dma_semaphore, #tpu.memory_space<semaphore_mem>>) src(%arg4 : memref<128x16xf32, #tpu.memory_space<vmem>>) dst(%dma_wait3A_181 : memref<10112x16xf32, #tpu.memory_space<vmem_shared>>)
      } else {
      }
      %mul3A_140 = arith.constant 8 : i32
      %mul3A_141 = arith.muli %scan3A_34, %mul3A_140 : i32
      %add3A_142 = arith.constant 4 : i32
      %add3A_143 = arith.addi %mul3A_141, %add3A_142 : i32
      %lt3A_144 = arith.constant 80 : i32
      %lt3A_145 = arith.cmpi slt, %add3A_143, %lt3A_144 : i32
      %convert_element_type3A_146 = arith.extui %lt3A_145 : i1 to i32
      %cond3A_147 = arith.constant 0 : i32
      %cond3A_148 = arith.cmpi ne, %convert_element_type3A_146, %cond3A_147 : i32
      scf.if %cond3A_148 {
        %dma_wait3A = arith.constant 0 : i32
        %dma_wait3A_176 = arith.constant 0 : i32
        %dma_wait3A_177 = tpu.memref_slice %arg6[%dma_wait3A, %dma_wait3A_176] : memref<80x128xi32, #tpu.memory_space<vmem>> -> memref<1x128xi32, #tpu.memory_space<vmem>>
        %dma_wait3A_178 = tpu.memref_squeeze %dma_wait3A_177 : memref<1x128xi32, #tpu.memory_space<vmem>> -> memref<128xi32, #tpu.memory_space<vmem>>
        %dma_wait3A_179 = arith.constant 0 : i32
        %dma_wait3A_180 = arith.constant 0 : i32
        %dma_wait3A_181 = tpu.memref_slice %arg7[%dma_wait3A_179, %dma_wait3A_180] : memref<10112x16xf32, #tpu.memory_space<vmem_shared>> -> memref<10112x16xf32, #tpu.memory_space<vmem_shared>>
        tpu.wait_indirect_dma semaphore(%arg8 : memref<!tpu.dma_semaphore, #tpu.memory_space<semaphore_mem>>) src(%arg4 : memref<128x16xf32, #tpu.memory_space<vmem>>) dst(%dma_wait3A_181 : memref<10112x16xf32, #tpu.memory_space<vmem_shared>>)
      } else {
      }
      %mul3A_149 = arith.constant 8 : i32
      %mul3A_150 = arith.muli %scan3A_34, %mul3A_149 : i32
      %add3A_151 = arith.constant 5 : i32
      %add3A_152 = arith.addi %mul3A_150, %add3A_151 : i32
      %lt3A_153 = arith.constant 80 : i32
      %lt3A_154 = arith.cmpi slt, %add3A_152, %lt3A_153 : i32
      %convert_element_type3A_155 = arith.extui %lt3A_154 : i1 to i32
      %cond3A_156 = arith.constant 0 : i32
      %cond3A_157 = arith.cmpi ne, %convert_element_type3A_155, %cond3A_156 : i32
      scf.if %cond3A_157 {
        %dma_wait3A = arith.constant 0 : i32
        %dma_wait3A_176 = arith.constant 0 : i32
        %dma_wait3A_177 = tpu.memref_slice %arg6[%dma_wait3A, %dma_wait3A_176] : memref<80x128xi32, #tpu.memory_space<vmem>> -> memref<1x128xi32, #tpu.memory_space<vmem>>
        %dma_wait3A_178 = tpu.memref_squeeze %dma_wait3A_177 : memref<1x128xi32, #tpu.memory_space<vmem>> -> memref<128xi32, #tpu.memory_space<vmem>>
        %dma_wait3A_179 = arith.constant 0 : i32
        %dma_wait3A_180 = arith.constant 0 : i32
        %dma_wait3A_181 = tpu.memref_slice %arg7[%dma_wait3A_179, %dma_wait3A_180] : memref<10112x16xf32, #tpu.memory_space<vmem_shared>> -> memref<10112x16xf32, #tpu.memory_space<vmem_shared>>
        tpu.wait_indirect_dma semaphore(%arg8 : memref<!tpu.dma_semaphore, #tpu.memory_space<semaphore_mem>>) src(%arg4 : memref<128x16xf32, #tpu.memory_space<vmem>>) dst(%dma_wait3A_181 : memref<10112x16xf32, #tpu.memory_space<vmem_shared>>)
      } else {
      }
      %mul3A_158 = arith.constant 8 : i32
      %mul3A_159 = arith.muli %scan3A_34, %mul3A_158 : i32
      %add3A_160 = arith.constant 6 : i32
      %add3A_161 = arith.addi %mul3A_159, %add3A_160 : i32
      %lt3A_162 = arith.constant 80 : i32
      %lt3A_163 = arith.cmpi slt, %add3A_161, %lt3A_162 : i32
      %convert_element_type3A_164 = arith.extui %lt3A_163 : i1 to i32
      %cond3A_165 = arith.constant 0 : i32
      %cond3A_166 = arith.cmpi ne, %convert_element_type3A_164, %cond3A_165 : i32
      scf.if %cond3A_166 {
        %dma_wait3A = arith.constant 0 : i32
        %dma_wait3A_176 = arith.constant 0 : i32
        %dma_wait3A_177 = tpu.memref_slice %arg6[%dma_wait3A, %dma_wait3A_176] : memref<80x128xi32, #tpu.memory_space<vmem>> -> memref<1x128xi32, #tpu.memory_space<vmem>>
        %dma_wait3A_178 = tpu.memref_squeeze %dma_wait3A_177 : memref<1x128xi32, #tpu.memory_space<vmem>> -> memref<128xi32, #tpu.memory_space<vmem>>
        %dma_wait3A_179 = arith.constant 0 : i32
        %dma_wait3A_180 = arith.constant 0 : i32
        %dma_wait3A_181 = tpu.memref_slice %arg7[%dma_wait3A_179, %dma_wait3A_180] : memref<10112x16xf32, #tpu.memory_space<vmem_shared>> -> memref<10112x16xf32, #tpu.memory_space<vmem_shared>>
        tpu.wait_indirect_dma semaphore(%arg8 : memref<!tpu.dma_semaphore, #tpu.memory_space<semaphore_mem>>) src(%arg4 : memref<128x16xf32, #tpu.memory_space<vmem>>) dst(%dma_wait3A_181 : memref<10112x16xf32, #tpu.memory_space<vmem_shared>>)
      } else {
      }
      %mul3A_167 = arith.constant 8 : i32
      %mul3A_168 = arith.muli %scan3A_34, %mul3A_167 : i32
      %add3A_169 = arith.constant 7 : i32
      %add3A_170 = arith.addi %mul3A_168, %add3A_169 : i32
      %lt3A_171 = arith.constant 80 : i32
      %lt3A_172 = arith.cmpi slt, %add3A_170, %lt3A_171 : i32
      %convert_element_type3A_173 = arith.extui %lt3A_172 : i1 to i32
      %cond3A_174 = arith.constant 0 : i32
      %cond3A_175 = arith.cmpi ne, %convert_element_type3A_173, %cond3A_174 : i32
      scf.if %cond3A_175 {
        %dma_wait3A = arith.constant 0 : i32
        %dma_wait3A_176 = arith.constant 0 : i32
        %dma_wait3A_177 = tpu.memref_slice %arg6[%dma_wait3A, %dma_wait3A_176] : memref<80x128xi32, #tpu.memory_space<vmem>> -> memref<1x128xi32, #tpu.memory_space<vmem>>
        %dma_wait3A_178 = tpu.memref_squeeze %dma_wait3A_177 : memref<1x128xi32, #tpu.memory_space<vmem>> -> memref<128xi32, #tpu.memory_space<vmem>>
        %dma_wait3A_179 = arith.constant 0 : i32
        %dma_wait3A_180 = arith.constant 0 : i32
        %dma_wait3A_181 = tpu.memref_slice %arg7[%dma_wait3A_179, %dma_wait3A_180] : memref<10112x16xf32, #tpu.memory_space<vmem_shared>> -> memref<10112x16xf32, #tpu.memory_space<vmem_shared>>
        tpu.wait_indirect_dma semaphore(%arg8 : memref<!tpu.dma_semaphore, #tpu.memory_space<semaphore_mem>>) src(%arg4 : memref<128x16xf32, #tpu.memory_space<vmem>>) dst(%dma_wait3A_181 : memref<10112x16xf32, #tpu.memory_space<vmem_shared>>)
      } else {
      }
    }
    %scan3A_28 = arith.constant 10 : i32
    %barrier3A_29 = arith.constant 0 : index
    tpu.barrier barrier_id(%barrier3A_29)
    %mul3A_30 = arith.constant 632 : i32
    %mul3A_31 = arith.muli %arg1, %mul3A_30 : i32
    %mul3A_32 = arith.constant 632 : i32
    %mul3A_33 = arith.muli %arg1, %mul3A_32 : i32
    "tpu.region"() ({
      %run_scoped3A = tpu.sem_alloc : memref<!tpu.dma_semaphore, #tpu.memory_space<semaphore_mem>>
      %dma_start3A = arith.constant 0 : i32
      %dma_start3A_34 = tpu.memref_slice %arg3[%arg0, %mul3A_33, %dma_start3A] : memref<2x10112x16xf32, #tpu.memory_space<hbm>> -> memref<1x632x16xf32, #tpu.memory_space<hbm>>
      %dma_start3A_35 = tpu.memref_squeeze %dma_start3A_34 : memref<1x632x16xf32, #tpu.memory_space<hbm>> -> memref<632x16xf32, #tpu.memory_space<hbm>>
      %dma_start3A_36 = arith.constant 0 : i32
      %dma_start3A_37 = tpu.memref_slice %arg7[%mul3A_31, %dma_start3A_36] : memref<10112x16xf32, #tpu.memory_space<vmem_shared>> -> memref<632x16xf32, #tpu.memory_space<vmem_shared>>
      tpu.enqueue_dma source(%dma_start3A_37 : memref<632x16xf32, #tpu.memory_space<vmem_shared>>) target(%dma_start3A_35 : memref<632x16xf32, #tpu.memory_space<hbm>>) target_semaphore(%run_scoped3A : memref<!tpu.dma_semaphore, #tpu.memory_space<semaphore_mem>>)
      %dma_wait3A = arith.constant 0 : i32
      %dma_wait3A_38 = tpu.memref_slice %arg3[%arg0, %mul3A_33, %dma_wait3A] : memref<2x10112x16xf32, #tpu.memory_space<hbm>> -> memref<1x632x16xf32, #tpu.memory_space<hbm>>
      %dma_wait3A_39 = tpu.memref_squeeze %dma_wait3A_38 : memref<1x632x16xf32, #tpu.memory_space<hbm>> -> memref<632x16xf32, #tpu.memory_space<hbm>>
      %dma_wait3A_40 = arith.constant 0 : i32
      %dma_wait3A_41 = tpu.memref_slice %arg7[%mul3A_31, %dma_wait3A_40] : memref<10112x16xf32, #tpu.memory_space<vmem_shared>> -> memref<632x16xf32, #tpu.memory_space<vmem_shared>>
      tpu.wait_dma2 semaphore(%run_scoped3A : memref<!tpu.dma_semaphore, #tpu.memory_space<semaphore_mem>>) src(%dma_wait3A_41 : memref<632x16xf32, #tpu.memory_space<vmem_shared>>) dst(%dma_wait3A_39 : memref<632x16xf32, #tpu.memory_space<hbm>>)
      tpu.yield
    }) : () -> ()
    return
  }
}

#map = affine_map<(d0, d1) -> (0, 0)>
#map1 = affine_map<(d0, d1) -> (0, 0, 0)>
module attributes {stable_mosaic.version = 14 : i64} {
  func.func @prop_kernel(%arg0: i32, %arg1: i32, %arg2: memref<10000x64xf32, #tpu.memory_space<hbm>>, %arg3: memref<2560x128xi32, #tpu.memory_space<hbm>>, %arg4: memref<2560x128xi32, #tpu.memory_space<hbm>>, %arg5: memref<2x10112x64xf32, #tpu.memory_space<hbm>>, %arg6: memref<4x128x64xf32, #tpu.memory_space<vmem>>, %arg7: memref<80x128xi32, #tpu.memory_space<vmem>>, %arg8: memref<80x128xi32, #tpu.memory_space<vmem>>, %arg9: memref<10112x64xf32, #tpu.memory_space<vmem_shared>>, %arg10: memref<!tpu.dma_semaphore, #tpu.memory_space<semaphore_mem>>, %arg11: memref<!tpu.dma_semaphore, #tpu.memory_space<semaphore_mem>>, %arg12: memref<!tpu.dma_semaphore, #tpu.memory_space<semaphore_mem>>, %arg13: memref<!tpu.dma_semaphore, #tpu.memory_space<semaphore_mem>>, %arg14: memref<!tpu.dma_semaphore, #tpu.memory_space<semaphore_mem>>, %arg15: memref<!tpu.dma_semaphore, #tpu.memory_space<semaphore_mem>>, %arg16: memref<!tpu.dma_semaphore, #tpu.memory_space<semaphore_mem>>, %arg17: memref<!tpu.dma_semaphore, #tpu.memory_space<semaphore_mem>>) attributes {dimension_semantics = [#tpu.dimension_semantics<core_parallel>, #tpu.dimension_semantics<subcore_parallel>], iteration_bounds = array<i64: 2, 16>, scalar_prefetch = 0 : i64, scratch_operands = 12 : i64, tpu.core_type = #tpu.core_type<sc_vector_subcore>, window_params = [{transform_indices = #map}, {transform_indices = #map}, {transform_indices = #map}, {transform_indices = #map1}]} {
    %mul3A = arith.constant 16 : i32
    %mul3A_0 = arith.muli %arg0, %mul3A : i32
    %add3A = arith.addi %mul3A_0, %arg1 : i32
    %scan3A = arith.constant 0 : i32
    %scan3A_1 = arith.constant 0 : i32
    %scan3A_2 = arith.constant 512 : i32
    %scan3A_3 = arith.addi %scan3A_1, %scan3A_2 : i32
    %scan3A_4 = arith.constant 1 : i32
    scf.for %scan3A_36 = %scan3A_1 to %scan3A_3 step %scan3A_4  : i32 {
      %broadcast_in_dim3A = arith.constant 0.000000e+00 : f32
      %broadcast_in_dim3A_37 = vector.broadcast %broadcast_in_dim3A : f32 to vector<16xf32>
      %jit3A = arith.constant 4 : i32
      %div3A = arith.divsi %scan3A_36, %jit3A : i32
      %sign3A = arith.constant 0 : i32
      %sign3A_38 = arith.cmpi sgt, %scan3A_36, %sign3A : i32
      %sign3A_39 = arith.extui %sign3A_38 : i1 to i32
      %sign3A_40 = arith.constant 0 : i32
      %sign3A_41 = arith.cmpi slt, %scan3A_36, %sign3A_40 : i32
      %sign3A_42 = arith.extui %sign3A_41 : i1 to i32
      %sign3A_43 = arith.subi %sign3A_39, %sign3A_42 : i32
      %sign3A_44 = arith.constant 0 : i32
      %sign3A_45 = arith.cmpi sgt, %jit3A, %sign3A_44 : i32
      %sign3A_46 = arith.extui %sign3A_45 : i1 to i32
      %sign3A_47 = arith.constant 0 : i32
      %sign3A_48 = arith.cmpi slt, %jit3A, %sign3A_47 : i32
      %sign3A_49 = arith.extui %sign3A_48 : i1 to i32
      %sign3A_50 = arith.subi %sign3A_46, %sign3A_49 : i32
      %ne3A = arith.cmpi ne, %sign3A_43, %sign3A_50 : i32
      %rem3A = arith.remsi %scan3A_36, %jit3A : i32
      %ne3A_51 = arith.constant 0 : i32
      %ne3A_52 = arith.cmpi ne, %rem3A, %ne3A_51 : i32
      %and3A = arith.andi %ne3A, %ne3A_52 : i1
      %sub3A = arith.constant 1 : i32
      %sub3A_53 = arith.subi %div3A, %sub3A : i32
      %select_n3A = arith.select %and3A, %sub3A_53, %div3A : i32
      %jit3A_54 = arith.constant 4 : i32
      %eq3A = arith.constant 0 : i32
      %eq3A_55 = arith.cmpi eq, %jit3A_54, %eq3A : i32
      %jit3A_56 = arith.constant 1 : i32
      %select_n3A_57 = arith.select %eq3A_55, %jit3A_56, %jit3A_54 : i32
      %rem3A_58 = arith.remsi %scan3A_36, %select_n3A_57 : i32
      %ne3A_59 = arith.constant 0 : i32
      %ne3A_60 = arith.cmpi ne, %rem3A_58, %ne3A_59 : i32
      %lt3A = arith.constant 0 : i32
      %lt3A_61 = arith.cmpi slt, %rem3A_58, %lt3A : i32
      %lt3A_62 = arith.constant 0 : i32
      %lt3A_63 = arith.cmpi slt, %select_n3A_57, %lt3A_62 : i32
      %ne3A_64 = arith.xori %lt3A_61, %lt3A_63 : i1
      %and3A_65 = arith.andi %ne3A_64, %ne3A_60 : i1
      %add3A_66 = arith.addi %rem3A_58, %select_n3A_57 : i32
      %select_n3A_67 = arith.select %and3A_65, %add3A_66, %rem3A_58 : i32
      %mul3A_68 = arith.constant 16 : i32
      %mul3A_69 = arith.muli %select_n3A_67, %mul3A_68 : i32
      %swap3A = arith.constant 0 : i32
      %swap3A_70 = arith.constant 0 : i32
      %swap3A_71 = tpu.memref_slice %arg6[%scan3A, %swap3A, %swap3A_70] : memref<4x128x64xf32, #tpu.memory_space<vmem>> -> memref<1x128x64xf32, #tpu.memory_space<vmem>>
      %swap3A_72 = tpu.memref_squeeze %swap3A_71 : memref<1x128x64xf32, #tpu.memory_space<vmem>> -> memref<128x64xf32, #tpu.memory_space<vmem>>
      %swap3A_73 = arith.index_cast %select_n3A : i32 to index
      %swap3A_74 = arith.index_cast %mul3A_69 : i32 to index
      %swap3A_75 = tpu.vector_load %swap3A_72[%swap3A_73, %swap3A_74] {strides = array<i32>} : memref<128x64xf32, #tpu.memory_space<vmem>>, vector<1x16xf32>,
      %swap3A_76 = vector.shape_cast %swap3A_75 : vector<1x16xf32> to vector<16xf32>
      %swap3A_77 = vector.shape_cast %broadcast_in_dim3A_37 : vector<16xf32> to vector<1x16xf32>
      tpu.vector_store %swap3A_72[%swap3A_73, %swap3A_74], %swap3A_77 {strides = array<i32>} : memref<128x64xf32, #tpu.memory_space<vmem>>, vector<1x16xf32>,
    }
    %scan3A_5 = arith.constant 512 : i32
    %mul3A_6 = arith.constant 80 : i32
    %mul3A_7 = arith.muli %add3A, %mul3A_6 : i32
    "tpu.region"() ({
      %run_scoped3A_36 = tpu.sem_alloc : memref<!tpu.dma_semaphore, #tpu.memory_space<semaphore_mem>>
      %dma_start3A = arith.constant 0 : i32
      %dma_start3A_37 = tpu.memref_slice %arg3[%mul3A_7, %dma_start3A] : memref<2560x128xi32, #tpu.memory_space<hbm>> -> memref<80x128xi32, #tpu.memory_space<hbm>>
      %dma_start3A_38 = arith.constant 0 : i32
      %dma_start3A_39 = tpu.memref_slice %arg3[%mul3A_7, %dma_start3A_38] : memref<2560x128xi32, #tpu.memory_space<hbm>> -> memref<80x128xi32, #tpu.memory_space<hbm>>
      tpu.enqueue_dma source(%dma_start3A_39 : memref<80x128xi32, #tpu.memory_space<hbm>>) target(%arg7 : memref<80x128xi32, #tpu.memory_space<vmem>>) target_semaphore(%run_scoped3A_36 : memref<!tpu.dma_semaphore, #tpu.memory_space<semaphore_mem>>)
      %dma_wait3A = arith.constant 0 : i32
      %dma_wait3A_40 = tpu.memref_slice %arg3[%mul3A_7, %dma_wait3A] : memref<2560x128xi32, #tpu.memory_space<hbm>> -> memref<80x128xi32, #tpu.memory_space<hbm>>
      %dma_wait3A_41 = arith.constant 0 : i32
      %dma_wait3A_42 = tpu.memref_slice %arg3[%mul3A_7, %dma_wait3A_41] : memref<2560x128xi32, #tpu.memory_space<hbm>> -> memref<80x128xi32, #tpu.memory_space<hbm>>
      tpu.wait_dma2 semaphore(%run_scoped3A_36 : memref<!tpu.dma_semaphore, #tpu.memory_space<semaphore_mem>>) src(%dma_wait3A_42 : memref<80x128xi32, #tpu.memory_space<hbm>>) dst(%arg7 : memref<80x128xi32, #tpu.memory_space<vmem>>)
      tpu.yield
    }) : () -> ()
    %mul3A_8 = arith.constant 80 : i32
    %mul3A_9 = arith.muli %add3A, %mul3A_8 : i32
    "tpu.region"() ({
      %run_scoped3A_36 = tpu.sem_alloc : memref<!tpu.dma_semaphore, #tpu.memory_space<semaphore_mem>>
      %dma_start3A = arith.constant 0 : i32
      %dma_start3A_37 = tpu.memref_slice %arg4[%mul3A_9, %dma_start3A] : memref<2560x128xi32, #tpu.memory_space<hbm>> -> memref<80x128xi32, #tpu.memory_space<hbm>>
      %dma_start3A_38 = arith.constant 0 : i32
      %dma_start3A_39 = tpu.memref_slice %arg4[%mul3A_9, %dma_start3A_38] : memref<2560x128xi32, #tpu.memory_space<hbm>> -> memref<80x128xi32, #tpu.memory_space<hbm>>
      tpu.enqueue_dma source(%dma_start3A_39 : memref<80x128xi32, #tpu.memory_space<hbm>>) target(%arg8 : memref<80x128xi32, #tpu.memory_space<vmem>>) target_semaphore(%run_scoped3A_36 : memref<!tpu.dma_semaphore, #tpu.memory_space<semaphore_mem>>)
      %dma_wait3A = arith.constant 0 : i32
      %dma_wait3A_40 = tpu.memref_slice %arg4[%mul3A_9, %dma_wait3A] : memref<2560x128xi32, #tpu.memory_space<hbm>> -> memref<80x128xi32, #tpu.memory_space<hbm>>
      %dma_wait3A_41 = arith.constant 0 : i32
      %dma_wait3A_42 = tpu.memref_slice %arg4[%mul3A_9, %dma_wait3A_41] : memref<2560x128xi32, #tpu.memory_space<hbm>> -> memref<80x128xi32, #tpu.memory_space<hbm>>
      tpu.wait_dma2 semaphore(%run_scoped3A_36 : memref<!tpu.dma_semaphore, #tpu.memory_space<semaphore_mem>>) src(%dma_wait3A_42 : memref<80x128xi32, #tpu.memory_space<hbm>>) dst(%arg8 : memref<80x128xi32, #tpu.memory_space<vmem>>)
      tpu.yield
    }) : () -> ()
    %mul3A_10 = arith.constant 632 : i32
    %mul3A_11 = arith.muli %arg1, %mul3A_10 : i32
    %add3A_12 = arith.constant 0 : i32
    %add3A_13 = arith.addi %mul3A_11, %add3A_12 : i32
    %run_scoped3A = arith.constant 0 : i32
    "tpu.region"() ({
      %run_scoped3A_36 = tpu.sem_alloc : memref<!tpu.dma_semaphore, #tpu.memory_space<semaphore_mem>>
      %dma_start3A = arith.constant 0 : i32
      %dma_start3A_37 = arith.constant 0 : i32
      %dma_start3A_38 = tpu.memref_slice %arg6[%run_scoped3A, %dma_start3A, %dma_start3A_37] : memref<4x128x64xf32, #tpu.memory_space<vmem>> -> memref<1x128x64xf32, #tpu.memory_space<vmem>>
      %dma_start3A_39 = tpu.memref_squeeze %dma_start3A_38 : memref<1x128x64xf32, #tpu.memory_space<vmem>> -> memref<128x64xf32, #tpu.memory_space<vmem>>
      %dma_start3A_40 = arith.constant 0 : i32
      %dma_start3A_41 = tpu.memref_slice %arg9[%add3A_13, %dma_start3A_40] : memref<10112x64xf32, #tpu.memory_space<vmem_shared>> -> memref<128x64xf32, #tpu.memory_space<vmem_shared>>
      %dma_start3A_42 = arith.constant 0 : i32
      %dma_start3A_43 = tpu.memref_slice %arg9[%add3A_13, %dma_start3A_42] : memref<10112x64xf32, #tpu.memory_space<vmem_shared>> -> memref<128x64xf32, #tpu.memory_space<vmem_shared>>
      %dma_start3A_44 = arith.constant 0 : i32
      %dma_start3A_45 = arith.constant 0 : i32
      %dma_start3A_46 = tpu.memref_slice %arg6[%run_scoped3A, %dma_start3A_44, %dma_start3A_45] : memref<4x128x64xf32, #tpu.memory_space<vmem>> -> memref<1x128x64xf32, #tpu.memory_space<vmem>>
      %dma_start3A_47 = tpu.memref_squeeze %dma_start3A_46 : memref<1x128x64xf32, #tpu.memory_space<vmem>> -> memref<128x64xf32, #tpu.memory_space<vmem>>
      tpu.enqueue_dma source(%dma_start3A_47 : memref<128x64xf32, #tpu.memory_space<vmem>>) target(%dma_start3A_43 : memref<128x64xf32, #tpu.memory_space<vmem_shared>>) target_semaphore(%run_scoped3A_36 : memref<!tpu.dma_semaphore, #tpu.memory_space<semaphore_mem>>)
      %dma_wait3A = arith.constant 0 : i32
      %dma_wait3A_48 = arith.constant 0 : i32
      %dma_wait3A_49 = tpu.memref_slice %arg6[%run_scoped3A, %dma_wait3A, %dma_wait3A_48] : memref<4x128x64xf32, #tpu.memory_space<vmem>> -> memref<1x128x64xf32, #tpu.memory_space<vmem>>
      %dma_wait3A_50 = tpu.memref_squeeze %dma_wait3A_49 : memref<1x128x64xf32, #tpu.memory_space<vmem>> -> memref<128x64xf32, #tpu.memory_space<vmem>>
      %dma_wait3A_51 = arith.constant 0 : i32
      %dma_wait3A_52 = tpu.memref_slice %arg9[%add3A_13, %dma_wait3A_51] : memref<10112x64xf32, #tpu.memory_space<vmem_shared>> -> memref<128x64xf32, #tpu.memory_space<vmem_shared>>
      %dma_wait3A_53 = arith.constant 0 : i32
      %dma_wait3A_54 = tpu.memref_slice %arg9[%add3A_13, %dma_wait3A_53] : memref<10112x64xf32, #tpu.memory_space<vmem_shared>> -> memref<128x64xf32, #tpu.memory_space<vmem_shared>>
      %dma_wait3A_55 = arith.constant 0 : i32
      %dma_wait3A_56 = arith.constant 0 : i32
      %dma_wait3A_57 = tpu.memref_slice %arg6[%run_scoped3A, %dma_wait3A_55, %dma_wait3A_56] : memref<4x128x64xf32, #tpu.memory_space<vmem>> -> memref<1x128x64xf32, #tpu.memory_space<vmem>>
      %dma_wait3A_58 = tpu.memref_squeeze %dma_wait3A_57 : memref<1x128x64xf32, #tpu.memory_space<vmem>> -> memref<128x64xf32, #tpu.memory_space<vmem>>
      tpu.wait_dma2 semaphore(%run_scoped3A_36 : memref<!tpu.dma_semaphore, #tpu.memory_space<semaphore_mem>>) src(%dma_wait3A_58 : memref<128x64xf32, #tpu.memory_space<vmem>>) dst(%dma_wait3A_54 : memref<128x64xf32, #tpu.memory_space<vmem_shared>>)
      tpu.yield
    }) : () -> ()
    %add3A_14 = arith.constant 128 : i32
    %add3A_15 = arith.addi %mul3A_11, %add3A_14 : i32
    %run_scoped3A_16 = arith.constant 0 : i32
    "tpu.region"() ({
      %run_scoped3A_36 = tpu.sem_alloc : memref<!tpu.dma_semaphore, #tpu.memory_space<semaphore_mem>>
      %dma_start3A = arith.constant 0 : i32
      %dma_start3A_37 = arith.constant 0 : i32
      %dma_start3A_38 = tpu.memref_slice %arg6[%run_scoped3A_16, %dma_start3A, %dma_start3A_37] : memref<4x128x64xf32, #tpu.memory_space<vmem>> -> memref<1x128x64xf32, #tpu.memory_space<vmem>>
      %dma_start3A_39 = tpu.memref_squeeze %dma_start3A_38 : memref<1x128x64xf32, #tpu.memory_space<vmem>> -> memref<128x64xf32, #tpu.memory_space<vmem>>
      %dma_start3A_40 = arith.constant 0 : i32
      %dma_start3A_41 = tpu.memref_slice %arg9[%add3A_15, %dma_start3A_40] : memref<10112x64xf32, #tpu.memory_space<vmem_shared>> -> memref<128x64xf32, #tpu.memory_space<vmem_shared>>
      %dma_start3A_42 = arith.constant 0 : i32
      %dma_start3A_43 = tpu.memref_slice %arg9[%add3A_15, %dma_start3A_42] : memref<10112x64xf32, #tpu.memory_space<vmem_shared>> -> memref<128x64xf32, #tpu.memory_space<vmem_shared>>
      %dma_start3A_44 = arith.constant 0 : i32
      %dma_start3A_45 = arith.constant 0 : i32
      %dma_start3A_46 = tpu.memref_slice %arg6[%run_scoped3A_16, %dma_start3A_44, %dma_start3A_45] : memref<4x128x64xf32, #tpu.memory_space<vmem>> -> memref<1x128x64xf32, #tpu.memory_space<vmem>>
      %dma_start3A_47 = tpu.memref_squeeze %dma_start3A_46 : memref<1x128x64xf32, #tpu.memory_space<vmem>> -> memref<128x64xf32, #tpu.memory_space<vmem>>
      tpu.enqueue_dma source(%dma_start3A_47 : memref<128x64xf32, #tpu.memory_space<vmem>>) target(%dma_start3A_43 : memref<128x64xf32, #tpu.memory_space<vmem_shared>>) target_semaphore(%run_scoped3A_36 : memref<!tpu.dma_semaphore, #tpu.memory_space<semaphore_mem>>)
      %dma_wait3A = arith.constant 0 : i32
      %dma_wait3A_48 = arith.constant 0 : i32
      %dma_wait3A_49 = tpu.memref_slice %arg6[%run_scoped3A_16, %dma_wait3A, %dma_wait3A_48] : memref<4x128x64xf32, #tpu.memory_space<vmem>> -> memref<1x128x64xf32, #tpu.memory_space<vmem>>
      %dma_wait3A_50 = tpu.memref_squeeze %dma_wait3A_49 : memref<1x128x64xf32, #tpu.memory_space<vmem>> -> memref<128x64xf32, #tpu.memory_space<vmem>>
      %dma_wait3A_51 = arith.constant 0 : i32
      %dma_wait3A_52 = tpu.memref_slice %arg9[%add3A_15, %dma_wait3A_51] : memref<10112x64xf32, #tpu.memory_space<vmem_shared>> -> memref<128x64xf32, #tpu.memory_space<vmem_shared>>
      %dma_wait3A_53 = arith.constant 0 : i32
      %dma_wait3A_54 = tpu.memref_slice %arg9[%add3A_15, %dma_wait3A_53] : memref<10112x64xf32, #tpu.memory_space<vmem_shared>> -> memref<128x64xf32, #tpu.memory_space<vmem_shared>>
      %dma_wait3A_55 = arith.constant 0 : i32
      %dma_wait3A_56 = arith.constant 0 : i32
      %dma_wait3A_57 = tpu.memref_slice %arg6[%run_scoped3A_16, %dma_wait3A_55, %dma_wait3A_56] : memref<4x128x64xf32, #tpu.memory_space<vmem>> -> memref<1x128x64xf32, #tpu.memory_space<vmem>>
      %dma_wait3A_58 = tpu.memref_squeeze %dma_wait3A_57 : memref<1x128x64xf32, #tpu.memory_space<vmem>> -> memref<128x64xf32, #tpu.memory_space<vmem>>
      tpu.wait_dma2 semaphore(%run_scoped3A_36 : memref<!tpu.dma_semaphore, #tpu.memory_space<semaphore_mem>>) src(%dma_wait3A_58 : memref<128x64xf32, #tpu.memory_space<vmem>>) dst(%dma_wait3A_54 : memref<128x64xf32, #tpu.memory_space<vmem_shared>>)
      tpu.yield
    }) : () -> ()
    %add3A_17 = arith.constant 256 : i32
    %add3A_18 = arith.addi %mul3A_11, %add3A_17 : i32
    %run_scoped3A_19 = arith.constant 0 : i32
    "tpu.region"() ({
      %run_scoped3A_36 = tpu.sem_alloc : memref<!tpu.dma_semaphore, #tpu.memory_space<semaphore_mem>>
      %dma_start3A = arith.constant 0 : i32
      %dma_start3A_37 = arith.constant 0 : i32
      %dma_start3A_38 = tpu.memref_slice %arg6[%run_scoped3A_19, %dma_start3A, %dma_start3A_37] : memref<4x128x64xf32, #tpu.memory_space<vmem>> -> memref<1x128x64xf32, #tpu.memory_space<vmem>>
      %dma_start3A_39 = tpu.memref_squeeze %dma_start3A_38 : memref<1x128x64xf32, #tpu.memory_space<vmem>> -> memref<128x64xf32, #tpu.memory_space<vmem>>
      %dma_start3A_40 = arith.constant 0 : i32
      %dma_start3A_41 = tpu.memref_slice %arg9[%add3A_18, %dma_start3A_40] : memref<10112x64xf32, #tpu.memory_space<vmem_shared>> -> memref<128x64xf32, #tpu.memory_space<vmem_shared>>
      %dma_start3A_42 = arith.constant 0 : i32
      %dma_start3A_43 = tpu.memref_slice %arg9[%add3A_18, %dma_start3A_42] : memref<10112x64xf32, #tpu.memory_space<vmem_shared>> -> memref<128x64xf32, #tpu.memory_space<vmem_shared>>
      %dma_start3A_44 = arith.constant 0 : i32
      %dma_start3A_45 = arith.constant 0 : i32
      %dma_start3A_46 = tpu.memref_slice %arg6[%run_scoped3A_19, %dma_start3A_44, %dma_start3A_45] : memref<4x128x64xf32, #tpu.memory_space<vmem>> -> memref<1x128x64xf32, #tpu.memory_space<vmem>>
      %dma_start3A_47 = tpu.memref_squeeze %dma_start3A_46 : memref<1x128x64xf32, #tpu.memory_space<vmem>> -> memref<128x64xf32, #tpu.memory_space<vmem>>
      tpu.enqueue_dma source(%dma_start3A_47 : memref<128x64xf32, #tpu.memory_space<vmem>>) target(%dma_start3A_43 : memref<128x64xf32, #tpu.memory_space<vmem_shared>>) target_semaphore(%run_scoped3A_36 : memref<!tpu.dma_semaphore, #tpu.memory_space<semaphore_mem>>)
      %dma_wait3A = arith.constant 0 : i32
      %dma_wait3A_48 = arith.constant 0 : i32
      %dma_wait3A_49 = tpu.memref_slice %arg6[%run_scoped3A_19, %dma_wait3A, %dma_wait3A_48] : memref<4x128x64xf32, #tpu.memory_space<vmem>> -> memref<1x128x64xf32, #tpu.memory_space<vmem>>
      %dma_wait3A_50 = tpu.memref_squeeze %dma_wait3A_49 : memref<1x128x64xf32, #tpu.memory_space<vmem>> -> memref<128x64xf32, #tpu.memory_space<vmem>>
      %dma_wait3A_51 = arith.constant 0 : i32
      %dma_wait3A_52 = tpu.memref_slice %arg9[%add3A_18, %dma_wait3A_51] : memref<10112x64xf32, #tpu.memory_space<vmem_shared>> -> memref<128x64xf32, #tpu.memory_space<vmem_shared>>
      %dma_wait3A_53 = arith.constant 0 : i32
      %dma_wait3A_54 = tpu.memref_slice %arg9[%add3A_18, %dma_wait3A_53] : memref<10112x64xf32, #tpu.memory_space<vmem_shared>> -> memref<128x64xf32, #tpu.memory_space<vmem_shared>>
      %dma_wait3A_55 = arith.constant 0 : i32
      %dma_wait3A_56 = arith.constant 0 : i32
      %dma_wait3A_57 = tpu.memref_slice %arg6[%run_scoped3A_19, %dma_wait3A_55, %dma_wait3A_56] : memref<4x128x64xf32, #tpu.memory_space<vmem>> -> memref<1x128x64xf32, #tpu.memory_space<vmem>>
      %dma_wait3A_58 = tpu.memref_squeeze %dma_wait3A_57 : memref<1x128x64xf32, #tpu.memory_space<vmem>> -> memref<128x64xf32, #tpu.memory_space<vmem>>
      tpu.wait_dma2 semaphore(%run_scoped3A_36 : memref<!tpu.dma_semaphore, #tpu.memory_space<semaphore_mem>>) src(%dma_wait3A_58 : memref<128x64xf32, #tpu.memory_space<vmem>>) dst(%dma_wait3A_54 : memref<128x64xf32, #tpu.memory_space<vmem_shared>>)
      tpu.yield
    }) : () -> ()
    %add3A_20 = arith.constant 384 : i32
    %add3A_21 = arith.addi %mul3A_11, %add3A_20 : i32
    %run_scoped3A_22 = arith.constant 0 : i32
    "tpu.region"() ({
      %run_scoped3A_36 = tpu.sem_alloc : memref<!tpu.dma_semaphore, #tpu.memory_space<semaphore_mem>>
      %dma_start3A = arith.constant 0 : i32
      %dma_start3A_37 = arith.constant 0 : i32
      %dma_start3A_38 = tpu.memref_slice %arg6[%run_scoped3A_22, %dma_start3A, %dma_start3A_37] : memref<4x128x64xf32, #tpu.memory_space<vmem>> -> memref<1x128x64xf32, #tpu.memory_space<vmem>>
      %dma_start3A_39 = tpu.memref_squeeze %dma_start3A_38 : memref<1x128x64xf32, #tpu.memory_space<vmem>> -> memref<128x64xf32, #tpu.memory_space<vmem>>
      %dma_start3A_40 = arith.constant 0 : i32
      %dma_start3A_41 = tpu.memref_slice %arg9[%add3A_21, %dma_start3A_40] : memref<10112x64xf32, #tpu.memory_space<vmem_shared>> -> memref<128x64xf32, #tpu.memory_space<vmem_shared>>
      %dma_start3A_42 = arith.constant 0 : i32
      %dma_start3A_43 = tpu.memref_slice %arg9[%add3A_21, %dma_start3A_42] : memref<10112x64xf32, #tpu.memory_space<vmem_shared>> -> memref<128x64xf32, #tpu.memory_space<vmem_shared>>
      %dma_start3A_44 = arith.constant 0 : i32
      %dma_start3A_45 = arith.constant 0 : i32
      %dma_start3A_46 = tpu.memref_slice %arg6[%run_scoped3A_22, %dma_start3A_44, %dma_start3A_45] : memref<4x128x64xf32, #tpu.memory_space<vmem>> -> memref<1x128x64xf32, #tpu.memory_space<vmem>>
      %dma_start3A_47 = tpu.memref_squeeze %dma_start3A_46 : memref<1x128x64xf32, #tpu.memory_space<vmem>> -> memref<128x64xf32, #tpu.memory_space<vmem>>
      tpu.enqueue_dma source(%dma_start3A_47 : memref<128x64xf32, #tpu.memory_space<vmem>>) target(%dma_start3A_43 : memref<128x64xf32, #tpu.memory_space<vmem_shared>>) target_semaphore(%run_scoped3A_36 : memref<!tpu.dma_semaphore, #tpu.memory_space<semaphore_mem>>)
      %dma_wait3A = arith.constant 0 : i32
      %dma_wait3A_48 = arith.constant 0 : i32
      %dma_wait3A_49 = tpu.memref_slice %arg6[%run_scoped3A_22, %dma_wait3A, %dma_wait3A_48] : memref<4x128x64xf32, #tpu.memory_space<vmem>> -> memref<1x128x64xf32, #tpu.memory_space<vmem>>
      %dma_wait3A_50 = tpu.memref_squeeze %dma_wait3A_49 : memref<1x128x64xf32, #tpu.memory_space<vmem>> -> memref<128x64xf32, #tpu.memory_space<vmem>>
      %dma_wait3A_51 = arith.constant 0 : i32
      %dma_wait3A_52 = tpu.memref_slice %arg9[%add3A_21, %dma_wait3A_51] : memref<10112x64xf32, #tpu.memory_space<vmem_shared>> -> memref<128x64xf32, #tpu.memory_space<vmem_shared>>
      %dma_wait3A_53 = arith.constant 0 : i32
      %dma_wait3A_54 = tpu.memref_slice %arg9[%add3A_21, %dma_wait3A_53] : memref<10112x64xf32, #tpu.memory_space<vmem_shared>> -> memref<128x64xf32, #tpu.memory_space<vmem_shared>>
      %dma_wait3A_55 = arith.constant 0 : i32
      %dma_wait3A_56 = arith.constant 0 : i32
      %dma_wait3A_57 = tpu.memref_slice %arg6[%run_scoped3A_22, %dma_wait3A_55, %dma_wait3A_56] : memref<4x128x64xf32, #tpu.memory_space<vmem>> -> memref<1x128x64xf32, #tpu.memory_space<vmem>>
      %dma_wait3A_58 = tpu.memref_squeeze %dma_wait3A_57 : memref<1x128x64xf32, #tpu.memory_space<vmem>> -> memref<128x64xf32, #tpu.memory_space<vmem>>
      tpu.wait_dma2 semaphore(%run_scoped3A_36 : memref<!tpu.dma_semaphore, #tpu.memory_space<semaphore_mem>>) src(%dma_wait3A_58 : memref<128x64xf32, #tpu.memory_space<vmem>>) dst(%dma_wait3A_54 : memref<128x64xf32, #tpu.memory_space<vmem_shared>>)
      tpu.yield
    }) : () -> ()
    %add3A_23 = arith.constant 512 : i32
    %add3A_24 = arith.addi %mul3A_11, %add3A_23 : i32
    %run_scoped3A_25 = arith.constant 0 : i32
    "tpu.region"() ({
      %run_scoped3A_36 = tpu.sem_alloc : memref<!tpu.dma_semaphore, #tpu.memory_space<semaphore_mem>>
      %dma_start3A = arith.constant 0 : i32
      %dma_start3A_37 = arith.constant 0 : i32
      %dma_start3A_38 = tpu.memref_slice %arg6[%run_scoped3A_25, %dma_start3A, %dma_start3A_37] : memref<4x128x64xf32, #tpu.memory_space<vmem>> -> memref<1x128x64xf32, #tpu.memory_space<vmem>>
      %dma_start3A_39 = tpu.memref_squeeze %dma_start3A_38 : memref<1x128x64xf32, #tpu.memory_space<vmem>> -> memref<128x64xf32, #tpu.memory_space<vmem>>
      %dma_start3A_40 = arith.constant 0 : i32
      %dma_start3A_41 = arith.constant 0 : i32
      %dma_start3A_42 = tpu.memref_slice %dma_start3A_39[%dma_start3A_40, %dma_start3A_41] : memref<128x64xf32, #tpu.memory_space<vmem>> -> memref<120x64xf32, #tpu.memory_space<vmem>>
      %dma_start3A_43 = arith.constant 0 : i32
      %dma_start3A_44 = tpu.memref_slice %arg9[%add3A_24, %dma_start3A_43] : memref<10112x64xf32, #tpu.memory_space<vmem_shared>> -> memref<120x64xf32, #tpu.memory_space<vmem_shared>>
      %dma_start3A_45 = arith.constant 0 : i32
      %dma_start3A_46 = tpu.memref_slice %arg9[%add3A_24, %dma_start3A_45] : memref<10112x64xf32, #tpu.memory_space<vmem_shared>> -> memref<120x64xf32, #tpu.memory_space<vmem_shared>>
      %dma_start3A_47 = arith.constant 0 : i32
      %dma_start3A_48 = arith.constant 0 : i32
      %dma_start3A_49 = tpu.memref_slice %arg6[%run_scoped3A_25, %dma_start3A_47, %dma_start3A_48] : memref<4x128x64xf32, #tpu.memory_space<vmem>> -> memref<1x128x64xf32, #tpu.memory_space<vmem>>
      %dma_start3A_50 = tpu.memref_squeeze %dma_start3A_49 : memref<1x128x64xf32, #tpu.memory_space<vmem>> -> memref<128x64xf32, #tpu.memory_space<vmem>>
      %dma_start3A_51 = arith.constant 0 : i32
      %dma_start3A_52 = arith.constant 0 : i32
      %dma_start3A_53 = tpu.memref_slice %dma_start3A_50[%dma_start3A_51, %dma_start3A_52] : memref<128x64xf32, #tpu.memory_space<vmem>> -> memref<120x64xf32, #tpu.memory_space<vmem>>
      tpu.enqueue_dma source(%dma_start3A_53 : memref<120x64xf32, #tpu.memory_space<vmem>>) target(%dma_start3A_46 : memref<120x64xf32, #tpu.memory_space<vmem_shared>>) target_semaphore(%run_scoped3A_36 : memref<!tpu.dma_semaphore, #tpu.memory_space<semaphore_mem>>)
      %dma_wait3A = arith.constant 0 : i32
      %dma_wait3A_54 = arith.constant 0 : i32
      %dma_wait3A_55 = tpu.memref_slice %arg6[%run_scoped3A_25, %dma_wait3A, %dma_wait3A_54] : memref<4x128x64xf32, #tpu.memory_space<vmem>> -> memref<1x128x64xf32, #tpu.memory_space<vmem>>
      %dma_wait3A_56 = tpu.memref_squeeze %dma_wait3A_55 : memref<1x128x64xf32, #tpu.memory_space<vmem>> -> memref<128x64xf32, #tpu.memory_space<vmem>>
      %dma_wait3A_57 = arith.constant 0 : i32
      %dma_wait3A_58 = arith.constant 0 : i32
      %dma_wait3A_59 = tpu.memref_slice %dma_wait3A_56[%dma_wait3A_57, %dma_wait3A_58] : memref<128x64xf32, #tpu.memory_space<vmem>> -> memref<120x64xf32, #tpu.memory_space<vmem>>
      %dma_wait3A_60 = arith.constant 0 : i32
      %dma_wait3A_61 = tpu.memref_slice %arg9[%add3A_24, %dma_wait3A_60] : memref<10112x64xf32, #tpu.memory_space<vmem_shared>> -> memref<120x64xf32, #tpu.memory_space<vmem_shared>>
      %dma_wait3A_62 = arith.constant 0 : i32
      %dma_wait3A_63 = tpu.memref_slice %arg9[%add3A_24, %dma_wait3A_62] : memref<10112x64xf32, #tpu.memory_space<vmem_shared>> -> memref<120x64xf32, #tpu.memory_space<vmem_shared>>
      %dma_wait3A_64 = arith.constant 0 : i32
      %dma_wait3A_65 = arith.constant 0 : i32
      %dma_wait3A_66 = tpu.memref_slice %arg6[%run_scoped3A_25, %dma_wait3A_64, %dma_wait3A_65] : memref<4x128x64xf32, #tpu.memory_space<vmem>> -> memref<1x128x64xf32, #tpu.memory_space<vmem>>
      %dma_wait3A_67 = tpu.memref_squeeze %dma_wait3A_66 : memref<1x128x64xf32, #tpu.memory_space<vmem>> -> memref<128x64xf32, #tpu.memory_space<vmem>>
      %dma_wait3A_68 = arith.constant 0 : i32
      %dma_wait3A_69 = arith.constant 0 : i32
      %dma_wait3A_70 = tpu.memref_slice %dma_wait3A_67[%dma_wait3A_68, %dma_wait3A_69] : memref<128x64xf32, #tpu.memory_space<vmem>> -> memref<120x64xf32, #tpu.memory_space<vmem>>
      tpu.wait_dma2 semaphore(%run_scoped3A_36 : memref<!tpu.dma_semaphore, #tpu.memory_space<semaphore_mem>>) src(%dma_wait3A_70 : memref<120x64xf32, #tpu.memory_space<vmem>>) dst(%dma_wait3A_63 : memref<120x64xf32, #tpu.memory_space<vmem_shared>>)
      tpu.yield
    }) : () -> ()
    %barrier3A = arith.constant 0 : index
    tpu.barrier barrier_id(%barrier3A)
    %scan3A_26 = arith.constant 0 : i32
    %scan3A_27 = arith.constant 21 : i32
    %scan3A_28 = arith.addi %scan3A_26, %scan3A_27 : i32
    %scan3A_29 = arith.constant 1 : i32
    scf.for %scan3A_36 = %scan3A_26 to %scan3A_28 step %scan3A_29  : i32 {
      %mul3A_37 = arith.constant 4 : i32
      %mul3A_38 = arith.muli %scan3A_36, %mul3A_37 : i32
      %add3A_39 = arith.constant 0 : i32
      %add3A_40 = arith.addi %mul3A_38, %add3A_39 : i32
      %ge3A = arith.constant 4 : i32
      %ge3A_41 = arith.cmpi sge, %add3A_40, %ge3A : i32
      %le3A = arith.constant 83 : i32
      %le3A_42 = arith.cmpi sle, %add3A_40, %le3A : i32
      %and3A = arith.andi %ge3A_41, %le3A_42 : i1
      %convert_element_type3A = arith.extui %and3A : i1 to i32
      %cond3A = arith.constant 0 : i32
      %cond3A_43 = arith.cmpi ne, %convert_element_type3A, %cond3A : i32
      scf.if %cond3A_43 {
        %dma_wait3A = arith.constant 0 : i32
        %dma_wait3A_131 = arith.constant 0 : i32
        %dma_wait3A_132 = arith.constant 0 : i32
        %dma_wait3A_133 = arith.constant 0 : i32
        %dma_wait3A_134 = tpu.memref_slice %arg6[%dma_wait3A, %dma_wait3A_132, %dma_wait3A_133] : memref<4x128x64xf32, #tpu.memory_space<vmem>> -> memref<1x128x64xf32, #tpu.memory_space<vmem>>
        %dma_wait3A_135 = tpu.memref_squeeze %dma_wait3A_134 : memref<1x128x64xf32, #tpu.memory_space<vmem>> -> memref<128x64xf32, #tpu.memory_space<vmem>>
        %dma_wait3A_136 = arith.constant 0 : i32
        %dma_wait3A_137 = tpu.memref_slice %arg8[%dma_wait3A_131, %dma_wait3A_136] : memref<80x128xi32, #tpu.memory_space<vmem>> -> memref<1x128xi32, #tpu.memory_space<vmem>>
        %dma_wait3A_138 = tpu.memref_squeeze %dma_wait3A_137 : memref<1x128xi32, #tpu.memory_space<vmem>> -> memref<128xi32, #tpu.memory_space<vmem>>
        %dma_wait3A_139 = arith.constant 0 : i32
        %dma_wait3A_140 = arith.constant 0 : i32
        %dma_wait3A_141 = tpu.memref_slice %arg9[%dma_wait3A_139, %dma_wait3A_140] : memref<10112x64xf32, #tpu.memory_space<vmem_shared>> -> memref<10112x64xf32, #tpu.memory_space<vmem_shared>>
        tpu.wait_indirect_dma semaphore(%arg14 : memref<!tpu.dma_semaphore, #tpu.memory_space<semaphore_mem>>) src(%dma_wait3A_135 : memref<128x64xf32, #tpu.memory_space<vmem>>) dst(%dma_wait3A_141 : memref<10112x64xf32, #tpu.memory_space<vmem_shared>>)
      } else {
      }
      %lt3A = arith.constant 80 : i32
      %lt3A_44 = arith.cmpi slt, %add3A_40, %lt3A : i32
      %convert_element_type3A_45 = arith.extui %lt3A_44 : i1 to i32
      %cond3A_46 = arith.constant 0 : i32
      %cond3A_47 = arith.cmpi ne, %convert_element_type3A_45, %cond3A_46 : i32
      scf.if %cond3A_47 {
        %dma_start3A = arith.constant 0 : i32
        %dma_start3A_131 = arith.constant 0 : i32
        %dma_start3A_132 = arith.constant 0 : i32
        %dma_start3A_133 = tpu.memref_slice %arg6[%dma_start3A, %dma_start3A_131, %dma_start3A_132] : memref<4x128x64xf32, #tpu.memory_space<vmem>> -> memref<1x128x64xf32, #tpu.memory_space<vmem>>
        %dma_start3A_134 = tpu.memref_squeeze %dma_start3A_133 : memref<1x128x64xf32, #tpu.memory_space<vmem>> -> memref<128x64xf32, #tpu.memory_space<vmem>>
        %dma_start3A_135 = arith.constant 0 : i32
        %dma_start3A_136 = tpu.memref_slice %arg7[%add3A_40, %dma_start3A_135] : memref<80x128xi32, #tpu.memory_space<vmem>> -> memref<1x128xi32, #tpu.memory_space<vmem>>
        %dma_start3A_137 = tpu.memref_squeeze %dma_start3A_136 : memref<1x128xi32, #tpu.memory_space<vmem>> -> memref<128xi32, #tpu.memory_space<vmem>>
        %dma_start3A_138 = arith.constant 0 : i32
        %dma_start3A_139 = arith.constant 0 : i32
        %dma_start3A_140 = tpu.memref_slice %arg2[%dma_start3A_138, %dma_start3A_139] : memref<10000x64xf32, #tpu.memory_space<hbm>> -> memref<10000x64xf32, #tpu.memory_space<hbm>>
        tpu.enqueue_indirect_dma source(%dma_start3A_140 : memref<10000x64xf32, #tpu.memory_space<hbm>>) target(%dma_start3A_134 : memref<128x64xf32, #tpu.memory_space<vmem>>) offsets(%dma_start3A_137 : memref<128xi32, #tpu.memory_space<vmem>>) semaphore(%arg10 : memref<!tpu.dma_semaphore, #tpu.memory_space<semaphore_mem>>)
      } else {
      }
      %ge3A_48 = arith.constant 2 : i32
      %ge3A_49 = arith.cmpi sge, %add3A_40, %ge3A_48 : i32
      %le3A_50 = arith.constant 81 : i32
      %le3A_51 = arith.cmpi sle, %add3A_40, %le3A_50 : i32
      %and3A_52 = arith.andi %ge3A_49, %le3A_51 : i1
      %convert_element_type3A_53 = arith.extui %and3A_52 : i1 to i32
      %cond3A_54 = arith.constant 0 : i32
      %cond3A_55 = arith.cmpi ne, %convert_element_type3A_53, %cond3A_54 : i32
      scf.if %cond3A_55 {
        %dma_wait3A = arith.constant 0 : i32
        %dma_wait3A_131 = arith.constant 2 : i32
        %dma_wait3A_132 = arith.constant 0 : i32
        %dma_wait3A_133 = arith.constant 0 : i32
        %dma_wait3A_134 = tpu.memref_slice %arg6[%dma_wait3A_131, %dma_wait3A_132, %dma_wait3A_133] : memref<4x128x64xf32, #tpu.memory_space<vmem>> -> memref<1x128x64xf32, #tpu.memory_space<vmem>>
        %dma_wait3A_135 = tpu.memref_squeeze %dma_wait3A_134 : memref<1x128x64xf32, #tpu.memory_space<vmem>> -> memref<128x64xf32, #tpu.memory_space<vmem>>
        %dma_wait3A_136 = arith.constant 0 : i32
        %dma_wait3A_137 = tpu.memref_slice %arg7[%dma_wait3A, %dma_wait3A_136] : memref<80x128xi32, #tpu.memory_space<vmem>> -> memref<1x128xi32, #tpu.memory_space<vmem>>
        %dma_wait3A_138 = tpu.memref_squeeze %dma_wait3A_137 : memref<1x128xi32, #tpu.memory_space<vmem>> -> memref<128xi32, #tpu.memory_space<vmem>>
        %dma_wait3A_139 = arith.constant 0 : i32
        %dma_wait3A_140 = arith.constant 0 : i32
        %dma_wait3A_141 = tpu.memref_slice %arg2[%dma_wait3A_139, %dma_wait3A_140] : memref<10000x64xf32, #tpu.memory_space<hbm>> -> memref<10000x64xf32, #tpu.memory_space<hbm>>
        tpu.wait_indirect_dma semaphore(%arg12 : memref<!tpu.dma_semaphore, #tpu.memory_space<semaphore_mem>>) src(%dma_wait3A_141 : memref<10000x64xf32, #tpu.memory_space<hbm>>) dst(%dma_wait3A_135 : memref<128x64xf32, #tpu.memory_space<vmem>>)
        %sub3A = arith.constant 2 : i32
        %sub3A_142 = arith.subi %add3A_40, %sub3A : i32
        %dma_start3A = arith.constant 2 : i32
        %dma_start3A_143 = arith.constant 0 : i32
        %dma_start3A_144 = arith.constant 0 : i32
        %dma_start3A_145 = tpu.memref_slice %arg6[%dma_start3A, %dma_start3A_143, %dma_start3A_144] : memref<4x128x64xf32, #tpu.memory_space<vmem>> -> memref<1x128x64xf32, #tpu.memory_space<vmem>>
        %dma_start3A_146 = tpu.memref_squeeze %dma_start3A_145 : memref<1x128x64xf32, #tpu.memory_space<vmem>> -> memref<128x64xf32, #tpu.memory_space<vmem>>
        %dma_start3A_147 = arith.constant 0 : i32
        %dma_start3A_148 = tpu.memref_slice %arg8[%sub3A_142, %dma_start3A_147] : memref<80x128xi32, #tpu.memory_space<vmem>> -> memref<1x128xi32, #tpu.memory_space<vmem>>
        %dma_start3A_149 = tpu.memref_squeeze %dma_start3A_148 : memref<1x128xi32, #tpu.memory_space<vmem>> -> memref<128xi32, #tpu.memory_space<vmem>>
        %dma_start3A_150 = arith.constant 0 : i32
        %dma_start3A_151 = arith.constant 0 : i32
        %dma_start3A_152 = tpu.memref_slice %arg9[%dma_start3A_150, %dma_start3A_151] : memref<10112x64xf32, #tpu.memory_space<vmem_shared>> -> memref<10112x64xf32, #tpu.memory_space<vmem_shared>>
        tpu.enqueue_indirect_dma source(%dma_start3A_146 : memref<128x64xf32, #tpu.memory_space<vmem>>) target(%dma_start3A_152 : memref<10112x64xf32, #tpu.memory_space<vmem_shared>>) offsets(%dma_start3A_149 : memref<128xi32, #tpu.memory_space<vmem>>) semaphore(%arg16 : memref<!tpu.dma_semaphore, #tpu.memory_space<semaphore_mem>>) {add = true}
      } else {
      }
      %mul3A_56 = arith.constant 4 : i32
      %mul3A_57 = arith.muli %scan3A_36, %mul3A_56 : i32
      %add3A_58 = arith.constant 1 : i32
      %add3A_59 = arith.addi %mul3A_57, %add3A_58 : i32
      %ge3A_60 = arith.constant 4 : i32
      %ge3A_61 = arith.cmpi sge, %add3A_59, %ge3A_60 : i32
      %le3A_62 = arith.constant 83 : i32
      %le3A_63 = arith.cmpi sle, %add3A_59, %le3A_62 : i32
      %and3A_64 = arith.andi %ge3A_61, %le3A_63 : i1
      %convert_element_type3A_65 = arith.extui %and3A_64 : i1 to i32
      %cond3A_66 = arith.constant 0 : i32
      %cond3A_67 = arith.cmpi ne, %convert_element_type3A_65, %cond3A_66 : i32
      scf.if %cond3A_67 {
        %dma_wait3A = arith.constant 1 : i32
        %dma_wait3A_131 = arith.constant 0 : i32
        %dma_wait3A_132 = arith.constant 0 : i32
        %dma_wait3A_133 = arith.constant 0 : i32
        %dma_wait3A_134 = tpu.memref_slice %arg6[%dma_wait3A, %dma_wait3A_132, %dma_wait3A_133] : memref<4x128x64xf32, #tpu.memory_space<vmem>> -> memref<1x128x64xf32, #tpu.memory_space<vmem>>
        %dma_wait3A_135 = tpu.memref_squeeze %dma_wait3A_134 : memref<1x128x64xf32, #tpu.memory_space<vmem>> -> memref<128x64xf32, #tpu.memory_space<vmem>>
        %dma_wait3A_136 = arith.constant 0 : i32
        %dma_wait3A_137 = tpu.memref_slice %arg8[%dma_wait3A_131, %dma_wait3A_136] : memref<80x128xi32, #tpu.memory_space<vmem>> -> memref<1x128xi32, #tpu.memory_space<vmem>>
        %dma_wait3A_138 = tpu.memref_squeeze %dma_wait3A_137 : memref<1x128xi32, #tpu.memory_space<vmem>> -> memref<128xi32, #tpu.memory_space<vmem>>
        %dma_wait3A_139 = arith.constant 0 : i32
        %dma_wait3A_140 = arith.constant 0 : i32
        %dma_wait3A_141 = tpu.memref_slice %arg9[%dma_wait3A_139, %dma_wait3A_140] : memref<10112x64xf32, #tpu.memory_space<vmem_shared>> -> memref<10112x64xf32, #tpu.memory_space<vmem_shared>>
        tpu.wait_indirect_dma semaphore(%arg15 : memref<!tpu.dma_semaphore, #tpu.memory_space<semaphore_mem>>) src(%dma_wait3A_135 : memref<128x64xf32, #tpu.memory_space<vmem>>) dst(%dma_wait3A_141 : memref<10112x64xf32, #tpu.memory_space<vmem_shared>>)
      } else {
      }
      %lt3A_68 = arith.constant 80 : i32
      %lt3A_69 = arith.cmpi slt, %add3A_59, %lt3A_68 : i32
      %convert_element_type3A_70 = arith.extui %lt3A_69 : i1 to i32
      %cond3A_71 = arith.constant 0 : i32
      %cond3A_72 = arith.cmpi ne, %convert_element_type3A_70, %cond3A_71 : i32
      scf.if %cond3A_72 {
        %dma_start3A = arith.constant 1 : i32
        %dma_start3A_131 = arith.constant 0 : i32
        %dma_start3A_132 = arith.constant 0 : i32
        %dma_start3A_133 = tpu.memref_slice %arg6[%dma_start3A, %dma_start3A_131, %dma_start3A_132] : memref<4x128x64xf32, #tpu.memory_space<vmem>> -> memref<1x128x64xf32, #tpu.memory_space<vmem>>
        %dma_start3A_134 = tpu.memref_squeeze %dma_start3A_133 : memref<1x128x64xf32, #tpu.memory_space<vmem>> -> memref<128x64xf32, #tpu.memory_space<vmem>>
        %dma_start3A_135 = arith.constant 0 : i32
        %dma_start3A_136 = tpu.memref_slice %arg7[%add3A_59, %dma_start3A_135] : memref<80x128xi32, #tpu.memory_space<vmem>> -> memref<1x128xi32, #tpu.memory_space<vmem>>
        %dma_start3A_137 = tpu.memref_squeeze %dma_start3A_136 : memref<1x128xi32, #tpu.memory_space<vmem>> -> memref<128xi32, #tpu.memory_space<vmem>>
        %dma_start3A_138 = arith.constant 0 : i32
        %dma_start3A_139 = arith.constant 0 : i32
        %dma_start3A_140 = tpu.memref_slice %arg2[%dma_start3A_138, %dma_start3A_139] : memref<10000x64xf32, #tpu.memory_space<hbm>> -> memref<10000x64xf32, #tpu.memory_space<hbm>>
        tpu.enqueue_indirect_dma source(%dma_start3A_140 : memref<10000x64xf32, #tpu.memory_space<hbm>>) target(%dma_start3A_134 : memref<128x64xf32, #tpu.memory_space<vmem>>) offsets(%dma_start3A_137 : memref<128xi32, #tpu.memory_space<vmem>>) semaphore(%arg11 : memref<!tpu.dma_semaphore, #tpu.memory_space<semaphore_mem>>)
      } else {
      }
      %ge3A_73 = arith.constant 2 : i32
      %ge3A_74 = arith.cmpi sge, %add3A_59, %ge3A_73 : i32
      %le3A_75 = arith.constant 81 : i32
      %le3A_76 = arith.cmpi sle, %add3A_59, %le3A_75 : i32
      %and3A_77 = arith.andi %ge3A_74, %le3A_76 : i1
      %convert_element_type3A_78 = arith.extui %and3A_77 : i1 to i32
      %cond3A_79 = arith.constant 0 : i32
      %cond3A_80 = arith.cmpi ne, %convert_element_type3A_78, %cond3A_79 : i32
      scf.if %cond3A_80 {
        %dma_wait3A = arith.constant 0 : i32
        %dma_wait3A_131 = arith.constant 3 : i32
        %dma_wait3A_132 = arith.constant 0 : i32
        %dma_wait3A_133 = arith.constant 0 : i32
        %dma_wait3A_134 = tpu.memref_slice %arg6[%dma_wait3A_131, %dma_wait3A_132, %dma_wait3A_133] : memref<4x128x64xf32, #tpu.memory_space<vmem>> -> memref<1x128x64xf32, #tpu.memory_space<vmem>>
        %dma_wait3A_135 = tpu.memref_squeeze %dma_wait3A_134 : memref<1x128x64xf32, #tpu.memory_space<vmem>> -> memref<128x64xf32, #tpu.memory_space<vmem>>
        %dma_wait3A_136 = arith.constant 0 : i32
        %dma_wait3A_137 = tpu.memref_slice %arg7[%dma_wait3A, %dma_wait3A_136] : memref<80x128xi32, #tpu.memory_space<vmem>> -> memref<1x128xi32, #tpu.memory_space<vmem>>
        %dma_wait3A_138 = tpu.memref_squeeze %dma_wait3A_137 : memref<1x128xi32, #tpu.memory_space<vmem>> -> memref<128xi32, #tpu.memory_space<vmem>>
        %dma_wait3A_139 = arith.constant 0 : i32
        %dma_wait3A_140 = arith.constant 0 : i32
        %dma_wait3A_141 = tpu.memref_slice %arg2[%dma_wait3A_139, %dma_wait3A_140] : memref<10000x64xf32, #tpu.memory_space<hbm>> -> memref<10000x64xf32, #tpu.memory_space<hbm>>
        tpu.wait_indirect_dma semaphore(%arg13 : memref<!tpu.dma_semaphore, #tpu.memory_space<semaphore_mem>>) src(%dma_wait3A_141 : memref<10000x64xf32, #tpu.memory_space<hbm>>) dst(%dma_wait3A_135 : memref<128x64xf32, #tpu.memory_space<vmem>>)
        %sub3A = arith.constant 2 : i32
        %sub3A_142 = arith.subi %add3A_59, %sub3A : i32
        %dma_start3A = arith.constant 3 : i32
        %dma_start3A_143 = arith.constant 0 : i32
        %dma_start3A_144 = arith.constant 0 : i32
        %dma_start3A_145 = tpu.memref_slice %arg6[%dma_start3A, %dma_start3A_143, %dma_start3A_144] : memref<4x128x64xf32, #tpu.memory_space<vmem>> -> memref<1x128x64xf32, #tpu.memory_space<vmem>>
        %dma_start3A_146 = tpu.memref_squeeze %dma_start3A_145 : memref<1x128x64xf32, #tpu.memory_space<vmem>> -> memref<128x64xf32, #tpu.memory_space<vmem>>
        %dma_start3A_147 = arith.constant 0 : i32
        %dma_start3A_148 = tpu.memref_slice %arg8[%sub3A_142, %dma_start3A_147] : memref<80x128xi32, #tpu.memory_space<vmem>> -> memref<1x128xi32, #tpu.memory_space<vmem>>
        %dma_start3A_149 = tpu.memref_squeeze %dma_start3A_148 : memref<1x128xi32, #tpu.memory_space<vmem>> -> memref<128xi32, #tpu.memory_space<vmem>>
        %dma_start3A_150 = arith.constant 0 : i32
        %dma_start3A_151 = arith.constant 0 : i32
        %dma_start3A_152 = tpu.memref_slice %arg9[%dma_start3A_150, %dma_start3A_151] : memref<10112x64xf32, #tpu.memory_space<vmem_shared>> -> memref<10112x64xf32, #tpu.memory_space<vmem_shared>>
        tpu.enqueue_indirect_dma source(%dma_start3A_146 : memref<128x64xf32, #tpu.memory_space<vmem>>) target(%dma_start3A_152 : memref<10112x64xf32, #tpu.memory_space<vmem_shared>>) offsets(%dma_start3A_149 : memref<128xi32, #tpu.memory_space<vmem>>) semaphore(%arg17 : memref<!tpu.dma_semaphore, #tpu.memory_space<semaphore_mem>>) {add = true}
      } else {
      }
      %mul3A_81 = arith.constant 4 : i32
      %mul3A_82 = arith.muli %scan3A_36, %mul3A_81 : i32
      %add3A_83 = arith.constant 2 : i32
      %add3A_84 = arith.addi %mul3A_82, %add3A_83 : i32
      %ge3A_85 = arith.constant 4 : i32
      %ge3A_86 = arith.cmpi sge, %add3A_84, %ge3A_85 : i32
      %le3A_87 = arith.constant 83 : i32
      %le3A_88 = arith.cmpi sle, %add3A_84, %le3A_87 : i32
      %and3A_89 = arith.andi %ge3A_86, %le3A_88 : i1
      %convert_element_type3A_90 = arith.extui %and3A_89 : i1 to i32
      %cond3A_91 = arith.constant 0 : i32
      %cond3A_92 = arith.cmpi ne, %convert_element_type3A_90, %cond3A_91 : i32
      scf.if %cond3A_92 {
        %dma_wait3A = arith.constant 2 : i32
        %dma_wait3A_131 = arith.constant 0 : i32
        %dma_wait3A_132 = arith.constant 0 : i32
        %dma_wait3A_133 = arith.constant 0 : i32
        %dma_wait3A_134 = tpu.memref_slice %arg6[%dma_wait3A, %dma_wait3A_132, %dma_wait3A_133] : memref<4x128x64xf32, #tpu.memory_space<vmem>> -> memref<1x128x64xf32, #tpu.memory_space<vmem>>
        %dma_wait3A_135 = tpu.memref_squeeze %dma_wait3A_134 : memref<1x128x64xf32, #tpu.memory_space<vmem>> -> memref<128x64xf32, #tpu.memory_space<vmem>>
        %dma_wait3A_136 = arith.constant 0 : i32
        %dma_wait3A_137 = tpu.memref_slice %arg8[%dma_wait3A_131, %dma_wait3A_136] : memref<80x128xi32, #tpu.memory_space<vmem>> -> memref<1x128xi32, #tpu.memory_space<vmem>>
        %dma_wait3A_138 = tpu.memref_squeeze %dma_wait3A_137 : memref<1x128xi32, #tpu.memory_space<vmem>> -> memref<128xi32, #tpu.memory_space<vmem>>
        %dma_wait3A_139 = arith.constant 0 : i32
        %dma_wait3A_140 = arith.constant 0 : i32
        %dma_wait3A_141 = tpu.memref_slice %arg9[%dma_wait3A_139, %dma_wait3A_140] : memref<10112x64xf32, #tpu.memory_space<vmem_shared>> -> memref<10112x64xf32, #tpu.memory_space<vmem_shared>>
        tpu.wait_indirect_dma semaphore(%arg16 : memref<!tpu.dma_semaphore, #tpu.memory_space<semaphore_mem>>) src(%dma_wait3A_135 : memref<128x64xf32, #tpu.memory_space<vmem>>) dst(%dma_wait3A_141 : memref<10112x64xf32, #tpu.memory_space<vmem_shared>>)
      } else {
      }
      %lt3A_93 = arith.constant 80 : i32
      %lt3A_94 = arith.cmpi slt, %add3A_84, %lt3A_93 : i32
      %convert_element_type3A_95 = arith.extui %lt3A_94 : i1 to i32
      %cond3A_96 = arith.constant 0 : i32
      %cond3A_97 = arith.cmpi ne, %convert_element_type3A_95, %cond3A_96 : i32
      scf.if %cond3A_97 {
        %dma_start3A = arith.constant 2 : i32
        %dma_start3A_131 = arith.constant 0 : i32
        %dma_start3A_132 = arith.constant 0 : i32
        %dma_start3A_133 = tpu.memref_slice %arg6[%dma_start3A, %dma_start3A_131, %dma_start3A_132] : memref<4x128x64xf32, #tpu.memory_space<vmem>> -> memref<1x128x64xf32, #tpu.memory_space<vmem>>
        %dma_start3A_134 = tpu.memref_squeeze %dma_start3A_133 : memref<1x128x64xf32, #tpu.memory_space<vmem>> -> memref<128x64xf32, #tpu.memory_space<vmem>>
        %dma_start3A_135 = arith.constant 0 : i32
        %dma_start3A_136 = tpu.memref_slice %arg7[%add3A_84, %dma_start3A_135] : memref<80x128xi32, #tpu.memory_space<vmem>> -> memref<1x128xi32, #tpu.memory_space<vmem>>
        %dma_start3A_137 = tpu.memref_squeeze %dma_start3A_136 : memref<1x128xi32, #tpu.memory_space<vmem>> -> memref<128xi32, #tpu.memory_space<vmem>>
        %dma_start3A_138 = arith.constant 0 : i32
        %dma_start3A_139 = arith.constant 0 : i32
        %dma_start3A_140 = tpu.memref_slice %arg2[%dma_start3A_138, %dma_start3A_139] : memref<10000x64xf32, #tpu.memory_space<hbm>> -> memref<10000x64xf32, #tpu.memory_space<hbm>>
        tpu.enqueue_indirect_dma source(%dma_start3A_140 : memref<10000x64xf32, #tpu.memory_space<hbm>>) target(%dma_start3A_134 : memref<128x64xf32, #tpu.memory_space<vmem>>) offsets(%dma_start3A_137 : memref<128xi32, #tpu.memory_space<vmem>>) semaphore(%arg12 : memref<!tpu.dma_semaphore, #tpu.memory_space<semaphore_mem>>)
      } else {
      }
      %ge3A_98 = arith.constant 2 : i32
      %ge3A_99 = arith.cmpi sge, %add3A_84, %ge3A_98 : i32
      %le3A_100 = arith.constant 81 : i32
      %le3A_101 = arith.cmpi sle, %add3A_84, %le3A_100 : i32
      %and3A_102 = arith.andi %ge3A_99, %le3A_101 : i1
      %convert_element_type3A_103 = arith.extui %and3A_102 : i1 to i32
      %cond3A_104 = arith.constant 0 : i32
      %cond3A_105 = arith.cmpi ne, %convert_element_type3A_103, %cond3A_104 : i32
      scf.if %cond3A_105 {
        %dma_wait3A = arith.constant 0 : i32
        %dma_wait3A_131 = arith.constant 0 : i32
        %dma_wait3A_132 = arith.constant 0 : i32
        %dma_wait3A_133 = arith.constant 0 : i32
        %dma_wait3A_134 = tpu.memref_slice %arg6[%dma_wait3A_131, %dma_wait3A_132, %dma_wait3A_133] : memref<4x128x64xf32, #tpu.memory_space<vmem>> -> memref<1x128x64xf32, #tpu.memory_space<vmem>>
        %dma_wait3A_135 = tpu.memref_squeeze %dma_wait3A_134 : memref<1x128x64xf32, #tpu.memory_space<vmem>> -> memref<128x64xf32, #tpu.memory_space<vmem>>
        %dma_wait3A_136 = arith.constant 0 : i32
        %dma_wait3A_137 = tpu.memref_slice %arg7[%dma_wait3A, %dma_wait3A_136] : memref<80x128xi32, #tpu.memory_space<vmem>> -> memref<1x128xi32, #tpu.memory_space<vmem>>
        %dma_wait3A_138 = tpu.memref_squeeze %dma_wait3A_137 : memref<1x128xi32, #tpu.memory_space<vmem>> -> memref<128xi32, #tpu.memory_space<vmem>>
        %dma_wait3A_139 = arith.constant 0 : i32
        %dma_wait3A_140 = arith.constant 0 : i32
        %dma_wait3A_141 = tpu.memref_slice %arg2[%dma_wait3A_139, %dma_wait3A_140] : memref<10000x64xf32, #tpu.memory_space<hbm>> -> memref<10000x64xf32, #tpu.memory_space<hbm>>
        tpu.wait_indirect_dma semaphore(%arg10 : memref<!tpu.dma_semaphore, #tpu.memory_space<semaphore_mem>>) src(%dma_wait3A_141 : memref<10000x64xf32, #tpu.memory_space<hbm>>) dst(%dma_wait3A_135 : memref<128x64xf32, #tpu.memory_space<vmem>>)
        %sub3A = arith.constant 2 : i32
        %sub3A_142 = arith.subi %add3A_84, %sub3A : i32
        %dma_start3A = arith.constant 0 : i32
        %dma_start3A_143 = arith.constant 0 : i32
        %dma_start3A_144 = arith.constant 0 : i32
        %dma_start3A_145 = tpu.memref_slice %arg6[%dma_start3A, %dma_start3A_143, %dma_start3A_144] : memref<4x128x64xf32, #tpu.memory_space<vmem>> -> memref<1x128x64xf32, #tpu.memory_space<vmem>>
        %dma_start3A_146 = tpu.memref_squeeze %dma_start3A_145 : memref<1x128x64xf32, #tpu.memory_space<vmem>> -> memref<128x64xf32, #tpu.memory_space<vmem>>
        %dma_start3A_147 = arith.constant 0 : i32
        %dma_start3A_148 = tpu.memref_slice %arg8[%sub3A_142, %dma_start3A_147] : memref<80x128xi32, #tpu.memory_space<vmem>> -> memref<1x128xi32, #tpu.memory_space<vmem>>
        %dma_start3A_149 = tpu.memref_squeeze %dma_start3A_148 : memref<1x128xi32, #tpu.memory_space<vmem>> -> memref<128xi32, #tpu.memory_space<vmem>>
        %dma_start3A_150 = arith.constant 0 : i32
        %dma_start3A_151 = arith.constant 0 : i32
        %dma_start3A_152 = tpu.memref_slice %arg9[%dma_start3A_150, %dma_start3A_151] : memref<10112x64xf32, #tpu.memory_space<vmem_shared>> -> memref<10112x64xf32, #tpu.memory_space<vmem_shared>>
        tpu.enqueue_indirect_dma source(%dma_start3A_146 : memref<128x64xf32, #tpu.memory_space<vmem>>) target(%dma_start3A_152 : memref<10112x64xf32, #tpu.memory_space<vmem_shared>>) offsets(%dma_start3A_149 : memref<128xi32, #tpu.memory_space<vmem>>) semaphore(%arg14 : memref<!tpu.dma_semaphore, #tpu.memory_space<semaphore_mem>>) {add = true}
      } else {
      }
      %mul3A_106 = arith.constant 4 : i32
      %mul3A_107 = arith.muli %scan3A_36, %mul3A_106 : i32
      %add3A_108 = arith.constant 3 : i32
      %add3A_109 = arith.addi %mul3A_107, %add3A_108 : i32
      %ge3A_110 = arith.constant 4 : i32
      %ge3A_111 = arith.cmpi sge, %add3A_109, %ge3A_110 : i32
      %le3A_112 = arith.constant 83 : i32
      %le3A_113 = arith.cmpi sle, %add3A_109, %le3A_112 : i32
      %and3A_114 = arith.andi %ge3A_111, %le3A_113 : i1
      %convert_element_type3A_115 = arith.extui %and3A_114 : i1 to i32
      %cond3A_116 = arith.constant 0 : i32
      %cond3A_117 = arith.cmpi ne, %convert_element_type3A_115, %cond3A_116 : i32
      scf.if %cond3A_117 {
        %dma_wait3A = arith.constant 3 : i32
        %dma_wait3A_131 = arith.constant 0 : i32
        %dma_wait3A_132 = arith.constant 0 : i32
        %dma_wait3A_133 = arith.constant 0 : i32
        %dma_wait3A_134 = tpu.memref_slice %arg6[%dma_wait3A, %dma_wait3A_132, %dma_wait3A_133] : memref<4x128x64xf32, #tpu.memory_space<vmem>> -> memref<1x128x64xf32, #tpu.memory_space<vmem>>
        %dma_wait3A_135 = tpu.memref_squeeze %dma_wait3A_134 : memref<1x128x64xf32, #tpu.memory_space<vmem>> -> memref<128x64xf32, #tpu.memory_space<vmem>>
        %dma_wait3A_136 = arith.constant 0 : i32
        %dma_wait3A_137 = tpu.memref_slice %arg8[%dma_wait3A_131, %dma_wait3A_136] : memref<80x128xi32, #tpu.memory_space<vmem>> -> memref<1x128xi32, #tpu.memory_space<vmem>>
        %dma_wait3A_138 = tpu.memref_squeeze %dma_wait3A_137 : memref<1x128xi32, #tpu.memory_space<vmem>> -> memref<128xi32, #tpu.memory_space<vmem>>
        %dma_wait3A_139 = arith.constant 0 : i32
        %dma_wait3A_140 = arith.constant 0 : i32
        %dma_wait3A_141 = tpu.memref_slice %arg9[%dma_wait3A_139, %dma_wait3A_140] : memref<10112x64xf32, #tpu.memory_space<vmem_shared>> -> memref<10112x64xf32, #tpu.memory_space<vmem_shared>>
        tpu.wait_indirect_dma semaphore(%arg17 : memref<!tpu.dma_semaphore, #tpu.memory_space<semaphore_mem>>) src(%dma_wait3A_135 : memref<128x64xf32, #tpu.memory_space<vmem>>) dst(%dma_wait3A_141 : memref<10112x64xf32, #tpu.memory_space<vmem_shared>>)
      } else {
      }
      %lt3A_118 = arith.constant 80 : i32
      %lt3A_119 = arith.cmpi slt, %add3A_109, %lt3A_118 : i32
      %convert_element_type3A_120 = arith.extui %lt3A_119 : i1 to i32
      %cond3A_121 = arith.constant 0 : i32
      %cond3A_122 = arith.cmpi ne, %convert_element_type3A_120, %cond3A_121 : i32
      scf.if %cond3A_122 {
        %dma_start3A = arith.constant 3 : i32
        %dma_start3A_131 = arith.constant 0 : i32
        %dma_start3A_132 = arith.constant 0 : i32
        %dma_start3A_133 = tpu.memref_slice %arg6[%dma_start3A, %dma_start3A_131, %dma_start3A_132] : memref<4x128x64xf32, #tpu.memory_space<vmem>> -> memref<1x128x64xf32, #tpu.memory_space<vmem>>
        %dma_start3A_134 = tpu.memref_squeeze %dma_start3A_133 : memref<1x128x64xf32, #tpu.memory_space<vmem>> -> memref<128x64xf32, #tpu.memory_space<vmem>>
        %dma_start3A_135 = arith.constant 0 : i32
        %dma_start3A_136 = tpu.memref_slice %arg7[%add3A_109, %dma_start3A_135] : memref<80x128xi32, #tpu.memory_space<vmem>> -> memref<1x128xi32, #tpu.memory_space<vmem>>
        %dma_start3A_137 = tpu.memref_squeeze %dma_start3A_136 : memref<1x128xi32, #tpu.memory_space<vmem>> -> memref<128xi32, #tpu.memory_space<vmem>>
        %dma_start3A_138 = arith.constant 0 : i32
        %dma_start3A_139 = arith.constant 0 : i32
        %dma_start3A_140 = tpu.memref_slice %arg2[%dma_start3A_138, %dma_start3A_139] : memref<10000x64xf32, #tpu.memory_space<hbm>> -> memref<10000x64xf32, #tpu.memory_space<hbm>>
        tpu.enqueue_indirect_dma source(%dma_start3A_140 : memref<10000x64xf32, #tpu.memory_space<hbm>>) target(%dma_start3A_134 : memref<128x64xf32, #tpu.memory_space<vmem>>) offsets(%dma_start3A_137 : memref<128xi32, #tpu.memory_space<vmem>>) semaphore(%arg13 : memref<!tpu.dma_semaphore, #tpu.memory_space<semaphore_mem>>)
      } else {
      }
      %ge3A_123 = arith.constant 2 : i32
      %ge3A_124 = arith.cmpi sge, %add3A_109, %ge3A_123 : i32
      %le3A_125 = arith.constant 81 : i32
      %le3A_126 = arith.cmpi sle, %add3A_109, %le3A_125 : i32
      %and3A_127 = arith.andi %ge3A_124, %le3A_126 : i1
      %convert_element_type3A_128 = arith.extui %and3A_127 : i1 to i32
      %cond3A_129 = arith.constant 0 : i32
      %cond3A_130 = arith.cmpi ne, %convert_element_type3A_128, %cond3A_129 : i32
      scf.if %cond3A_130 {
        %dma_wait3A = arith.constant 0 : i32
        %dma_wait3A_131 = arith.constant 1 : i32
        %dma_wait3A_132 = arith.constant 0 : i32
        %dma_wait3A_133 = arith.constant 0 : i32
        %dma_wait3A_134 = tpu.memref_slice %arg6[%dma_wait3A_131, %dma_wait3A_132, %dma_wait3A_133] : memref<4x128x64xf32, #tpu.memory_space<vmem>> -> memref<1x128x64xf32, #tpu.memory_space<vmem>>
        %dma_wait3A_135 = tpu.memref_squeeze %dma_wait3A_134 : memref<1x128x64xf32, #tpu.memory_space<vmem>> -> memref<128x64xf32, #tpu.memory_space<vmem>>
        %dma_wait3A_136 = arith.constant 0 : i32
        %dma_wait3A_137 = tpu.memref_slice %arg7[%dma_wait3A, %dma_wait3A_136] : memref<80x128xi32, #tpu.memory_space<vmem>> -> memref<1x128xi32, #tpu.memory_space<vmem>>
        %dma_wait3A_138 = tpu.memref_squeeze %dma_wait3A_137 : memref<1x128xi32, #tpu.memory_space<vmem>> -> memref<128xi32, #tpu.memory_space<vmem>>
        %dma_wait3A_139 = arith.constant 0 : i32
        %dma_wait3A_140 = arith.constant 0 : i32
        %dma_wait3A_141 = tpu.memref_slice %arg2[%dma_wait3A_139, %dma_wait3A_140] : memref<10000x64xf32, #tpu.memory_space<hbm>> -> memref<10000x64xf32, #tpu.memory_space<hbm>>
        tpu.wait_indirect_dma semaphore(%arg11 : memref<!tpu.dma_semaphore, #tpu.memory_space<semaphore_mem>>) src(%dma_wait3A_141 : memref<10000x64xf32, #tpu.memory_space<hbm>>) dst(%dma_wait3A_135 : memref<128x64xf32, #tpu.memory_space<vmem>>)
        %sub3A = arith.constant 2 : i32
        %sub3A_142 = arith.subi %add3A_109, %sub3A : i32
        %dma_start3A = arith.constant 1 : i32
        %dma_start3A_143 = arith.constant 0 : i32
        %dma_start3A_144 = arith.constant 0 : i32
        %dma_start3A_145 = tpu.memref_slice %arg6[%dma_start3A, %dma_start3A_143, %dma_start3A_144] : memref<4x128x64xf32, #tpu.memory_space<vmem>> -> memref<1x128x64xf32, #tpu.memory_space<vmem>>
        %dma_start3A_146 = tpu.memref_squeeze %dma_start3A_145 : memref<1x128x64xf32, #tpu.memory_space<vmem>> -> memref<128x64xf32, #tpu.memory_space<vmem>>
        %dma_start3A_147 = arith.constant 0 : i32
        %dma_start3A_148 = tpu.memref_slice %arg8[%sub3A_142, %dma_start3A_147] : memref<80x128xi32, #tpu.memory_space<vmem>> -> memref<1x128xi32, #tpu.memory_space<vmem>>
        %dma_start3A_149 = tpu.memref_squeeze %dma_start3A_148 : memref<1x128xi32, #tpu.memory_space<vmem>> -> memref<128xi32, #tpu.memory_space<vmem>>
        %dma_start3A_150 = arith.constant 0 : i32
        %dma_start3A_151 = arith.constant 0 : i32
        %dma_start3A_152 = tpu.memref_slice %arg9[%dma_start3A_150, %dma_start3A_151] : memref<10112x64xf32, #tpu.memory_space<vmem_shared>> -> memref<10112x64xf32, #tpu.memory_space<vmem_shared>>
        tpu.enqueue_indirect_dma source(%dma_start3A_146 : memref<128x64xf32, #tpu.memory_space<vmem>>) target(%dma_start3A_152 : memref<10112x64xf32, #tpu.memory_space<vmem_shared>>) offsets(%dma_start3A_149 : memref<128xi32, #tpu.memory_space<vmem>>) semaphore(%arg15 : memref<!tpu.dma_semaphore, #tpu.memory_space<semaphore_mem>>) {add = true}
      } else {
      }
    }
    %scan3A_30 = arith.constant 21 : i32
    %barrier3A_31 = arith.constant 0 : index
    tpu.barrier barrier_id(%barrier3A_31)
    %mul3A_32 = arith.constant 632 : i32
    %mul3A_33 = arith.muli %arg1, %mul3A_32 : i32
    %mul3A_34 = arith.constant 632 : i32
    %mul3A_35 = arith.muli %arg1, %mul3A_34 : i32
    "tpu.region"() ({
      %run_scoped3A_36 = tpu.sem_alloc : memref<!tpu.dma_semaphore, #tpu.memory_space<semaphore_mem>>
      %dma_start3A = arith.constant 0 : i32
      %dma_start3A_37 = tpu.memref_slice %arg5[%arg0, %mul3A_35, %dma_start3A] : memref<2x10112x64xf32, #tpu.memory_space<hbm>> -> memref<1x632x64xf32, #tpu.memory_space<hbm>>
      %dma_start3A_38 = tpu.memref_squeeze %dma_start3A_37 : memref<1x632x64xf32, #tpu.memory_space<hbm>> -> memref<632x64xf32, #tpu.memory_space<hbm>>
      %dma_start3A_39 = arith.constant 0 : i32
      %dma_start3A_40 = tpu.memref_slice %arg9[%mul3A_33, %dma_start3A_39] : memref<10112x64xf32, #tpu.memory_space<vmem_shared>> -> memref<632x64xf32, #tpu.memory_space<vmem_shared>>
      tpu.enqueue_dma source(%dma_start3A_40 : memref<632x64xf32, #tpu.memory_space<vmem_shared>>) target(%dma_start3A_38 : memref<632x64xf32, #tpu.memory_space<hbm>>) target_semaphore(%run_scoped3A_36 : memref<!tpu.dma_semaphore, #tpu.memory_space<semaphore_mem>>)
      %dma_wait3A = arith.constant 0 : i32
      %dma_wait3A_41 = tpu.memref_slice %arg5[%arg0, %mul3A_35, %dma_wait3A] : memref<2x10112x64xf32, #tpu.memory_space<hbm>> -> memref<1x632x64xf32, #tpu.memory_space<hbm>>
      %dma_wait3A_42 = tpu.memref_squeeze %dma_wait3A_41 : memref<1x632x64xf32, #tpu.memory_space<hbm>> -> memref<632x64xf32, #tpu.memory_space<hbm>>
      %dma_wait3A_43 = arith.constant 0 : i32
      %dma_wait3A_44 = tpu.memref_slice %arg9[%mul3A_33, %dma_wait3A_43] : memref<10112x64xf32, #tpu.memory_space<vmem_shared>> -> memref<632x64xf32, #tpu.memory_space<vmem_shared>>
      tpu.wait_dma2 semaphore(%run_scoped3A_36 : memref<!tpu.dma_semaphore, #tpu.memory_space<semaphore_mem>>) src(%dma_wait3A_44 : memref<632x64xf32, #tpu.memory_space<vmem_shared>>) dst(%dma_wait3A_42 : memref<632x64xf32, #tpu.memory_space<hbm>>)
      tpu.yield
    }) : () -> ()
    return
  }
}

#map = affine_map<(d0, d1) -> (0, 0)>
#map1 = affine_map<(d0, d1) -> (0, 0, 0)>
module attributes {stable_mosaic.version = 14 : i64} {
  func.func @prop_kernel(%arg0: i32, %arg1: i32, %arg2: memref<10000x64xf32, #tpu.memory_space<hbm>>, %arg3: memref<2560x128xi32, #tpu.memory_space<hbm>>, %arg4: memref<2560x128xi32, #tpu.memory_space<hbm>>, %arg5: memref<2x10112x64xf32, #tpu.memory_space<hbm>>, %arg6: memref<4x128x64xf32, #tpu.memory_space<vmem>>, %arg7: memref<80x128xi32, #tpu.memory_space<vmem>>, %arg8: memref<80x128xi32, #tpu.memory_space<vmem>>, %arg9: memref<10112x64xf32, #tpu.memory_space<vmem_shared>>, %arg10: memref<!tpu.dma_semaphore, #tpu.memory_space<semaphore_mem>>, %arg11: memref<!tpu.dma_semaphore, #tpu.memory_space<semaphore_mem>>, %arg12: memref<!tpu.dma_semaphore, #tpu.memory_space<semaphore_mem>>, %arg13: memref<!tpu.dma_semaphore, #tpu.memory_space<semaphore_mem>>, %arg14: memref<!tpu.dma_semaphore, #tpu.memory_space<semaphore_mem>>, %arg15: memref<!tpu.dma_semaphore, #tpu.memory_space<semaphore_mem>>, %arg16: memref<!tpu.dma_semaphore, #tpu.memory_space<semaphore_mem>>, %arg17: memref<!tpu.dma_semaphore, #tpu.memory_space<semaphore_mem>>) attributes {dimension_semantics = [#tpu.dimension_semantics<core_parallel>, #tpu.dimension_semantics<subcore_parallel>], iteration_bounds = array<i64: 2, 16>, scalar_prefetch = 0 : i64, scratch_operands = 12 : i64, tpu.core_type = #tpu.core_type<sc_vector_subcore>, window_params = [{transform_indices = #map}, {transform_indices = #map}, {transform_indices = #map}, {transform_indices = #map1}]} {
    %mul3A = arith.constant 16 : i32
    %mul3A_0 = arith.muli %arg0, %mul3A : i32
    %add3A = arith.addi %mul3A_0, %arg1 : i32
    %scan3A = arith.constant 0 : i32
    %scan3A_1 = arith.constant 0 : i32
    %scan3A_2 = arith.constant 512 : i32
    %scan3A_3 = arith.addi %scan3A_1, %scan3A_2 : i32
    %scan3A_4 = arith.constant 1 : i32
    scf.for %scan3A_36 = %scan3A_1 to %scan3A_3 step %scan3A_4  : i32 {
      %broadcast_in_dim3A = arith.constant 0.000000e+00 : f32
      %broadcast_in_dim3A_37 = vector.broadcast %broadcast_in_dim3A : f32 to vector<16xf32>
      %jit3A = arith.constant 4 : i32
      %div3A = arith.divsi %scan3A_36, %jit3A : i32
      %sign3A = arith.constant 0 : i32
      %sign3A_38 = arith.cmpi sgt, %scan3A_36, %sign3A : i32
      %sign3A_39 = arith.extui %sign3A_38 : i1 to i32
      %sign3A_40 = arith.constant 0 : i32
      %sign3A_41 = arith.cmpi slt, %scan3A_36, %sign3A_40 : i32
      %sign3A_42 = arith.extui %sign3A_41 : i1 to i32
      %sign3A_43 = arith.subi %sign3A_39, %sign3A_42 : i32
      %sign3A_44 = arith.constant 0 : i32
      %sign3A_45 = arith.cmpi sgt, %jit3A, %sign3A_44 : i32
      %sign3A_46 = arith.extui %sign3A_45 : i1 to i32
      %sign3A_47 = arith.constant 0 : i32
      %sign3A_48 = arith.cmpi slt, %jit3A, %sign3A_47 : i32
      %sign3A_49 = arith.extui %sign3A_48 : i1 to i32
      %sign3A_50 = arith.subi %sign3A_46, %sign3A_49 : i32
      %ne3A = arith.cmpi ne, %sign3A_43, %sign3A_50 : i32
      %rem3A = arith.remsi %scan3A_36, %jit3A : i32
      %ne3A_51 = arith.constant 0 : i32
      %ne3A_52 = arith.cmpi ne, %rem3A, %ne3A_51 : i32
      %and3A = arith.andi %ne3A, %ne3A_52 : i1
      %sub3A = arith.constant 1 : i32
      %sub3A_53 = arith.subi %div3A, %sub3A : i32
      %select_n3A = arith.select %and3A, %sub3A_53, %div3A : i32
      %jit3A_54 = arith.constant 4 : i32
      %eq3A = arith.constant 0 : i32
      %eq3A_55 = arith.cmpi eq, %jit3A_54, %eq3A : i32
      %jit3A_56 = arith.constant 1 : i32
      %select_n3A_57 = arith.select %eq3A_55, %jit3A_56, %jit3A_54 : i32
      %rem3A_58 = arith.remsi %scan3A_36, %select_n3A_57 : i32
      %ne3A_59 = arith.constant 0 : i32
      %ne3A_60 = arith.cmpi ne, %rem3A_58, %ne3A_59 : i32
      %lt3A = arith.constant 0 : i32
      %lt3A_61 = arith.cmpi slt, %rem3A_58, %lt3A : i32
      %lt3A_62 = arith.constant 0 : i32
      %lt3A_63 = arith.cmpi slt, %select_n3A_57, %lt3A_62 : i32
      %ne3A_64 = arith.xori %lt3A_61, %lt3A_63 : i1
      %and3A_65 = arith.andi %ne3A_64, %ne3A_60 : i1
      %add3A_66 = arith.addi %rem3A_58, %select_n3A_57 : i32
      %select_n3A_67 = arith.select %and3A_65, %add3A_66, %rem3A_58 : i32
      %mul3A_68 = arith.constant 16 : i32
      %mul3A_69 = arith.muli %select_n3A_67, %mul3A_68 : i32
      %swap3A = arith.constant 0 : i32
      %swap3A_70 = arith.constant 0 : i32
      %swap3A_71 = tpu.memref_slice %arg6[%scan3A, %swap3A, %swap3A_70] : memref<4x128x64xf32, #tpu.memory_space<vmem>> -> memref<1x128x64xf32, #tpu.memory_space<vmem>>
      %swap3A_72 = tpu.memref_squeeze %swap3A_71 : memref<1x128x64xf32, #tpu.memory_space<vmem>> -> memref<128x64xf32, #tpu.memory_space<vmem>>
      %swap3A_73 = arith.index_cast %select_n3A : i32 to index
      %swap3A_74 = arith.index_cast %mul3A_69 : i32 to index
      %swap3A_75 = tpu.vector_load %swap3A_72[%swap3A_73, %swap3A_74] {strides = array<i32>} : memref<128x64xf32, #tpu.memory_space<vmem>>, vector<1x16xf32>,
      %swap3A_76 = vector.shape_cast %swap3A_75 : vector<1x16xf32> to vector<16xf32>
      %swap3A_77 = vector.shape_cast %broadcast_in_dim3A_37 : vector<16xf32> to vector<1x16xf32>
      tpu.vector_store %swap3A_72[%swap3A_73, %swap3A_74], %swap3A_77 {strides = array<i32>} : memref<128x64xf32, #tpu.memory_space<vmem>>, vector<1x16xf32>,
    }
    %scan3A_5 = arith.constant 512 : i32
    %mul3A_6 = arith.constant 80 : i32
    %mul3A_7 = arith.muli %add3A, %mul3A_6 : i32
    "tpu.region"() ({
      %run_scoped3A_36 = tpu.sem_alloc : memref<!tpu.dma_semaphore, #tpu.memory_space<semaphore_mem>>
      %dma_start3A = arith.constant 0 : i32
      %dma_start3A_37 = tpu.memref_slice %arg3[%mul3A_7, %dma_start3A] : memref<2560x128xi32, #tpu.memory_space<hbm>> -> memref<80x128xi32, #tpu.memory_space<hbm>>
      %dma_start3A_38 = arith.constant 0 : i32
      %dma_start3A_39 = tpu.memref_slice %arg3[%mul3A_7, %dma_start3A_38] : memref<2560x128xi32, #tpu.memory_space<hbm>> -> memref<80x128xi32, #tpu.memory_space<hbm>>
      tpu.enqueue_dma source(%dma_start3A_39 : memref<80x128xi32, #tpu.memory_space<hbm>>) target(%arg7 : memref<80x128xi32, #tpu.memory_space<vmem>>) target_semaphore(%run_scoped3A_36 : memref<!tpu.dma_semaphore, #tpu.memory_space<semaphore_mem>>)
      %dma_wait3A = arith.constant 0 : i32
      %dma_wait3A_40 = tpu.memref_slice %arg3[%mul3A_7, %dma_wait3A] : memref<2560x128xi32, #tpu.memory_space<hbm>> -> memref<80x128xi32, #tpu.memory_space<hbm>>
      %dma_wait3A_41 = arith.constant 0 : i32
      %dma_wait3A_42 = tpu.memref_slice %arg3[%mul3A_7, %dma_wait3A_41] : memref<2560x128xi32, #tpu.memory_space<hbm>> -> memref<80x128xi32, #tpu.memory_space<hbm>>
      tpu.wait_dma2 semaphore(%run_scoped3A_36 : memref<!tpu.dma_semaphore, #tpu.memory_space<semaphore_mem>>) src(%dma_wait3A_42 : memref<80x128xi32, #tpu.memory_space<hbm>>) dst(%arg7 : memref<80x128xi32, #tpu.memory_space<vmem>>)
      tpu.yield
    }) : () -> ()
    %mul3A_8 = arith.constant 80 : i32
    %mul3A_9 = arith.muli %add3A, %mul3A_8 : i32
    "tpu.region"() ({
      %run_scoped3A_36 = tpu.sem_alloc : memref<!tpu.dma_semaphore, #tpu.memory_space<semaphore_mem>>
      %dma_start3A = arith.constant 0 : i32
      %dma_start3A_37 = tpu.memref_slice %arg4[%mul3A_9, %dma_start3A] : memref<2560x128xi32, #tpu.memory_space<hbm>> -> memref<80x128xi32, #tpu.memory_space<hbm>>
      %dma_start3A_38 = arith.constant 0 : i32
      %dma_start3A_39 = tpu.memref_slice %arg4[%mul3A_9, %dma_start3A_38] : memref<2560x128xi32, #tpu.memory_space<hbm>> -> memref<80x128xi32, #tpu.memory_space<hbm>>
      tpu.enqueue_dma source(%dma_start3A_39 : memref<80x128xi32, #tpu.memory_space<hbm>>) target(%arg8 : memref<80x128xi32, #tpu.memory_space<vmem>>) target_semaphore(%run_scoped3A_36 : memref<!tpu.dma_semaphore, #tpu.memory_space<semaphore_mem>>)
      %dma_wait3A = arith.constant 0 : i32
      %dma_wait3A_40 = tpu.memref_slice %arg4[%mul3A_9, %dma_wait3A] : memref<2560x128xi32, #tpu.memory_space<hbm>> -> memref<80x128xi32, #tpu.memory_space<hbm>>
      %dma_wait3A_41 = arith.constant 0 : i32
      %dma_wait3A_42 = tpu.memref_slice %arg4[%mul3A_9, %dma_wait3A_41] : memref<2560x128xi32, #tpu.memory_space<hbm>> -> memref<80x128xi32, #tpu.memory_space<hbm>>
      tpu.wait_dma2 semaphore(%run_scoped3A_36 : memref<!tpu.dma_semaphore, #tpu.memory_space<semaphore_mem>>) src(%dma_wait3A_42 : memref<80x128xi32, #tpu.memory_space<hbm>>) dst(%arg8 : memref<80x128xi32, #tpu.memory_space<vmem>>)
      tpu.yield
    }) : () -> ()
    %mul3A_10 = arith.constant 632 : i32
    %mul3A_11 = arith.muli %arg1, %mul3A_10 : i32
    %add3A_12 = arith.constant 0 : i32
    %add3A_13 = arith.addi %mul3A_11, %add3A_12 : i32
    %run_scoped3A = arith.constant 0 : i32
    "tpu.region"() ({
      %run_scoped3A_36 = tpu.sem_alloc : memref<!tpu.dma_semaphore, #tpu.memory_space<semaphore_mem>>
      %dma_start3A = arith.constant 0 : i32
      %dma_start3A_37 = arith.constant 0 : i32
      %dma_start3A_38 = tpu.memref_slice %arg6[%run_scoped3A, %dma_start3A, %dma_start3A_37] : memref<4x128x64xf32, #tpu.memory_space<vmem>> -> memref<1x128x64xf32, #tpu.memory_space<vmem>>
      %dma_start3A_39 = tpu.memref_squeeze %dma_start3A_38 : memref<1x128x64xf32, #tpu.memory_space<vmem>> -> memref<128x64xf32, #tpu.memory_space<vmem>>
      %dma_start3A_40 = arith.constant 0 : i32
      %dma_start3A_41 = tpu.memref_slice %arg9[%add3A_13, %dma_start3A_40] : memref<10112x64xf32, #tpu.memory_space<vmem_shared>> -> memref<128x64xf32, #tpu.memory_space<vmem_shared>>
      %dma_start3A_42 = arith.constant 0 : i32
      %dma_start3A_43 = tpu.memref_slice %arg9[%add3A_13, %dma_start3A_42] : memref<10112x64xf32, #tpu.memory_space<vmem_shared>> -> memref<128x64xf32, #tpu.memory_space<vmem_shared>>
      %dma_start3A_44 = arith.constant 0 : i32
      %dma_start3A_45 = arith.constant 0 : i32
      %dma_start3A_46 = tpu.memref_slice %arg6[%run_scoped3A, %dma_start3A_44, %dma_start3A_45] : memref<4x128x64xf32, #tpu.memory_space<vmem>> -> memref<1x128x64xf32, #tpu.memory_space<vmem>>
      %dma_start3A_47 = tpu.memref_squeeze %dma_start3A_46 : memref<1x128x64xf32, #tpu.memory_space<vmem>> -> memref<128x64xf32, #tpu.memory_space<vmem>>
      tpu.enqueue_dma source(%dma_start3A_47 : memref<128x64xf32, #tpu.memory_space<vmem>>) target(%dma_start3A_43 : memref<128x64xf32, #tpu.memory_space<vmem_shared>>) target_semaphore(%run_scoped3A_36 : memref<!tpu.dma_semaphore, #tpu.memory_space<semaphore_mem>>)
      %dma_wait3A = arith.constant 0 : i32
      %dma_wait3A_48 = arith.constant 0 : i32
      %dma_wait3A_49 = tpu.memref_slice %arg6[%run_scoped3A, %dma_wait3A, %dma_wait3A_48] : memref<4x128x64xf32, #tpu.memory_space<vmem>> -> memref<1x128x64xf32, #tpu.memory_space<vmem>>
      %dma_wait3A_50 = tpu.memref_squeeze %dma_wait3A_49 : memref<1x128x64xf32, #tpu.memory_space<vmem>> -> memref<128x64xf32, #tpu.memory_space<vmem>>
      %dma_wait3A_51 = arith.constant 0 : i32
      %dma_wait3A_52 = tpu.memref_slice %arg9[%add3A_13, %dma_wait3A_51] : memref<10112x64xf32, #tpu.memory_space<vmem_shared>> -> memref<128x64xf32, #tpu.memory_space<vmem_shared>>
      %dma_wait3A_53 = arith.constant 0 : i32
      %dma_wait3A_54 = tpu.memref_slice %arg9[%add3A_13, %dma_wait3A_53] : memref<10112x64xf32, #tpu.memory_space<vmem_shared>> -> memref<128x64xf32, #tpu.memory_space<vmem_shared>>
      %dma_wait3A_55 = arith.constant 0 : i32
      %dma_wait3A_56 = arith.constant 0 : i32
      %dma_wait3A_57 = tpu.memref_slice %arg6[%run_scoped3A, %dma_wait3A_55, %dma_wait3A_56] : memref<4x128x64xf32, #tpu.memory_space<vmem>> -> memref<1x128x64xf32, #tpu.memory_space<vmem>>
      %dma_wait3A_58 = tpu.memref_squeeze %dma_wait3A_57 : memref<1x128x64xf32, #tpu.memory_space<vmem>> -> memref<128x64xf32, #tpu.memory_space<vmem>>
      tpu.wait_dma2 semaphore(%run_scoped3A_36 : memref<!tpu.dma_semaphore, #tpu.memory_space<semaphore_mem>>) src(%dma_wait3A_58 : memref<128x64xf32, #tpu.memory_space<vmem>>) dst(%dma_wait3A_54 : memref<128x64xf32, #tpu.memory_space<vmem_shared>>)
      tpu.yield
    }) : () -> ()
    %add3A_14 = arith.constant 128 : i32
    %add3A_15 = arith.addi %mul3A_11, %add3A_14 : i32
    %run_scoped3A_16 = arith.constant 0 : i32
    "tpu.region"() ({
      %run_scoped3A_36 = tpu.sem_alloc : memref<!tpu.dma_semaphore, #tpu.memory_space<semaphore_mem>>
      %dma_start3A = arith.constant 0 : i32
      %dma_start3A_37 = arith.constant 0 : i32
      %dma_start3A_38 = tpu.memref_slice %arg6[%run_scoped3A_16, %dma_start3A, %dma_start3A_37] : memref<4x128x64xf32, #tpu.memory_space<vmem>> -> memref<1x128x64xf32, #tpu.memory_space<vmem>>
      %dma_start3A_39 = tpu.memref_squeeze %dma_start3A_38 : memref<1x128x64xf32, #tpu.memory_space<vmem>> -> memref<128x64xf32, #tpu.memory_space<vmem>>
      %dma_start3A_40 = arith.constant 0 : i32
      %dma_start3A_41 = tpu.memref_slice %arg9[%add3A_15, %dma_start3A_40] : memref<10112x64xf32, #tpu.memory_space<vmem_shared>> -> memref<128x64xf32, #tpu.memory_space<vmem_shared>>
      %dma_start3A_42 = arith.constant 0 : i32
      %dma_start3A_43 = tpu.memref_slice %arg9[%add3A_15, %dma_start3A_42] : memref<10112x64xf32, #tpu.memory_space<vmem_shared>> -> memref<128x64xf32, #tpu.memory_space<vmem_shared>>
      %dma_start3A_44 = arith.constant 0 : i32
      %dma_start3A_45 = arith.constant 0 : i32
      %dma_start3A_46 = tpu.memref_slice %arg6[%run_scoped3A_16, %dma_start3A_44, %dma_start3A_45] : memref<4x128x64xf32, #tpu.memory_space<vmem>> -> memref<1x128x64xf32, #tpu.memory_space<vmem>>
      %dma_start3A_47 = tpu.memref_squeeze %dma_start3A_46 : memref<1x128x64xf32, #tpu.memory_space<vmem>> -> memref<128x64xf32, #tpu.memory_space<vmem>>
      tpu.enqueue_dma source(%dma_start3A_47 : memref<128x64xf32, #tpu.memory_space<vmem>>) target(%dma_start3A_43 : memref<128x64xf32, #tpu.memory_space<vmem_shared>>) target_semaphore(%run_scoped3A_36 : memref<!tpu.dma_semaphore, #tpu.memory_space<semaphore_mem>>)
      %dma_wait3A = arith.constant 0 : i32
      %dma_wait3A_48 = arith.constant 0 : i32
      %dma_wait3A_49 = tpu.memref_slice %arg6[%run_scoped3A_16, %dma_wait3A, %dma_wait3A_48] : memref<4x128x64xf32, #tpu.memory_space<vmem>> -> memref<1x128x64xf32, #tpu.memory_space<vmem>>
      %dma_wait3A_50 = tpu.memref_squeeze %dma_wait3A_49 : memref<1x128x64xf32, #tpu.memory_space<vmem>> -> memref<128x64xf32, #tpu.memory_space<vmem>>
      %dma_wait3A_51 = arith.constant 0 : i32
      %dma_wait3A_52 = tpu.memref_slice %arg9[%add3A_15, %dma_wait3A_51] : memref<10112x64xf32, #tpu.memory_space<vmem_shared>> -> memref<128x64xf32, #tpu.memory_space<vmem_shared>>
      %dma_wait3A_53 = arith.constant 0 : i32
      %dma_wait3A_54 = tpu.memref_slice %arg9[%add3A_15, %dma_wait3A_53] : memref<10112x64xf32, #tpu.memory_space<vmem_shared>> -> memref<128x64xf32, #tpu.memory_space<vmem_shared>>
      %dma_wait3A_55 = arith.constant 0 : i32
      %dma_wait3A_56 = arith.constant 0 : i32
      %dma_wait3A_57 = tpu.memref_slice %arg6[%run_scoped3A_16, %dma_wait3A_55, %dma_wait3A_56] : memref<4x128x64xf32, #tpu.memory_space<vmem>> -> memref<1x128x64xf32, #tpu.memory_space<vmem>>
      %dma_wait3A_58 = tpu.memref_squeeze %dma_wait3A_57 : memref<1x128x64xf32, #tpu.memory_space<vmem>> -> memref<128x64xf32, #tpu.memory_space<vmem>>
      tpu.wait_dma2 semaphore(%run_scoped3A_36 : memref<!tpu.dma_semaphore, #tpu.memory_space<semaphore_mem>>) src(%dma_wait3A_58 : memref<128x64xf32, #tpu.memory_space<vmem>>) dst(%dma_wait3A_54 : memref<128x64xf32, #tpu.memory_space<vmem_shared>>)
      tpu.yield
    }) : () -> ()
    %add3A_17 = arith.constant 256 : i32
    %add3A_18 = arith.addi %mul3A_11, %add3A_17 : i32
    %run_scoped3A_19 = arith.constant 0 : i32
    "tpu.region"() ({
      %run_scoped3A_36 = tpu.sem_alloc : memref<!tpu.dma_semaphore, #tpu.memory_space<semaphore_mem>>
      %dma_start3A = arith.constant 0 : i32
      %dma_start3A_37 = arith.constant 0 : i32
      %dma_start3A_38 = tpu.memref_slice %arg6[%run_scoped3A_19, %dma_start3A, %dma_start3A_37] : memref<4x128x64xf32, #tpu.memory_space<vmem>> -> memref<1x128x64xf32, #tpu.memory_space<vmem>>
      %dma_start3A_39 = tpu.memref_squeeze %dma_start3A_38 : memref<1x128x64xf32, #tpu.memory_space<vmem>> -> memref<128x64xf32, #tpu.memory_space<vmem>>
      %dma_start3A_40 = arith.constant 0 : i32
      %dma_start3A_41 = tpu.memref_slice %arg9[%add3A_18, %dma_start3A_40] : memref<10112x64xf32, #tpu.memory_space<vmem_shared>> -> memref<128x64xf32, #tpu.memory_space<vmem_shared>>
      %dma_start3A_42 = arith.constant 0 : i32
      %dma_start3A_43 = tpu.memref_slice %arg9[%add3A_18, %dma_start3A_42] : memref<10112x64xf32, #tpu.memory_space<vmem_shared>> -> memref<128x64xf32, #tpu.memory_space<vmem_shared>>
      %dma_start3A_44 = arith.constant 0 : i32
      %dma_start3A_45 = arith.constant 0 : i32
      %dma_start3A_46 = tpu.memref_slice %arg6[%run_scoped3A_19, %dma_start3A_44, %dma_start3A_45] : memref<4x128x64xf32, #tpu.memory_space<vmem>> -> memref<1x128x64xf32, #tpu.memory_space<vmem>>
      %dma_start3A_47 = tpu.memref_squeeze %dma_start3A_46 : memref<1x128x64xf32, #tpu.memory_space<vmem>> -> memref<128x64xf32, #tpu.memory_space<vmem>>
      tpu.enqueue_dma source(%dma_start3A_47 : memref<128x64xf32, #tpu.memory_space<vmem>>) target(%dma_start3A_43 : memref<128x64xf32, #tpu.memory_space<vmem_shared>>) target_semaphore(%run_scoped3A_36 : memref<!tpu.dma_semaphore, #tpu.memory_space<semaphore_mem>>)
      %dma_wait3A = arith.constant 0 : i32
      %dma_wait3A_48 = arith.constant 0 : i32
      %dma_wait3A_49 = tpu.memref_slice %arg6[%run_scoped3A_19, %dma_wait3A, %dma_wait3A_48] : memref<4x128x64xf32, #tpu.memory_space<vmem>> -> memref<1x128x64xf32, #tpu.memory_space<vmem>>
      %dma_wait3A_50 = tpu.memref_squeeze %dma_wait3A_49 : memref<1x128x64xf32, #tpu.memory_space<vmem>> -> memref<128x64xf32, #tpu.memory_space<vmem>>
      %dma_wait3A_51 = arith.constant 0 : i32
      %dma_wait3A_52 = tpu.memref_slice %arg9[%add3A_18, %dma_wait3A_51] : memref<10112x64xf32, #tpu.memory_space<vmem_shared>> -> memref<128x64xf32, #tpu.memory_space<vmem_shared>>
      %dma_wait3A_53 = arith.constant 0 : i32
      %dma_wait3A_54 = tpu.memref_slice %arg9[%add3A_18, %dma_wait3A_53] : memref<10112x64xf32, #tpu.memory_space<vmem_shared>> -> memref<128x64xf32, #tpu.memory_space<vmem_shared>>
      %dma_wait3A_55 = arith.constant 0 : i32
      %dma_wait3A_56 = arith.constant 0 : i32
      %dma_wait3A_57 = tpu.memref_slice %arg6[%run_scoped3A_19, %dma_wait3A_55, %dma_wait3A_56] : memref<4x128x64xf32, #tpu.memory_space<vmem>> -> memref<1x128x64xf32, #tpu.memory_space<vmem>>
      %dma_wait3A_58 = tpu.memref_squeeze %dma_wait3A_57 : memref<1x128x64xf32, #tpu.memory_space<vmem>> -> memref<128x64xf32, #tpu.memory_space<vmem>>
      tpu.wait_dma2 semaphore(%run_scoped3A_36 : memref<!tpu.dma_semaphore, #tpu.memory_space<semaphore_mem>>) src(%dma_wait3A_58 : memref<128x64xf32, #tpu.memory_space<vmem>>) dst(%dma_wait3A_54 : memref<128x64xf32, #tpu.memory_space<vmem_shared>>)
      tpu.yield
    }) : () -> ()
    %add3A_20 = arith.constant 384 : i32
    %add3A_21 = arith.addi %mul3A_11, %add3A_20 : i32
    %run_scoped3A_22 = arith.constant 0 : i32
    "tpu.region"() ({
      %run_scoped3A_36 = tpu.sem_alloc : memref<!tpu.dma_semaphore, #tpu.memory_space<semaphore_mem>>
      %dma_start3A = arith.constant 0 : i32
      %dma_start3A_37 = arith.constant 0 : i32
      %dma_start3A_38 = tpu.memref_slice %arg6[%run_scoped3A_22, %dma_start3A, %dma_start3A_37] : memref<4x128x64xf32, #tpu.memory_space<vmem>> -> memref<1x128x64xf32, #tpu.memory_space<vmem>>
      %dma_start3A_39 = tpu.memref_squeeze %dma_start3A_38 : memref<1x128x64xf32, #tpu.memory_space<vmem>> -> memref<128x64xf32, #tpu.memory_space<vmem>>
      %dma_start3A_40 = arith.constant 0 : i32
      %dma_start3A_41 = tpu.memref_slice %arg9[%add3A_21, %dma_start3A_40] : memref<10112x64xf32, #tpu.memory_space<vmem_shared>> -> memref<128x64xf32, #tpu.memory_space<vmem_shared>>
      %dma_start3A_42 = arith.constant 0 : i32
      %dma_start3A_43 = tpu.memref_slice %arg9[%add3A_21, %dma_start3A_42] : memref<10112x64xf32, #tpu.memory_space<vmem_shared>> -> memref<128x64xf32, #tpu.memory_space<vmem_shared>>
      %dma_start3A_44 = arith.constant 0 : i32
      %dma_start3A_45 = arith.constant 0 : i32
      %dma_start3A_46 = tpu.memref_slice %arg6[%run_scoped3A_22, %dma_start3A_44, %dma_start3A_45] : memref<4x128x64xf32, #tpu.memory_space<vmem>> -> memref<1x128x64xf32, #tpu.memory_space<vmem>>
      %dma_start3A_47 = tpu.memref_squeeze %dma_start3A_46 : memref<1x128x64xf32, #tpu.memory_space<vmem>> -> memref<128x64xf32, #tpu.memory_space<vmem>>
      tpu.enqueue_dma source(%dma_start3A_47 : memref<128x64xf32, #tpu.memory_space<vmem>>) target(%dma_start3A_43 : memref<128x64xf32, #tpu.memory_space<vmem_shared>>) target_semaphore(%run_scoped3A_36 : memref<!tpu.dma_semaphore, #tpu.memory_space<semaphore_mem>>)
      %dma_wait3A = arith.constant 0 : i32
      %dma_wait3A_48 = arith.constant 0 : i32
      %dma_wait3A_49 = tpu.memref_slice %arg6[%run_scoped3A_22, %dma_wait3A, %dma_wait3A_48] : memref<4x128x64xf32, #tpu.memory_space<vmem>> -> memref<1x128x64xf32, #tpu.memory_space<vmem>>
      %dma_wait3A_50 = tpu.memref_squeeze %dma_wait3A_49 : memref<1x128x64xf32, #tpu.memory_space<vmem>> -> memref<128x64xf32, #tpu.memory_space<vmem>>
      %dma_wait3A_51 = arith.constant 0 : i32
      %dma_wait3A_52 = tpu.memref_slice %arg9[%add3A_21, %dma_wait3A_51] : memref<10112x64xf32, #tpu.memory_space<vmem_shared>> -> memref<128x64xf32, #tpu.memory_space<vmem_shared>>
      %dma_wait3A_53 = arith.constant 0 : i32
      %dma_wait3A_54 = tpu.memref_slice %arg9[%add3A_21, %dma_wait3A_53] : memref<10112x64xf32, #tpu.memory_space<vmem_shared>> -> memref<128x64xf32, #tpu.memory_space<vmem_shared>>
      %dma_wait3A_55 = arith.constant 0 : i32
      %dma_wait3A_56 = arith.constant 0 : i32
      %dma_wait3A_57 = tpu.memref_slice %arg6[%run_scoped3A_22, %dma_wait3A_55, %dma_wait3A_56] : memref<4x128x64xf32, #tpu.memory_space<vmem>> -> memref<1x128x64xf32, #tpu.memory_space<vmem>>
      %dma_wait3A_58 = tpu.memref_squeeze %dma_wait3A_57 : memref<1x128x64xf32, #tpu.memory_space<vmem>> -> memref<128x64xf32, #tpu.memory_space<vmem>>
      tpu.wait_dma2 semaphore(%run_scoped3A_36 : memref<!tpu.dma_semaphore, #tpu.memory_space<semaphore_mem>>) src(%dma_wait3A_58 : memref<128x64xf32, #tpu.memory_space<vmem>>) dst(%dma_wait3A_54 : memref<128x64xf32, #tpu.memory_space<vmem_shared>>)
      tpu.yield
    }) : () -> ()
    %add3A_23 = arith.constant 512 : i32
    %add3A_24 = arith.addi %mul3A_11, %add3A_23 : i32
    %run_scoped3A_25 = arith.constant 0 : i32
    "tpu.region"() ({
      %run_scoped3A_36 = tpu.sem_alloc : memref<!tpu.dma_semaphore, #tpu.memory_space<semaphore_mem>>
      %dma_start3A = arith.constant 0 : i32
      %dma_start3A_37 = arith.constant 0 : i32
      %dma_start3A_38 = tpu.memref_slice %arg6[%run_scoped3A_25, %dma_start3A, %dma_start3A_37] : memref<4x128x64xf32, #tpu.memory_space<vmem>> -> memref<1x128x64xf32, #tpu.memory_space<vmem>>
      %dma_start3A_39 = tpu.memref_squeeze %dma_start3A_38 : memref<1x128x64xf32, #tpu.memory_space<vmem>> -> memref<128x64xf32, #tpu.memory_space<vmem>>
      %dma_start3A_40 = arith.constant 0 : i32
      %dma_start3A_41 = arith.constant 0 : i32
      %dma_start3A_42 = tpu.memref_slice %dma_start3A_39[%dma_start3A_40, %dma_start3A_41] : memref<128x64xf32, #tpu.memory_space<vmem>> -> memref<120x64xf32, #tpu.memory_space<vmem>>
      %dma_start3A_43 = arith.constant 0 : i32
      %dma_start3A_44 = tpu.memref_slice %arg9[%add3A_24, %dma_start3A_43] : memref<10112x64xf32, #tpu.memory_space<vmem_shared>> -> memref<120x64xf32, #tpu.memory_space<vmem_shared>>
      %dma_start3A_45 = arith.constant 0 : i32
      %dma_start3A_46 = tpu.memref_slice %arg9[%add3A_24, %dma_start3A_45] : memref<10112x64xf32, #tpu.memory_space<vmem_shared>> -> memref<120x64xf32, #tpu.memory_space<vmem_shared>>
      %dma_start3A_47 = arith.constant 0 : i32
      %dma_start3A_48 = arith.constant 0 : i32
      %dma_start3A_49 = tpu.memref_slice %arg6[%run_scoped3A_25, %dma_start3A_47, %dma_start3A_48] : memref<4x128x64xf32, #tpu.memory_space<vmem>> -> memref<1x128x64xf32, #tpu.memory_space<vmem>>
      %dma_start3A_50 = tpu.memref_squeeze %dma_start3A_49 : memref<1x128x64xf32, #tpu.memory_space<vmem>> -> memref<128x64xf32, #tpu.memory_space<vmem>>
      %dma_start3A_51 = arith.constant 0 : i32
      %dma_start3A_52 = arith.constant 0 : i32
      %dma_start3A_53 = tpu.memref_slice %dma_start3A_50[%dma_start3A_51, %dma_start3A_52] : memref<128x64xf32, #tpu.memory_space<vmem>> -> memref<120x64xf32, #tpu.memory_space<vmem>>
      tpu.enqueue_dma source(%dma_start3A_53 : memref<120x64xf32, #tpu.memory_space<vmem>>) target(%dma_start3A_46 : memref<120x64xf32, #tpu.memory_space<vmem_shared>>) target_semaphore(%run_scoped3A_36 : memref<!tpu.dma_semaphore, #tpu.memory_space<semaphore_mem>>)
      %dma_wait3A = arith.constant 0 : i32
      %dma_wait3A_54 = arith.constant 0 : i32
      %dma_wait3A_55 = tpu.memref_slice %arg6[%run_scoped3A_25, %dma_wait3A, %dma_wait3A_54] : memref<4x128x64xf32, #tpu.memory_space<vmem>> -> memref<1x128x64xf32, #tpu.memory_space<vmem>>
      %dma_wait3A_56 = tpu.memref_squeeze %dma_wait3A_55 : memref<1x128x64xf32, #tpu.memory_space<vmem>> -> memref<128x64xf32, #tpu.memory_space<vmem>>
      %dma_wait3A_57 = arith.constant 0 : i32
      %dma_wait3A_58 = arith.constant 0 : i32
      %dma_wait3A_59 = tpu.memref_slice %dma_wait3A_56[%dma_wait3A_57, %dma_wait3A_58] : memref<128x64xf32, #tpu.memory_space<vmem>> -> memref<120x64xf32, #tpu.memory_space<vmem>>
      %dma_wait3A_60 = arith.constant 0 : i32
      %dma_wait3A_61 = tpu.memref_slice %arg9[%add3A_24, %dma_wait3A_60] : memref<10112x64xf32, #tpu.memory_space<vmem_shared>> -> memref<120x64xf32, #tpu.memory_space<vmem_shared>>
      %dma_wait3A_62 = arith.constant 0 : i32
      %dma_wait3A_63 = tpu.memref_slice %arg9[%add3A_24, %dma_wait3A_62] : memref<10112x64xf32, #tpu.memory_space<vmem_shared>> -> memref<120x64xf32, #tpu.memory_space<vmem_shared>>
      %dma_wait3A_64 = arith.constant 0 : i32
      %dma_wait3A_65 = arith.constant 0 : i32
      %dma_wait3A_66 = tpu.memref_slice %arg6[%run_scoped3A_25, %dma_wait3A_64, %dma_wait3A_65] : memref<4x128x64xf32, #tpu.memory_space<vmem>> -> memref<1x128x64xf32, #tpu.memory_space<vmem>>
      %dma_wait3A_67 = tpu.memref_squeeze %dma_wait3A_66 : memref<1x128x64xf32, #tpu.memory_space<vmem>> -> memref<128x64xf32, #tpu.memory_space<vmem>>
      %dma_wait3A_68 = arith.constant 0 : i32
      %dma_wait3A_69 = arith.constant 0 : i32
      %dma_wait3A_70 = tpu.memref_slice %dma_wait3A_67[%dma_wait3A_68, %dma_wait3A_69] : memref<128x64xf32, #tpu.memory_space<vmem>> -> memref<120x64xf32, #tpu.memory_space<vmem>>
      tpu.wait_dma2 semaphore(%run_scoped3A_36 : memref<!tpu.dma_semaphore, #tpu.memory_space<semaphore_mem>>) src(%dma_wait3A_70 : memref<120x64xf32, #tpu.memory_space<vmem>>) dst(%dma_wait3A_63 : memref<120x64xf32, #tpu.memory_space<vmem_shared>>)
      tpu.yield
    }) : () -> ()
    %barrier3A = arith.constant 0 : index
    tpu.barrier barrier_id(%barrier3A)
    %scan3A_26 = arith.constant 0 : i32
    %scan3A_27 = arith.constant 21 : i32
    %scan3A_28 = arith.addi %scan3A_26, %scan3A_27 : i32
    %scan3A_29 = arith.constant 1 : i32
    scf.for %scan3A_36 = %scan3A_26 to %scan3A_28 step %scan3A_29  : i32 {
      %mul3A_37 = arith.constant 4 : i32
      %mul3A_38 = arith.muli %scan3A_36, %mul3A_37 : i32
      %add3A_39 = arith.constant 0 : i32
      %add3A_40 = arith.addi %mul3A_38, %add3A_39 : i32
      %ge3A = arith.constant 4 : i32
      %ge3A_41 = arith.cmpi sge, %add3A_40, %ge3A : i32
      %le3A = arith.constant 83 : i32
      %le3A_42 = arith.cmpi sle, %add3A_40, %le3A : i32
      %and3A = arith.andi %ge3A_41, %le3A_42 : i1
      %convert_element_type3A = arith.extui %and3A : i1 to i32
      %cond3A = arith.constant 0 : i32
      %cond3A_43 = arith.cmpi ne, %convert_element_type3A, %cond3A : i32
      scf.if %cond3A_43 {
        %dma_wait3A = arith.constant 0 : i32
        %dma_wait3A_131 = arith.constant 0 : i32
        %dma_wait3A_132 = arith.constant 0 : i32
        %dma_wait3A_133 = arith.constant 0 : i32
        %dma_wait3A_134 = tpu.memref_slice %arg6[%dma_wait3A, %dma_wait3A_132, %dma_wait3A_133] : memref<4x128x64xf32, #tpu.memory_space<vmem>> -> memref<1x128x64xf32, #tpu.memory_space<vmem>>
        %dma_wait3A_135 = tpu.memref_squeeze %dma_wait3A_134 : memref<1x128x64xf32, #tpu.memory_space<vmem>> -> memref<128x64xf32, #tpu.memory_space<vmem>>
        %dma_wait3A_136 = arith.constant 0 : i32
        %dma_wait3A_137 = tpu.memref_slice %arg8[%dma_wait3A_131, %dma_wait3A_136] : memref<80x128xi32, #tpu.memory_space<vmem>> -> memref<1x128xi32, #tpu.memory_space<vmem>>
        %dma_wait3A_138 = tpu.memref_squeeze %dma_wait3A_137 : memref<1x128xi32, #tpu.memory_space<vmem>> -> memref<128xi32, #tpu.memory_space<vmem>>
        %dma_wait3A_139 = arith.constant 0 : i32
        %dma_wait3A_140 = arith.constant 0 : i32
        %dma_wait3A_141 = tpu.memref_slice %arg9[%dma_wait3A_139, %dma_wait3A_140] : memref<10112x64xf32, #tpu.memory_space<vmem_shared>> -> memref<10112x64xf32, #tpu.memory_space<vmem_shared>>
        tpu.wait_indirect_dma semaphore(%arg14 : memref<!tpu.dma_semaphore, #tpu.memory_space<semaphore_mem>>) src(%dma_wait3A_135 : memref<128x64xf32, #tpu.memory_space<vmem>>) dst(%dma_wait3A_141 : memref<10112x64xf32, #tpu.memory_space<vmem_shared>>)
      } else {
      }
      %lt3A = arith.constant 80 : i32
      %lt3A_44 = arith.cmpi slt, %add3A_40, %lt3A : i32
      %convert_element_type3A_45 = arith.extui %lt3A_44 : i1 to i32
      %cond3A_46 = arith.constant 0 : i32
      %cond3A_47 = arith.cmpi ne, %convert_element_type3A_45, %cond3A_46 : i32
      scf.if %cond3A_47 {
        %dma_start3A = arith.constant 0 : i32
        %dma_start3A_131 = arith.constant 0 : i32
        %dma_start3A_132 = arith.constant 0 : i32
        %dma_start3A_133 = tpu.memref_slice %arg6[%dma_start3A, %dma_start3A_131, %dma_start3A_132] : memref<4x128x64xf32, #tpu.memory_space<vmem>> -> memref<1x128x64xf32, #tpu.memory_space<vmem>>
        %dma_start3A_134 = tpu.memref_squeeze %dma_start3A_133 : memref<1x128x64xf32, #tpu.memory_space<vmem>> -> memref<128x64xf32, #tpu.memory_space<vmem>>
        %dma_start3A_135 = arith.constant 0 : i32
        %dma_start3A_136 = tpu.memref_slice %arg7[%add3A_40, %dma_start3A_135] : memref<80x128xi32, #tpu.memory_space<vmem>> -> memref<1x128xi32, #tpu.memory_space<vmem>>
        %dma_start3A_137 = tpu.memref_squeeze %dma_start3A_136 : memref<1x128xi32, #tpu.memory_space<vmem>> -> memref<128xi32, #tpu.memory_space<vmem>>
        %dma_start3A_138 = arith.constant 0 : i32
        %dma_start3A_139 = arith.constant 0 : i32
        %dma_start3A_140 = tpu.memref_slice %arg2[%dma_start3A_138, %dma_start3A_139] : memref<10000x64xf32, #tpu.memory_space<hbm>> -> memref<10000x64xf32, #tpu.memory_space<hbm>>
        tpu.enqueue_indirect_dma source(%dma_start3A_140 : memref<10000x64xf32, #tpu.memory_space<hbm>>) target(%dma_start3A_134 : memref<128x64xf32, #tpu.memory_space<vmem>>) offsets(%dma_start3A_137 : memref<128xi32, #tpu.memory_space<vmem>>) semaphore(%arg10 : memref<!tpu.dma_semaphore, #tpu.memory_space<semaphore_mem>>)
      } else {
      }
      %ge3A_48 = arith.constant 2 : i32
      %ge3A_49 = arith.cmpi sge, %add3A_40, %ge3A_48 : i32
      %le3A_50 = arith.constant 81 : i32
      %le3A_51 = arith.cmpi sle, %add3A_40, %le3A_50 : i32
      %and3A_52 = arith.andi %ge3A_49, %le3A_51 : i1
      %convert_element_type3A_53 = arith.extui %and3A_52 : i1 to i32
      %cond3A_54 = arith.constant 0 : i32
      %cond3A_55 = arith.cmpi ne, %convert_element_type3A_53, %cond3A_54 : i32
      scf.if %cond3A_55 {
        %dma_wait3A = arith.constant 0 : i32
        %dma_wait3A_131 = arith.constant 2 : i32
        %dma_wait3A_132 = arith.constant 0 : i32
        %dma_wait3A_133 = arith.constant 0 : i32
        %dma_wait3A_134 = tpu.memref_slice %arg6[%dma_wait3A_131, %dma_wait3A_132, %dma_wait3A_133] : memref<4x128x64xf32, #tpu.memory_space<vmem>> -> memref<1x128x64xf32, #tpu.memory_space<vmem>>
        %dma_wait3A_135 = tpu.memref_squeeze %dma_wait3A_134 : memref<1x128x64xf32, #tpu.memory_space<vmem>> -> memref<128x64xf32, #tpu.memory_space<vmem>>
        %dma_wait3A_136 = arith.constant 0 : i32
        %dma_wait3A_137 = tpu.memref_slice %arg7[%dma_wait3A, %dma_wait3A_136] : memref<80x128xi32, #tpu.memory_space<vmem>> -> memref<1x128xi32, #tpu.memory_space<vmem>>
        %dma_wait3A_138 = tpu.memref_squeeze %dma_wait3A_137 : memref<1x128xi32, #tpu.memory_space<vmem>> -> memref<128xi32, #tpu.memory_space<vmem>>
        %dma_wait3A_139 = arith.constant 0 : i32
        %dma_wait3A_140 = arith.constant 0 : i32
        %dma_wait3A_141 = tpu.memref_slice %arg2[%dma_wait3A_139, %dma_wait3A_140] : memref<10000x64xf32, #tpu.memory_space<hbm>> -> memref<10000x64xf32, #tpu.memory_space<hbm>>
        tpu.wait_indirect_dma semaphore(%arg12 : memref<!tpu.dma_semaphore, #tpu.memory_space<semaphore_mem>>) src(%dma_wait3A_141 : memref<10000x64xf32, #tpu.memory_space<hbm>>) dst(%dma_wait3A_135 : memref<128x64xf32, #tpu.memory_space<vmem>>)
        %sub3A = arith.constant 2 : i32
        %sub3A_142 = arith.subi %add3A_40, %sub3A : i32
        %dma_start3A = arith.constant 2 : i32
        %dma_start3A_143 = arith.constant 0 : i32
        %dma_start3A_144 = arith.constant 0 : i32
        %dma_start3A_145 = tpu.memref_slice %arg6[%dma_start3A, %dma_start3A_143, %dma_start3A_144] : memref<4x128x64xf32, #tpu.memory_space<vmem>> -> memref<1x128x64xf32, #tpu.memory_space<vmem>>
        %dma_start3A_146 = tpu.memref_squeeze %dma_start3A_145 : memref<1x128x64xf32, #tpu.memory_space<vmem>> -> memref<128x64xf32, #tpu.memory_space<vmem>>
        %dma_start3A_147 = arith.constant 0 : i32
        %dma_start3A_148 = tpu.memref_slice %arg8[%sub3A_142, %dma_start3A_147] : memref<80x128xi32, #tpu.memory_space<vmem>> -> memref<1x128xi32, #tpu.memory_space<vmem>>
        %dma_start3A_149 = tpu.memref_squeeze %dma_start3A_148 : memref<1x128xi32, #tpu.memory_space<vmem>> -> memref<128xi32, #tpu.memory_space<vmem>>
        %dma_start3A_150 = arith.constant 0 : i32
        %dma_start3A_151 = arith.constant 0 : i32
        %dma_start3A_152 = tpu.memref_slice %arg9[%dma_start3A_150, %dma_start3A_151] : memref<10112x64xf32, #tpu.memory_space<vmem_shared>> -> memref<10112x64xf32, #tpu.memory_space<vmem_shared>>
        tpu.enqueue_indirect_dma source(%dma_start3A_146 : memref<128x64xf32, #tpu.memory_space<vmem>>) target(%dma_start3A_152 : memref<10112x64xf32, #tpu.memory_space<vmem_shared>>) offsets(%dma_start3A_149 : memref<128xi32, #tpu.memory_space<vmem>>) semaphore(%arg16 : memref<!tpu.dma_semaphore, #tpu.memory_space<semaphore_mem>>) {add = true}
      } else {
      }
      %mul3A_56 = arith.constant 4 : i32
      %mul3A_57 = arith.muli %scan3A_36, %mul3A_56 : i32
      %add3A_58 = arith.constant 1 : i32
      %add3A_59 = arith.addi %mul3A_57, %add3A_58 : i32
      %ge3A_60 = arith.constant 4 : i32
      %ge3A_61 = arith.cmpi sge, %add3A_59, %ge3A_60 : i32
      %le3A_62 = arith.constant 83 : i32
      %le3A_63 = arith.cmpi sle, %add3A_59, %le3A_62 : i32
      %and3A_64 = arith.andi %ge3A_61, %le3A_63 : i1
      %convert_element_type3A_65 = arith.extui %and3A_64 : i1 to i32
      %cond3A_66 = arith.constant 0 : i32
      %cond3A_67 = arith.cmpi ne, %convert_element_type3A_65, %cond3A_66 : i32
      scf.if %cond3A_67 {
        %dma_wait3A = arith.constant 1 : i32
        %dma_wait3A_131 = arith.constant 0 : i32
        %dma_wait3A_132 = arith.constant 0 : i32
        %dma_wait3A_133 = arith.constant 0 : i32
        %dma_wait3A_134 = tpu.memref_slice %arg6[%dma_wait3A, %dma_wait3A_132, %dma_wait3A_133] : memref<4x128x64xf32, #tpu.memory_space<vmem>> -> memref<1x128x64xf32, #tpu.memory_space<vmem>>
        %dma_wait3A_135 = tpu.memref_squeeze %dma_wait3A_134 : memref<1x128x64xf32, #tpu.memory_space<vmem>> -> memref<128x64xf32, #tpu.memory_space<vmem>>
        %dma_wait3A_136 = arith.constant 0 : i32
        %dma_wait3A_137 = tpu.memref_slice %arg8[%dma_wait3A_131, %dma_wait3A_136] : memref<80x128xi32, #tpu.memory_space<vmem>> -> memref<1x128xi32, #tpu.memory_space<vmem>>
        %dma_wait3A_138 = tpu.memref_squeeze %dma_wait3A_137 : memref<1x128xi32, #tpu.memory_space<vmem>> -> memref<128xi32, #tpu.memory_space<vmem>>
        %dma_wait3A_139 = arith.constant 0 : i32
        %dma_wait3A_140 = arith.constant 0 : i32
        %dma_wait3A_141 = tpu.memref_slice %arg9[%dma_wait3A_139, %dma_wait3A_140] : memref<10112x64xf32, #tpu.memory_space<vmem_shared>> -> memref<10112x64xf32, #tpu.memory_space<vmem_shared>>
        tpu.wait_indirect_dma semaphore(%arg15 : memref<!tpu.dma_semaphore, #tpu.memory_space<semaphore_mem>>) src(%dma_wait3A_135 : memref<128x64xf32, #tpu.memory_space<vmem>>) dst(%dma_wait3A_141 : memref<10112x64xf32, #tpu.memory_space<vmem_shared>>)
      } else {
      }
      %lt3A_68 = arith.constant 80 : i32
      %lt3A_69 = arith.cmpi slt, %add3A_59, %lt3A_68 : i32
      %convert_element_type3A_70 = arith.extui %lt3A_69 : i1 to i32
      %cond3A_71 = arith.constant 0 : i32
      %cond3A_72 = arith.cmpi ne, %convert_element_type3A_70, %cond3A_71 : i32
      scf.if %cond3A_72 {
        %dma_start3A = arith.constant 1 : i32
        %dma_start3A_131 = arith.constant 0 : i32
        %dma_start3A_132 = arith.constant 0 : i32
        %dma_start3A_133 = tpu.memref_slice %arg6[%dma_start3A, %dma_start3A_131, %dma_start3A_132] : memref<4x128x64xf32, #tpu.memory_space<vmem>> -> memref<1x128x64xf32, #tpu.memory_space<vmem>>
        %dma_start3A_134 = tpu.memref_squeeze %dma_start3A_133 : memref<1x128x64xf32, #tpu.memory_space<vmem>> -> memref<128x64xf32, #tpu.memory_space<vmem>>
        %dma_start3A_135 = arith.constant 0 : i32
        %dma_start3A_136 = tpu.memref_slice %arg7[%add3A_59, %dma_start3A_135] : memref<80x128xi32, #tpu.memory_space<vmem>> -> memref<1x128xi32, #tpu.memory_space<vmem>>
        %dma_start3A_137 = tpu.memref_squeeze %dma_start3A_136 : memref<1x128xi32, #tpu.memory_space<vmem>> -> memref<128xi32, #tpu.memory_space<vmem>>
        %dma_start3A_138 = arith.constant 0 : i32
        %dma_start3A_139 = arith.constant 0 : i32
        %dma_start3A_140 = tpu.memref_slice %arg2[%dma_start3A_138, %dma_start3A_139] : memref<10000x64xf32, #tpu.memory_space<hbm>> -> memref<10000x64xf32, #tpu.memory_space<hbm>>
        tpu.enqueue_indirect_dma source(%dma_start3A_140 : memref<10000x64xf32, #tpu.memory_space<hbm>>) target(%dma_start3A_134 : memref<128x64xf32, #tpu.memory_space<vmem>>) offsets(%dma_start3A_137 : memref<128xi32, #tpu.memory_space<vmem>>) semaphore(%arg11 : memref<!tpu.dma_semaphore, #tpu.memory_space<semaphore_mem>>)
      } else {
      }
      %ge3A_73 = arith.constant 2 : i32
      %ge3A_74 = arith.cmpi sge, %add3A_59, %ge3A_73 : i32
      %le3A_75 = arith.constant 81 : i32
      %le3A_76 = arith.cmpi sle, %add3A_59, %le3A_75 : i32
      %and3A_77 = arith.andi %ge3A_74, %le3A_76 : i1
      %convert_element_type3A_78 = arith.extui %and3A_77 : i1 to i32
      %cond3A_79 = arith.constant 0 : i32
      %cond3A_80 = arith.cmpi ne, %convert_element_type3A_78, %cond3A_79 : i32
      scf.if %cond3A_80 {
        %dma_wait3A = arith.constant 0 : i32
        %dma_wait3A_131 = arith.constant 3 : i32
        %dma_wait3A_132 = arith.constant 0 : i32
        %dma_wait3A_133 = arith.constant 0 : i32
        %dma_wait3A_134 = tpu.memref_slice %arg6[%dma_wait3A_131, %dma_wait3A_132, %dma_wait3A_133] : memref<4x128x64xf32, #tpu.memory_space<vmem>> -> memref<1x128x64xf32, #tpu.memory_space<vmem>>
        %dma_wait3A_135 = tpu.memref_squeeze %dma_wait3A_134 : memref<1x128x64xf32, #tpu.memory_space<vmem>> -> memref<128x64xf32, #tpu.memory_space<vmem>>
        %dma_wait3A_136 = arith.constant 0 : i32
        %dma_wait3A_137 = tpu.memref_slice %arg7[%dma_wait3A, %dma_wait3A_136] : memref<80x128xi32, #tpu.memory_space<vmem>> -> memref<1x128xi32, #tpu.memory_space<vmem>>
        %dma_wait3A_138 = tpu.memref_squeeze %dma_wait3A_137 : memref<1x128xi32, #tpu.memory_space<vmem>> -> memref<128xi32, #tpu.memory_space<vmem>>
        %dma_wait3A_139 = arith.constant 0 : i32
        %dma_wait3A_140 = arith.constant 0 : i32
        %dma_wait3A_141 = tpu.memref_slice %arg2[%dma_wait3A_139, %dma_wait3A_140] : memref<10000x64xf32, #tpu.memory_space<hbm>> -> memref<10000x64xf32, #tpu.memory_space<hbm>>
        tpu.wait_indirect_dma semaphore(%arg13 : memref<!tpu.dma_semaphore, #tpu.memory_space<semaphore_mem>>) src(%dma_wait3A_141 : memref<10000x64xf32, #tpu.memory_space<hbm>>) dst(%dma_wait3A_135 : memref<128x64xf32, #tpu.memory_space<vmem>>)
        %sub3A = arith.constant 2 : i32
        %sub3A_142 = arith.subi %add3A_59, %sub3A : i32
        %dma_start3A = arith.constant 3 : i32
        %dma_start3A_143 = arith.constant 0 : i32
        %dma_start3A_144 = arith.constant 0 : i32
        %dma_start3A_145 = tpu.memref_slice %arg6[%dma_start3A, %dma_start3A_143, %dma_start3A_144] : memref<4x128x64xf32, #tpu.memory_space<vmem>> -> memref<1x128x64xf32, #tpu.memory_space<vmem>>
        %dma_start3A_146 = tpu.memref_squeeze %dma_start3A_145 : memref<1x128x64xf32, #tpu.memory_space<vmem>> -> memref<128x64xf32, #tpu.memory_space<vmem>>
        %dma_start3A_147 = arith.constant 0 : i32
        %dma_start3A_148 = tpu.memref_slice %arg8[%sub3A_142, %dma_start3A_147] : memref<80x128xi32, #tpu.memory_space<vmem>> -> memref<1x128xi32, #tpu.memory_space<vmem>>
        %dma_start3A_149 = tpu.memref_squeeze %dma_start3A_148 : memref<1x128xi32, #tpu.memory_space<vmem>> -> memref<128xi32, #tpu.memory_space<vmem>>
        %dma_start3A_150 = arith.constant 0 : i32
        %dma_start3A_151 = arith.constant 0 : i32
        %dma_start3A_152 = tpu.memref_slice %arg9[%dma_start3A_150, %dma_start3A_151] : memref<10112x64xf32, #tpu.memory_space<vmem_shared>> -> memref<10112x64xf32, #tpu.memory_space<vmem_shared>>
        tpu.enqueue_indirect_dma source(%dma_start3A_146 : memref<128x64xf32, #tpu.memory_space<vmem>>) target(%dma_start3A_152 : memref<10112x64xf32, #tpu.memory_space<vmem_shared>>) offsets(%dma_start3A_149 : memref<128xi32, #tpu.memory_space<vmem>>) semaphore(%arg17 : memref<!tpu.dma_semaphore, #tpu.memory_space<semaphore_mem>>) {add = true}
      } else {
      }
      %mul3A_81 = arith.constant 4 : i32
      %mul3A_82 = arith.muli %scan3A_36, %mul3A_81 : i32
      %add3A_83 = arith.constant 2 : i32
      %add3A_84 = arith.addi %mul3A_82, %add3A_83 : i32
      %ge3A_85 = arith.constant 4 : i32
      %ge3A_86 = arith.cmpi sge, %add3A_84, %ge3A_85 : i32
      %le3A_87 = arith.constant 83 : i32
      %le3A_88 = arith.cmpi sle, %add3A_84, %le3A_87 : i32
      %and3A_89 = arith.andi %ge3A_86, %le3A_88 : i1
      %convert_element_type3A_90 = arith.extui %and3A_89 : i1 to i32
      %cond3A_91 = arith.constant 0 : i32
      %cond3A_92 = arith.cmpi ne, %convert_element_type3A_90, %cond3A_91 : i32
      scf.if %cond3A_92 {
        %dma_wait3A = arith.constant 2 : i32
        %dma_wait3A_131 = arith.constant 0 : i32
        %dma_wait3A_132 = arith.constant 0 : i32
        %dma_wait3A_133 = arith.constant 0 : i32
        %dma_wait3A_134 = tpu.memref_slice %arg6[%dma_wait3A, %dma_wait3A_132, %dma_wait3A_133] : memref<4x128x64xf32, #tpu.memory_space<vmem>> -> memref<1x128x64xf32, #tpu.memory_space<vmem>>
        %dma_wait3A_135 = tpu.memref_squeeze %dma_wait3A_134 : memref<1x128x64xf32, #tpu.memory_space<vmem>> -> memref<128x64xf32, #tpu.memory_space<vmem>>
        %dma_wait3A_136 = arith.constant 0 : i32
        %dma_wait3A_137 = tpu.memref_slice %arg8[%dma_wait3A_131, %dma_wait3A_136] : memref<80x128xi32, #tpu.memory_space<vmem>> -> memref<1x128xi32, #tpu.memory_space<vmem>>
        %dma_wait3A_138 = tpu.memref_squeeze %dma_wait3A_137 : memref<1x128xi32, #tpu.memory_space<vmem>> -> memref<128xi32, #tpu.memory_space<vmem>>
        %dma_wait3A_139 = arith.constant 0 : i32
        %dma_wait3A_140 = arith.constant 0 : i32
        %dma_wait3A_141 = tpu.memref_slice %arg9[%dma_wait3A_139, %dma_wait3A_140] : memref<10112x64xf32, #tpu.memory_space<vmem_shared>> -> memref<10112x64xf32, #tpu.memory_space<vmem_shared>>
        tpu.wait_indirect_dma semaphore(%arg16 : memref<!tpu.dma_semaphore, #tpu.memory_space<semaphore_mem>>) src(%dma_wait3A_135 : memref<128x64xf32, #tpu.memory_space<vmem>>) dst(%dma_wait3A_141 : memref<10112x64xf32, #tpu.memory_space<vmem_shared>>)
      } else {
      }
      %lt3A_93 = arith.constant 80 : i32
      %lt3A_94 = arith.cmpi slt, %add3A_84, %lt3A_93 : i32
      %convert_element_type3A_95 = arith.extui %lt3A_94 : i1 to i32
      %cond3A_96 = arith.constant 0 : i32
      %cond3A_97 = arith.cmpi ne, %convert_element_type3A_95, %cond3A_96 : i32
      scf.if %cond3A_97 {
        %dma_start3A = arith.constant 2 : i32
        %dma_start3A_131 = arith.constant 0 : i32
        %dma_start3A_132 = arith.constant 0 : i32
        %dma_start3A_133 = tpu.memref_slice %arg6[%dma_start3A, %dma_start3A_131, %dma_start3A_132] : memref<4x128x64xf32, #tpu.memory_space<vmem>> -> memref<1x128x64xf32, #tpu.memory_space<vmem>>
        %dma_start3A_134 = tpu.memref_squeeze %dma_start3A_133 : memref<1x128x64xf32, #tpu.memory_space<vmem>> -> memref<128x64xf32, #tpu.memory_space<vmem>>
        %dma_start3A_135 = arith.constant 0 : i32
        %dma_start3A_136 = tpu.memref_slice %arg7[%add3A_84, %dma_start3A_135] : memref<80x128xi32, #tpu.memory_space<vmem>> -> memref<1x128xi32, #tpu.memory_space<vmem>>
        %dma_start3A_137 = tpu.memref_squeeze %dma_start3A_136 : memref<1x128xi32, #tpu.memory_space<vmem>> -> memref<128xi32, #tpu.memory_space<vmem>>
        %dma_start3A_138 = arith.constant 0 : i32
        %dma_start3A_139 = arith.constant 0 : i32
        %dma_start3A_140 = tpu.memref_slice %arg2[%dma_start3A_138, %dma_start3A_139] : memref<10000x64xf32, #tpu.memory_space<hbm>> -> memref<10000x64xf32, #tpu.memory_space<hbm>>
        tpu.enqueue_indirect_dma source(%dma_start3A_140 : memref<10000x64xf32, #tpu.memory_space<hbm>>) target(%dma_start3A_134 : memref<128x64xf32, #tpu.memory_space<vmem>>) offsets(%dma_start3A_137 : memref<128xi32, #tpu.memory_space<vmem>>) semaphore(%arg12 : memref<!tpu.dma_semaphore, #tpu.memory_space<semaphore_mem>>)
      } else {
      }
      %ge3A_98 = arith.constant 2 : i32
      %ge3A_99 = arith.cmpi sge, %add3A_84, %ge3A_98 : i32
      %le3A_100 = arith.constant 81 : i32
      %le3A_101 = arith.cmpi sle, %add3A_84, %le3A_100 : i32
      %and3A_102 = arith.andi %ge3A_99, %le3A_101 : i1
      %convert_element_type3A_103 = arith.extui %and3A_102 : i1 to i32
      %cond3A_104 = arith.constant 0 : i32
      %cond3A_105 = arith.cmpi ne, %convert_element_type3A_103, %cond3A_104 : i32
      scf.if %cond3A_105 {
        %dma_wait3A = arith.constant 0 : i32
        %dma_wait3A_131 = arith.constant 0 : i32
        %dma_wait3A_132 = arith.constant 0 : i32
        %dma_wait3A_133 = arith.constant 0 : i32
        %dma_wait3A_134 = tpu.memref_slice %arg6[%dma_wait3A_131, %dma_wait3A_132, %dma_wait3A_133] : memref<4x128x64xf32, #tpu.memory_space<vmem>> -> memref<1x128x64xf32, #tpu.memory_space<vmem>>
        %dma_wait3A_135 = tpu.memref_squeeze %dma_wait3A_134 : memref<1x128x64xf32, #tpu.memory_space<vmem>> -> memref<128x64xf32, #tpu.memory_space<vmem>>
        %dma_wait3A_136 = arith.constant 0 : i32
        %dma_wait3A_137 = tpu.memref_slice %arg7[%dma_wait3A, %dma_wait3A_136] : memref<80x128xi32, #tpu.memory_space<vmem>> -> memref<1x128xi32, #tpu.memory_space<vmem>>
        %dma_wait3A_138 = tpu.memref_squeeze %dma_wait3A_137 : memref<1x128xi32, #tpu.memory_space<vmem>> -> memref<128xi32, #tpu.memory_space<vmem>>
        %dma_wait3A_139 = arith.constant 0 : i32
        %dma_wait3A_140 = arith.constant 0 : i32
        %dma_wait3A_141 = tpu.memref_slice %arg2[%dma_wait3A_139, %dma_wait3A_140] : memref<10000x64xf32, #tpu.memory_space<hbm>> -> memref<10000x64xf32, #tpu.memory_space<hbm>>
        tpu.wait_indirect_dma semaphore(%arg10 : memref<!tpu.dma_semaphore, #tpu.memory_space<semaphore_mem>>) src(%dma_wait3A_141 : memref<10000x64xf32, #tpu.memory_space<hbm>>) dst(%dma_wait3A_135 : memref<128x64xf32, #tpu.memory_space<vmem>>)
        %sub3A = arith.constant 2 : i32
        %sub3A_142 = arith.subi %add3A_84, %sub3A : i32
        %dma_start3A = arith.constant 0 : i32
        %dma_start3A_143 = arith.constant 0 : i32
        %dma_start3A_144 = arith.constant 0 : i32
        %dma_start3A_145 = tpu.memref_slice %arg6[%dma_start3A, %dma_start3A_143, %dma_start3A_144] : memref<4x128x64xf32, #tpu.memory_space<vmem>> -> memref<1x128x64xf32, #tpu.memory_space<vmem>>
        %dma_start3A_146 = tpu.memref_squeeze %dma_start3A_145 : memref<1x128x64xf32, #tpu.memory_space<vmem>> -> memref<128x64xf32, #tpu.memory_space<vmem>>
        %dma_start3A_147 = arith.constant 0 : i32
        %dma_start3A_148 = tpu.memref_slice %arg8[%sub3A_142, %dma_start3A_147] : memref<80x128xi32, #tpu.memory_space<vmem>> -> memref<1x128xi32, #tpu.memory_space<vmem>>
        %dma_start3A_149 = tpu.memref_squeeze %dma_start3A_148 : memref<1x128xi32, #tpu.memory_space<vmem>> -> memref<128xi32, #tpu.memory_space<vmem>>
        %dma_start3A_150 = arith.constant 0 : i32
        %dma_start3A_151 = arith.constant 0 : i32
        %dma_start3A_152 = tpu.memref_slice %arg9[%dma_start3A_150, %dma_start3A_151] : memref<10112x64xf32, #tpu.memory_space<vmem_shared>> -> memref<10112x64xf32, #tpu.memory_space<vmem_shared>>
        tpu.enqueue_indirect_dma source(%dma_start3A_146 : memref<128x64xf32, #tpu.memory_space<vmem>>) target(%dma_start3A_152 : memref<10112x64xf32, #tpu.memory_space<vmem_shared>>) offsets(%dma_start3A_149 : memref<128xi32, #tpu.memory_space<vmem>>) semaphore(%arg14 : memref<!tpu.dma_semaphore, #tpu.memory_space<semaphore_mem>>) {add = true}
      } else {
      }
      %mul3A_106 = arith.constant 4 : i32
      %mul3A_107 = arith.muli %scan3A_36, %mul3A_106 : i32
      %add3A_108 = arith.constant 3 : i32
      %add3A_109 = arith.addi %mul3A_107, %add3A_108 : i32
      %ge3A_110 = arith.constant 4 : i32
      %ge3A_111 = arith.cmpi sge, %add3A_109, %ge3A_110 : i32
      %le3A_112 = arith.constant 83 : i32
      %le3A_113 = arith.cmpi sle, %add3A_109, %le3A_112 : i32
      %and3A_114 = arith.andi %ge3A_111, %le3A_113 : i1
      %convert_element_type3A_115 = arith.extui %and3A_114 : i1 to i32
      %cond3A_116 = arith.constant 0 : i32
      %cond3A_117 = arith.cmpi ne, %convert_element_type3A_115, %cond3A_116 : i32
      scf.if %cond3A_117 {
        %dma_wait3A = arith.constant 3 : i32
        %dma_wait3A_131 = arith.constant 0 : i32
        %dma_wait3A_132 = arith.constant 0 : i32
        %dma_wait3A_133 = arith.constant 0 : i32
        %dma_wait3A_134 = tpu.memref_slice %arg6[%dma_wait3A, %dma_wait3A_132, %dma_wait3A_133] : memref<4x128x64xf32, #tpu.memory_space<vmem>> -> memref<1x128x64xf32, #tpu.memory_space<vmem>>
        %dma_wait3A_135 = tpu.memref_squeeze %dma_wait3A_134 : memref<1x128x64xf32, #tpu.memory_space<vmem>> -> memref<128x64xf32, #tpu.memory_space<vmem>>
        %dma_wait3A_136 = arith.constant 0 : i32
        %dma_wait3A_137 = tpu.memref_slice %arg8[%dma_wait3A_131, %dma_wait3A_136] : memref<80x128xi32, #tpu.memory_space<vmem>> -> memref<1x128xi32, #tpu.memory_space<vmem>>
        %dma_wait3A_138 = tpu.memref_squeeze %dma_wait3A_137 : memref<1x128xi32, #tpu.memory_space<vmem>> -> memref<128xi32, #tpu.memory_space<vmem>>
        %dma_wait3A_139 = arith.constant 0 : i32
        %dma_wait3A_140 = arith.constant 0 : i32
        %dma_wait3A_141 = tpu.memref_slice %arg9[%dma_wait3A_139, %dma_wait3A_140] : memref<10112x64xf32, #tpu.memory_space<vmem_shared>> -> memref<10112x64xf32, #tpu.memory_space<vmem_shared>>
        tpu.wait_indirect_dma semaphore(%arg17 : memref<!tpu.dma_semaphore, #tpu.memory_space<semaphore_mem>>) src(%dma_wait3A_135 : memref<128x64xf32, #tpu.memory_space<vmem>>) dst(%dma_wait3A_141 : memref<10112x64xf32, #tpu.memory_space<vmem_shared>>)
      } else {
      }
      %lt3A_118 = arith.constant 80 : i32
      %lt3A_119 = arith.cmpi slt, %add3A_109, %lt3A_118 : i32
      %convert_element_type3A_120 = arith.extui %lt3A_119 : i1 to i32
      %cond3A_121 = arith.constant 0 : i32
      %cond3A_122 = arith.cmpi ne, %convert_element_type3A_120, %cond3A_121 : i32
      scf.if %cond3A_122 {
        %dma_start3A = arith.constant 3 : i32
        %dma_start3A_131 = arith.constant 0 : i32
        %dma_start3A_132 = arith.constant 0 : i32
        %dma_start3A_133 = tpu.memref_slice %arg6[%dma_start3A, %dma_start3A_131, %dma_start3A_132] : memref<4x128x64xf32, #tpu.memory_space<vmem>> -> memref<1x128x64xf32, #tpu.memory_space<vmem>>
        %dma_start3A_134 = tpu.memref_squeeze %dma_start3A_133 : memref<1x128x64xf32, #tpu.memory_space<vmem>> -> memref<128x64xf32, #tpu.memory_space<vmem>>
        %dma_start3A_135 = arith.constant 0 : i32
        %dma_start3A_136 = tpu.memref_slice %arg7[%add3A_109, %dma_start3A_135] : memref<80x128xi32, #tpu.memory_space<vmem>> -> memref<1x128xi32, #tpu.memory_space<vmem>>
        %dma_start3A_137 = tpu.memref_squeeze %dma_start3A_136 : memref<1x128xi32, #tpu.memory_space<vmem>> -> memref<128xi32, #tpu.memory_space<vmem>>
        %dma_start3A_138 = arith.constant 0 : i32
        %dma_start3A_139 = arith.constant 0 : i32
        %dma_start3A_140 = tpu.memref_slice %arg2[%dma_start3A_138, %dma_start3A_139] : memref<10000x64xf32, #tpu.memory_space<hbm>> -> memref<10000x64xf32, #tpu.memory_space<hbm>>
        tpu.enqueue_indirect_dma source(%dma_start3A_140 : memref<10000x64xf32, #tpu.memory_space<hbm>>) target(%dma_start3A_134 : memref<128x64xf32, #tpu.memory_space<vmem>>) offsets(%dma_start3A_137 : memref<128xi32, #tpu.memory_space<vmem>>) semaphore(%arg13 : memref<!tpu.dma_semaphore, #tpu.memory_space<semaphore_mem>>)
      } else {
      }
      %ge3A_123 = arith.constant 2 : i32
      %ge3A_124 = arith.cmpi sge, %add3A_109, %ge3A_123 : i32
      %le3A_125 = arith.constant 81 : i32
      %le3A_126 = arith.cmpi sle, %add3A_109, %le3A_125 : i32
      %and3A_127 = arith.andi %ge3A_124, %le3A_126 : i1
      %convert_element_type3A_128 = arith.extui %and3A_127 : i1 to i32
      %cond3A_129 = arith.constant 0 : i32
      %cond3A_130 = arith.cmpi ne, %convert_element_type3A_128, %cond3A_129 : i32
      scf.if %cond3A_130 {
        %dma_wait3A = arith.constant 0 : i32
        %dma_wait3A_131 = arith.constant 1 : i32
        %dma_wait3A_132 = arith.constant 0 : i32
        %dma_wait3A_133 = arith.constant 0 : i32
        %dma_wait3A_134 = tpu.memref_slice %arg6[%dma_wait3A_131, %dma_wait3A_132, %dma_wait3A_133] : memref<4x128x64xf32, #tpu.memory_space<vmem>> -> memref<1x128x64xf32, #tpu.memory_space<vmem>>
        %dma_wait3A_135 = tpu.memref_squeeze %dma_wait3A_134 : memref<1x128x64xf32, #tpu.memory_space<vmem>> -> memref<128x64xf32, #tpu.memory_space<vmem>>
        %dma_wait3A_136 = arith.constant 0 : i32
        %dma_wait3A_137 = tpu.memref_slice %arg7[%dma_wait3A, %dma_wait3A_136] : memref<80x128xi32, #tpu.memory_space<vmem>> -> memref<1x128xi32, #tpu.memory_space<vmem>>
        %dma_wait3A_138 = tpu.memref_squeeze %dma_wait3A_137 : memref<1x128xi32, #tpu.memory_space<vmem>> -> memref<128xi32, #tpu.memory_space<vmem>>
        %dma_wait3A_139 = arith.constant 0 : i32
        %dma_wait3A_140 = arith.constant 0 : i32
        %dma_wait3A_141 = tpu.memref_slice %arg2[%dma_wait3A_139, %dma_wait3A_140] : memref<10000x64xf32, #tpu.memory_space<hbm>> -> memref<10000x64xf32, #tpu.memory_space<hbm>>
        tpu.wait_indirect_dma semaphore(%arg11 : memref<!tpu.dma_semaphore, #tpu.memory_space<semaphore_mem>>) src(%dma_wait3A_141 : memref<10000x64xf32, #tpu.memory_space<hbm>>) dst(%dma_wait3A_135 : memref<128x64xf32, #tpu.memory_space<vmem>>)
        %sub3A = arith.constant 2 : i32
        %sub3A_142 = arith.subi %add3A_109, %sub3A : i32
        %dma_start3A = arith.constant 1 : i32
        %dma_start3A_143 = arith.constant 0 : i32
        %dma_start3A_144 = arith.constant 0 : i32
        %dma_start3A_145 = tpu.memref_slice %arg6[%dma_start3A, %dma_start3A_143, %dma_start3A_144] : memref<4x128x64xf32, #tpu.memory_space<vmem>> -> memref<1x128x64xf32, #tpu.memory_space<vmem>>
        %dma_start3A_146 = tpu.memref_squeeze %dma_start3A_145 : memref<1x128x64xf32, #tpu.memory_space<vmem>> -> memref<128x64xf32, #tpu.memory_space<vmem>>
        %dma_start3A_147 = arith.constant 0 : i32
        %dma_start3A_148 = tpu.memref_slice %arg8[%sub3A_142, %dma_start3A_147] : memref<80x128xi32, #tpu.memory_space<vmem>> -> memref<1x128xi32, #tpu.memory_space<vmem>>
        %dma_start3A_149 = tpu.memref_squeeze %dma_start3A_148 : memref<1x128xi32, #tpu.memory_space<vmem>> -> memref<128xi32, #tpu.memory_space<vmem>>
        %dma_start3A_150 = arith.constant 0 : i32
        %dma_start3A_151 = arith.constant 0 : i32
        %dma_start3A_152 = tpu.memref_slice %arg9[%dma_start3A_150, %dma_start3A_151] : memref<10112x64xf32, #tpu.memory_space<vmem_shared>> -> memref<10112x64xf32, #tpu.memory_space<vmem_shared>>
        tpu.enqueue_indirect_dma source(%dma_start3A_146 : memref<128x64xf32, #tpu.memory_space<vmem>>) target(%dma_start3A_152 : memref<10112x64xf32, #tpu.memory_space<vmem_shared>>) offsets(%dma_start3A_149 : memref<128xi32, #tpu.memory_space<vmem>>) semaphore(%arg15 : memref<!tpu.dma_semaphore, #tpu.memory_space<semaphore_mem>>) {add = true}
      } else {
      }
    }
    %scan3A_30 = arith.constant 21 : i32
    %barrier3A_31 = arith.constant 0 : index
    tpu.barrier barrier_id(%barrier3A_31)
    %mul3A_32 = arith.constant 632 : i32
    %mul3A_33 = arith.muli %arg1, %mul3A_32 : i32
    %mul3A_34 = arith.constant 632 : i32
    %mul3A_35 = arith.muli %arg1, %mul3A_34 : i32
    "tpu.region"() ({
      %run_scoped3A_36 = tpu.sem_alloc : memref<!tpu.dma_semaphore, #tpu.memory_space<semaphore_mem>>
      %dma_start3A = arith.constant 0 : i32
      %dma_start3A_37 = tpu.memref_slice %arg5[%arg0, %mul3A_35, %dma_start3A] : memref<2x10112x64xf32, #tpu.memory_space<hbm>> -> memref<1x632x64xf32, #tpu.memory_space<hbm>>
      %dma_start3A_38 = tpu.memref_squeeze %dma_start3A_37 : memref<1x632x64xf32, #tpu.memory_space<hbm>> -> memref<632x64xf32, #tpu.memory_space<hbm>>
      %dma_start3A_39 = arith.constant 0 : i32
      %dma_start3A_40 = tpu.memref_slice %arg9[%mul3A_33, %dma_start3A_39] : memref<10112x64xf32, #tpu.memory_space<vmem_shared>> -> memref<632x64xf32, #tpu.memory_space<vmem_shared>>
      tpu.enqueue_dma source(%dma_start3A_40 : memref<632x64xf32, #tpu.memory_space<vmem_shared>>) target(%dma_start3A_38 : memref<632x64xf32, #tpu.memory_space<hbm>>) target_semaphore(%run_scoped3A_36 : memref<!tpu.dma_semaphore, #tpu.memory_space<semaphore_mem>>)
      %dma_wait3A = arith.constant 0 : i32
      %dma_wait3A_41 = tpu.memref_slice %arg5[%arg0, %mul3A_35, %dma_wait3A] : memref<2x10112x64xf32, #tpu.memory_space<hbm>> -> memref<1x632x64xf32, #tpu.memory_space<hbm>>
      %dma_wait3A_42 = tpu.memref_squeeze %dma_wait3A_41 : memref<1x632x64xf32, #tpu.memory_space<hbm>> -> memref<632x64xf32, #tpu.memory_space<hbm>>
      %dma_wait3A_43 = arith.constant 0 : i32
      %dma_wait3A_44 = tpu.memref_slice %arg9[%mul3A_33, %dma_wait3A_43] : memref<10112x64xf32, #tpu.memory_space<vmem_shared>> -> memref<632x64xf32, #tpu.memory_space<vmem_shared>>
      tpu.wait_dma2 semaphore(%run_scoped3A_36 : memref<!tpu.dma_semaphore, #tpu.memory_space<semaphore_mem>>) src(%dma_wait3A_44 : memref<632x64xf32, #tpu.memory_space<vmem_shared>>) dst(%dma_wait3A_42 : memref<632x64xf32, #tpu.memory_space<hbm>>)
      tpu.yield
    }) : () -> ()
    return
  }
}

module attributes {stable_mosaic.version = 14 : i64} {
  func.func @body(%arg0: memref<10000x128xf32, #tpu.memory_space<vmem>>, %arg1: memref<128x64xf32, #tpu.memory_space<vmem>>, %arg2: memref<2x10112x16xf32, #tpu.memory_space<vmem>>, %arg3: memref<10000x64xf32, #tpu.memory_space<vmem>>, %arg4: memref<10000x16xf32, #tpu.memory_space<vmem>>) attributes {dimension_semantics = [], scalar_prefetch = 0 : i64, scratch_operands = 0 : i64, tpu.core_type = #tpu.core_type<tc>} {
    %get3A = arith.constant 0 : index
    %get3A_0 = arith.constant 0 : index
    %get3A_1 = arith.constant 0 : index
    %get3A_2 = vector.load %arg2[%get3A, %get3A_0, %get3A_1] : memref<2x10112x16xf32, #tpu.memory_space<vmem>>, vector<1x10000x16xf32>
    %get3A_3 = vector.shape_cast %get3A_2 : vector<1x10000x16xf32> to vector<10000x16xf32>
    %get3A_4 = arith.constant 1 : index
    %get3A_5 = arith.constant 0 : index
    %get3A_6 = arith.constant 0 : index
    %get3A_7 = vector.load %arg2[%get3A_4, %get3A_5, %get3A_6] : memref<2x10112x16xf32, #tpu.memory_space<vmem>>, vector<1x10000x16xf32>
    %get3A_8 = vector.shape_cast %get3A_7 : vector<1x10000x16xf32> to vector<10000x16xf32>
    %add3A = arith.addf %get3A_3, %get3A_8 : vector<10000x16xf32>
    %add3A_9 = arith.constant 1.000000e+00 : f32
    %add3A_10 = vector.broadcast %add3A_9 : f32 to vector<10000x16xf32>
    %add3A_11 = arith.addf %add3A, %add3A_10 : vector<10000x16xf32>
    %rsqrt3A = math.rsqrt %add3A_11 : vector<10000x16xf32>
    %swap3A = arith.constant 0 : index
    %swap3A_12 = arith.constant 0 : index
    %swap3A_13 = vector.load %arg4[%swap3A, %swap3A_12] : memref<10000x16xf32, #tpu.memory_space<vmem>>, vector<10000x16xf32>
    tpu.vector_store %arg4[%swap3A, %swap3A_12], %rsqrt3A {strides = array<i32>} : memref<10000x16xf32, #tpu.memory_space<vmem>>, vector<10000x16xf32>,
    %get3A_14 = arith.constant 0 : index
    %get3A_15 = arith.constant 0 : index
    %get3A_16 = vector.load %arg0[%get3A_14, %get3A_15] : memref<10000x128xf32, #tpu.memory_space<vmem>>, vector<10000x128xf32>
    %get3A_17 = arith.constant 0 : index
    %get3A_18 = arith.constant 0 : index
    %get3A_19 = vector.load %arg1[%get3A_17, %get3A_18] : memref<128x64xf32, #tpu.memory_space<vmem>>, vector<128x64xf32>
    %dot_general3A = arith.constant dense<0.000000e+00> : vector<10000x64xf32>
    %dot_general3A_20 = tpu.matmul %get3A_16, %get3A_19, %dot_general3A {dimension_numbers = #tpu.dot_dimension_numbers<[1], [0], [0], [1], [0, 0, 1, 1], [], []>, transpose_lhs_hint = false} : vector<10000x128xf32>, vector<128x64xf32>, vector<10000x64xf32> -> vector<10000x64xf32>
    %slice3A = vector.extract_strided_slice %rsqrt3A {offsets = [0, 0], sizes = [10000, 1], strides = [1, 1]} : vector<10000x16xf32> to vector<10000x1xf32>
    %mul3A = vector.broadcast %slice3A : vector<10000x1xf32> to vector<10000x64xf32>
    %mul3A_21 = arith.mulf %dot_general3A_20, %mul3A : vector<10000x64xf32>
    %swap3A_22 = arith.constant 0 : index
    %swap3A_23 = arith.constant 0 : index
    %swap3A_24 = vector.load %arg3[%swap3A_22, %swap3A_23] : memref<10000x64xf32, #tpu.memory_space<vmem>>, vector<10000x64xf32>
    tpu.vector_store %arg3[%swap3A_22, %swap3A_23], %mul3A_21 {strides = array<i32>} : memref<10000x64xf32, #tpu.memory_space<vmem>>, vector<10000x64xf32>,
    return
  }
}

module attributes {stable_mosaic.version = 14 : i64} {
  func.func @body(%arg0: memref<2x10112x64xf32, #tpu.memory_space<vmem>>, %arg1: memref<10000x64xf32, #tpu.memory_space<vmem>>, %arg2: memref<10000x16xf32, #tpu.memory_space<vmem>>, %arg3: memref<1x64xf32, #tpu.memory_space<vmem>>, %arg4: memref<10000x64xf32, #tpu.memory_space<vmem>>) attributes {dimension_semantics = [], scalar_prefetch = 0 : i64, scratch_operands = 0 : i64, tpu.core_type = #tpu.core_type<tc>} {
    %get3A = arith.constant 0 : index
    %get3A_0 = arith.constant 0 : index
    %get3A_1 = vector.load %arg2[%get3A, %get3A_0] : memref<10000x16xf32, #tpu.memory_space<vmem>>, vector<10000x16xf32>
    %slice3A = vector.extract_strided_slice %get3A_1 {offsets = [0, 0], sizes = [10000, 1], strides = [1, 1]} : vector<10000x16xf32> to vector<10000x1xf32>
    %get3A_2 = arith.constant 0 : index
    %get3A_3 = arith.constant 0 : index
    %get3A_4 = arith.constant 0 : index
    %get3A_5 = vector.load %arg0[%get3A_2, %get3A_3, %get3A_4] : memref<2x10112x64xf32, #tpu.memory_space<vmem>>, vector<1x10000x64xf32>
    %get3A_6 = vector.shape_cast %get3A_5 : vector<1x10000x64xf32> to vector<10000x64xf32>
    %get3A_7 = arith.constant 1 : index
    %get3A_8 = arith.constant 0 : index
    %get3A_9 = arith.constant 0 : index
    %get3A_10 = vector.load %arg0[%get3A_7, %get3A_8, %get3A_9] : memref<2x10112x64xf32, #tpu.memory_space<vmem>>, vector<1x10000x64xf32>
    %get3A_11 = vector.shape_cast %get3A_10 : vector<1x10000x64xf32> to vector<10000x64xf32>
    %add3A = arith.addf %get3A_6, %get3A_11 : vector<10000x64xf32>
    %get3A_12 = arith.constant 0 : index
    %get3A_13 = arith.constant 0 : index
    %get3A_14 = vector.load %arg1[%get3A_12, %get3A_13] : memref<10000x64xf32, #tpu.memory_space<vmem>>, vector<10000x64xf32>
    %add3A_15 = arith.addf %add3A, %get3A_14 : vector<10000x64xf32>
    %mul3A = vector.broadcast %slice3A : vector<10000x1xf32> to vector<10000x64xf32>
    %mul3A_16 = arith.mulf %add3A_15, %mul3A : vector<10000x64xf32>
    %get3A_17 = arith.constant 0 : index
    %get3A_18 = arith.constant 0 : index
    %get3A_19 = vector.load %arg3[%get3A_17, %get3A_18] : memref<1x64xf32, #tpu.memory_space<vmem>>, vector<1x64xf32>
    %add3A_20 = vector.broadcast %get3A_19 : vector<1x64xf32> to vector<10000x64xf32>
    %add3A_21 = arith.addf %mul3A_16, %add3A_20 : vector<10000x64xf32>
    %max3A = arith.constant 0.000000e+00 : f32
    %max3A_22 = vector.broadcast %max3A : f32 to vector<10000x64xf32>
    %max3A_23 = arith.maximumf %add3A_21, %max3A_22 : vector<10000x64xf32>
    %mul3A_24 = vector.broadcast %slice3A : vector<10000x1xf32> to vector<10000x64xf32>
    %mul3A_25 = arith.mulf %max3A_23, %mul3A_24 : vector<10000x64xf32>
    %swap3A = arith.constant 0 : index
    %swap3A_26 = arith.constant 0 : index
    %swap3A_27 = vector.load %arg4[%swap3A, %swap3A_26] : memref<10000x64xf32, #tpu.memory_space<vmem>>, vector<10000x64xf32>
    tpu.vector_store %arg4[%swap3A, %swap3A_26], %mul3A_25 {strides = array<i32>} : memref<10000x64xf32, #tpu.memory_space<vmem>>, vector<10000x64xf32>,
    return
  }
}

module attributes {stable_mosaic.version = 14 : i64} {
  func.func @body(%arg0: memref<2x10112x64xf32, #tpu.memory_space<vmem>>, %arg1: memref<10000x64xf32, #tpu.memory_space<vmem>>, %arg2: memref<10000x16xf32, #tpu.memory_space<vmem>>, %arg3: memref<64x32xf32, #tpu.memory_space<vmem>>, %arg4: memref<1x32xf32, #tpu.memory_space<vmem>>, %arg5: memref<64x32xf32, #tpu.memory_space<vmem>>, %arg6: memref<1x32xf32, #tpu.memory_space<vmem>>, %arg7: memref<10000x32xf32, #tpu.memory_space<vmem>>, %arg8: memref<10000x32xf32, #tpu.memory_space<vmem>>) attributes {dimension_semantics = [], scalar_prefetch = 0 : i64, scratch_operands = 0 : i64, tpu.core_type = #tpu.core_type<tc>} {
    %get3A = arith.constant 0 : index
    %get3A_0 = arith.constant 0 : index
    %get3A_1 = arith.constant 0 : index
    %get3A_2 = vector.load %arg0[%get3A, %get3A_0, %get3A_1] : memref<2x10112x64xf32, #tpu.memory_space<vmem>>, vector<1x10000x64xf32>
    %get3A_3 = vector.shape_cast %get3A_2 : vector<1x10000x64xf32> to vector<10000x64xf32>
    %get3A_4 = arith.constant 1 : index
    %get3A_5 = arith.constant 0 : index
    %get3A_6 = arith.constant 0 : index
    %get3A_7 = vector.load %arg0[%get3A_4, %get3A_5, %get3A_6] : memref<2x10112x64xf32, #tpu.memory_space<vmem>>, vector<1x10000x64xf32>
    %get3A_8 = vector.shape_cast %get3A_7 : vector<1x10000x64xf32> to vector<10000x64xf32>
    %add3A = arith.addf %get3A_3, %get3A_8 : vector<10000x64xf32>
    %get3A_9 = arith.constant 0 : index
    %get3A_10 = arith.constant 0 : index
    %get3A_11 = vector.load %arg1[%get3A_9, %get3A_10] : memref<10000x64xf32, #tpu.memory_space<vmem>>, vector<10000x64xf32>
    %add3A_12 = arith.addf %add3A, %get3A_11 : vector<10000x64xf32>
    %get3A_13 = arith.constant 0 : index
    %get3A_14 = arith.constant 0 : index
    %get3A_15 = vector.load %arg2[%get3A_13, %get3A_14] : memref<10000x16xf32, #tpu.memory_space<vmem>>, vector<10000x16xf32>
    %slice3A = vector.extract_strided_slice %get3A_15 {offsets = [0, 0], sizes = [10000, 1], strides = [1, 1]} : vector<10000x16xf32> to vector<10000x1xf32>
    %mul3A = vector.broadcast %slice3A : vector<10000x1xf32> to vector<10000x64xf32>
    %mul3A_16 = arith.mulf %add3A_12, %mul3A : vector<10000x64xf32>
    %get3A_17 = arith.constant 0 : index
    %get3A_18 = arith.constant 0 : index
    %get3A_19 = vector.load %arg3[%get3A_17, %get3A_18] : memref<64x32xf32, #tpu.memory_space<vmem>>, vector<64x32xf32>
    %dot_general3A = arith.constant dense<0.000000e+00> : vector<10000x32xf32>
    %dot_general3A_20 = tpu.matmul %mul3A_16, %get3A_19, %dot_general3A {dimension_numbers = #tpu.dot_dimension_numbers<[1], [0], [0], [1], [0, 0, 1, 1], [], []>, transpose_lhs_hint = false} : vector<10000x64xf32>, vector<64x32xf32>, vector<10000x32xf32> -> vector<10000x32xf32>
    %get3A_21 = arith.constant 0 : index
    %get3A_22 = arith.constant 0 : index
    %get3A_23 = vector.load %arg4[%get3A_21, %get3A_22] : memref<1x32xf32, #tpu.memory_space<vmem>>, vector<1x32xf32>
    %add3A_24 = vector.broadcast %get3A_23 : vector<1x32xf32> to vector<10000x32xf32>
    %add3A_25 = arith.addf %dot_general3A_20, %add3A_24 : vector<10000x32xf32>
    %swap3A = arith.constant 0 : index
    %swap3A_26 = arith.constant 0 : index
    %swap3A_27 = vector.load %arg7[%swap3A, %swap3A_26] : memref<10000x32xf32, #tpu.memory_space<vmem>>, vector<10000x32xf32>
    tpu.vector_store %arg7[%swap3A, %swap3A_26], %add3A_25 {strides = array<i32>} : memref<10000x32xf32, #tpu.memory_space<vmem>>, vector<10000x32xf32>,
    %get3A_28 = arith.constant 0 : index
    %get3A_29 = arith.constant 0 : index
    %get3A_30 = vector.load %arg5[%get3A_28, %get3A_29] : memref<64x32xf32, #tpu.memory_space<vmem>>, vector<64x32xf32>
    %dot_general3A_31 = arith.constant dense<0.000000e+00> : vector<10000x32xf32>
    %dot_general3A_32 = tpu.matmul %mul3A_16, %get3A_30, %dot_general3A_31 {dimension_numbers = #tpu.dot_dimension_numbers<[1], [0], [0], [1], [0, 0, 1, 1], [], []>, transpose_lhs_hint = false} : vector<10000x64xf32>, vector<64x32xf32>, vector<10000x32xf32> -> vector<10000x32xf32>
    %get3A_33 = arith.constant 0 : index
    %get3A_34 = arith.constant 0 : index
    %get3A_35 = vector.load %arg6[%get3A_33, %get3A_34] : memref<1x32xf32, #tpu.memory_space<vmem>>, vector<1x32xf32>
    %add3A_36 = vector.broadcast %get3A_35 : vector<1x32xf32> to vector<10000x32xf32>
    %add3A_37 = arith.addf %dot_general3A_32, %add3A_36 : vector<10000x32xf32>
    %swap3A_38 = arith.constant 0 : index
    %swap3A_39 = arith.constant 0 : index
    %swap3A_40 = vector.load %arg8[%swap3A_38, %swap3A_39] : memref<10000x32xf32, #tpu.memory_space<vmem>>, vector<10000x32xf32>
    tpu.vector_store %arg8[%swap3A_38, %swap3A_39], %add3A_37 {strides = array<i32>} : memref<10000x32xf32, #tpu.memory_space<vmem>>, vector<10000x32xf32>,
    return
  }
}

</mosaic_0001>

<sc_bundles>
// kernel: kernel.11.cloned.1.call-start
scs
__scs_entry_jumppad:
0x0: {  	(pc) =	sbr.rel $0x88, $3  }
0x1: {  	(tag) =	ssettag $0x0;
	lr =	simm.s32 $0x1  }
0x2: {  	[smem:$0x3F99] =	sst lr;
	_ =	strace $0xD0000000  }
0x3: {  	_ = 	snop  }
0x4: {  	_ = 	snop  }
0x5: {  	_ = 	snop  }
0x6: {  	_ = 	snop  }
0x7: {  	_ = 	snop  }
__scs_overlays_trampoline_lowered:
0x8: {  	[smem:$0x3FA8] =	sst s0  }
0x9: {  	[smem:$0x3FA9] =	sst s1  }
0xa: {  	[smem:$0x3FAA] =	sst s2  }
0xb: {  	[smem:$0x3FAB] =	sst s3  }
0xc: {  	[smem:$0x3FAC] =	sst s4  }
0xd: {  	[smem:$0x3FAD] =	sst s5  }
0xe: {  	[smem:$0x3FAE] =	sst s6  }
0xf: {  	[smem:$0x3FAF] =	sst s7  }
0x10: {  	[smem:$0x3FB0] =	sst s8  }
0x11: {  	[smem:$0x3FB1] =	sst s9;
	s0 =	simm.s32 @!p0 $0x0  }
0x12: {  	s1 =	sld [smem:$0x3F97];
	s0 =	simm.s32 @p0 $0x1  }
0x13: {  	[smem:$0x3FB2] =	sst s0;
	s0 =	simm.s32 @!p1 $0x0  }
0x14: {  	s2 =	sld [smem:$0x3F96];
	s0 =	simm.s32 @p1 $0x1  }
0x15: {  	[smem:$0x3FB3] =	sst s0;
	s0 =	simm.s32 @!p2 $0x0  }
0x16: {  	s3 =	sld [smem:$0x3FDB];
	s0 =	simm.s32 @p2 $0x1  }
0x17: {  	s4 =	simm.s32 $0x1BF5;
	[smem:$0x3FB5] =	sst s0  }
0x18: {  	s0 =	sld [smem:$0x3F98];
	_ =	swait.ge [sflag:s4], $0x0  }
0x19: {  	s7 =	sld [smem:$0x3F99]  }
0x1a: {  	s8 =	sadd.s32 $0xFFFFE003, lr  }
0x1b: {  	s9 =	sadd.s32 $0xFFFFFEF7, lr;
	s5 =	simm.s32 $0xFFFFFFFF;
	p2 =	slt.u32 s8, $0xFFFFF086  }
0x1c: {  	p1 =	slt.u32 s9, $0xF7A;
	s5 =	simm.s32 @!p2 $0x0  }
0x1d: {  	s5 =	simm.s32 @p1 $0x1;
	p0 =	seq.s32 s7, s2  }
0x1e: {  	s7 =	smul.u32 @!p0 $0xF7A, s2;
	p2 =	seq.s32 @!p0 s5, $0x0  }
0x1f: {  	s9 =	smul.u32 $0xF7A, s1;
	s8 =	simm.s32 @!p0 $0x1BF5;
	p2 =	por !p2, p0  }
0x20: {  	[sflag:s8] =	ssyncset.s32 @!p0 $0xFFFFF086;
	s6 =	sadd.s32 @!p0 s3, s7;
	s7 =	simm.s32 @!p0 $0x108  }
0x21: {  	s3 =	sadd.s32 s3, s9;
	s6 =	sadd.s32 @!p0 $0x88, s6;
	s7 =	simm.s32 @p2 $0x1082  }
0x22: {  	[simem:s7], [sflag:s8] =	dma.local @!p0 [hbm:s6], $0xF7A  }
0x23: {  	s9 =	sor.u32 $0xD0000000, s2;
	s6 =	simm.s32 $0x108;
	_ =	swait.ge @!p0 [sflag:s8], $0x0  }
0x24: {  	s3 =	sadd.s32 $0x88, s3;
	s6 =	simm.s32 @!p1 $0x1082;
	[sflag:s4] =	ssyncset.s32 $0xFFFFF086  }
0x25: {  	[simem:s6], [sflag:s4] =	dma.local [hbm:s3], $0xF7A  }
0x26: {  	[smem:$0x3F99] =	sst s1;
	(tag) =	ssettag s2;
	_ =	strace s9  }
0x27: {  	s1 =	sld [smem:$0x3FA9]  }
0x28: {  	s2 =	sld [smem:$0x3FAA]  }
0x29: {  	s4 =	sld [smem:$0x3FAC]  }
0x2a: {  	p0 =	seq.s32 s5, $0x0;
	s5 =	sld [smem:$0x3FAD]  }
0x2b: {  	s6 =	sld [smem:$0x3FAE]  }
0x2c: {  	s7 =	sld [smem:$0x3FAF]  }
0x2d: {  	s3 =	simm.s32 $0x108;
	s8 =	sld [smem:$0x3FB0]  }
0x2e: {  	s3 =	simm.s32 @!p0 $0x1082;
	s9 =	sld [smem:$0x3FB1]  }
0x2f: {  	lr =	sadd.s32 s0, s3;
	s0 =	sld [smem:$0x3FA8]  }
0x30: {  	s3 =	sld [smem:$0x3FAB]  }
0x31: {  	[smem:$0x3FB4] =	sst s10  }
0x32: {  	s10 =	sld [smem:$0x3FB2];
	_ =	sdelay $0x3  }
0x33: {  	p0 =	seq.s32 s10, $0x1;
	s10 =	sld [smem:$0x3FB4];
	_ =	sdelay $0x3  }
0x34: {  	[smem:$0x3FB4] =	sst s10  }
0x35: {  	s10 =	sld [smem:$0x3FB3];
	_ =	sdelay $0x3  }
0x36: {  	p1 =	seq.s32 s10, $0x1;
	s10 =	sld [smem:$0x3FB4];
	_ =	sdelay $0x3  }
0x37: {  	[smem:$0x3FB4] =	sst s10  }
0x38: {  	s10 =	sld [smem:$0x3FB5]  }
0x39: {  	_ = 	snop;
	(pc) =	sbr.ind lr, $3  }
0x3a: {  	_ = 	snop  }
0x3b: {  	_ = 	snop  }
0x3c: {  	p2 =	seq.s32 s10, $0x1;
	s10 =	sld [smem:$0x3FB4]  }
0x3d: {  	_ =	shalt  }
0x3e: {  	_ =	shalt  }
0x3f: {  	_ =	shalt  }
0x40: {  	_ =	shalt  }
0x41: {  	_ =	shalt  }
0x42: {  	_ =	shalt  }
0x43: {  	_ =	shalt  }
0x44: {  	_ =	shalt  }
0x45: {  	_ =	shalt  }
0x46: {  	_ =	shalt  }
0x47: {  	_ =	shalt  }
0x48: {  	_ =	shalt  }
0x49: {  	_ =	shalt  }
0x4a: {  	_ =	shalt  }
0x4b: {  	_ =	shalt  }
0x4c: {  	_ =	shalt  }
0x4d: {  	_ =	shalt  }
0x4e: {  	_ =	shalt  }
0x4f: {  	_ =	shalt  }
0x50: {  	_ =	shalt  }
0x51: {  	_ =	shalt  }
0x52: {  	_ =	shalt  }
0x53: {  	_ =	shalt  }
0x54: {  	_ =	shalt  }
0x55: {  	_ =	shalt  }
0x56: {  	_ =	shalt  }
0x57: {  	_ =	shalt  }
0x58: {  	_ =	shalt  }
0x59: {  	_ =	shalt  }
0x5a: {  	_ =	shalt  }
0x5b: {  	_ =	shalt  }
0x5c: {  	_ =	shalt  }
0x5d: {  	_ =	shalt  }
0x5e: {  	_ =	shalt  }
0x5f: {  	_ =	shalt  }
0x60: {  	_ =	shalt  }
0x61: {  	_ =	shalt  }
0x62: {  	_ =	shalt  }
0x63: {  	_ =	shalt  }
0x64: {  	_ =	shalt  }
0x65: {  	_ =	shalt  }
0x66: {  	_ =	shalt  }
0x67: {  	_ =	shalt  }
0x68: {  	_ =	shalt  }
0x69: {  	_ =	shalt  }
0x6a: {  	_ =	shalt  }
0x6b: {  	_ =	shalt  }
0x6c: {  	_ =	shalt  }
0x6d: {  	_ =	shalt  }
0x6e: {  	_ =	shalt  }
0x6f: {  	_ =	shalt  }
0x70: {  	_ =	shalt  }
0x71: {  	_ =	shalt  }
0x72: {  	_ =	shalt  }
0x73: {  	_ =	shalt  }
0x74: {  	_ =	shalt  }
0x75: {  	_ =	shalt  }
0x76: {  	_ =	shalt  }
0x77: {  	_ =	shalt  }
0x78: {  	_ =	shalt  }
0x79: {  	_ =	shalt  }
0x7a: {  	_ =	shalt  }
0x7b: {  	_ =	shalt  }
0x7c: {  	_ =	shalt  }
0x7d: {  	_ =	shalt  }
0x7e: {  	_ =	shalt  }
0x7f: {  	_ =	shalt  }
0x80: {  	_ =	shalt  }
0x81: {  	_ =	shalt  }
0x82: {  	_ =	shalt  }
0x83: {  	_ =	shalt  }
0x84: {  	_ =	shalt  }
0x85: {  	_ =	shalt  }
0x86: {  	_ =	shalt  }
0x87: {  	_ =	shalt  }
.Lfunc_end0:
.L_simem_size_0:
called_computation.1_lowered:
.L_overlay_start_0:
0x88: {  	s2 =	sld [smem:$0x3FD9]  }
0x89: {  	s3 =	sld [smem:$0x3FFE];
	_ =	sdelay $0x1  }
0x8a: {  	s1 =	srdreg.scid  }
0x8b: {  	s0 =	sand.u32 $0x1, s1  }
0x8c: {  	s16 =	sshll.u32 s0, $0xA;
	s2 =	sadd.s32 s3, s2  }
0x8d: {  	s2 =	sadd.s32 s2, s16  }
0x8e: {  	[smem:$0x3FC0] =	sst s2  }
0x8f: {  	_ = 	snop  }
0x90: {  	(tm) =	ssettm $0x1  }
0x91: {  	s17 =	sld [smem:$0x3FFB];
	_ =	sdelay $0x3  }
0x92: {  	_ =	strace s17  }
0x93: {  	s2 =	sld [smem:$0x3FFC];
	_ =	sdelay $0x3  }
0x94: {  	_ =	strace s2  }
0x95: {  	s2 =	sld [smem:$0x3FFD];
	_ =	sdelay $0x3  }
0x96: {  	_ =	strace s2  }
0x97: {  	_ =	strace $0x8FFFFFFF  }
0x98: {  	s18 =	sld [smem:$0x3FDB];
	_ =	sdelay $0x1  }
0x99: {  	s19 =	simm.s32 $_scs_section_size  }
0x9a: {  	s4 =	simm.s32 $_size__tile_overlayer_lowered;
	s5 =	simm.s32 $_tile_overlayer_lowered  }
0x9b: {  	s22 =	simm.s32 $0x1BFF;
	s21 =	sshll.u32 s5, $0x1;
	s2 =	sadd.s32 s19, s18  }
0x9c: {  	s6 =	simm.s32 $0x0;
	s20 =	sshll.u32 s4, $0x1;
	s4 =	sadd.s32 s21, s2  }
0x9d: {  	[timem:s6], [sflag:s22] =	dma.local [hbm:s4], s20  }
0x9e: {  	_ =	swait.ge [sflag:s22], s20  }
0x9f: {  	s3 =	ssub.s32 $0x0, s20;
	[sflag:s22] =	ssyncset.done $0x0  }
0xa0: {  	[sflag:s22] =	ssyncadd.s32 s3;
	_ =	sdelay $0x1  }
0xa1: {  	s23 =	simm.s32 $0x1B8B  }
0xa2: {  	_ =	swait.ge [sflag:s23], $0x1  }
0xa3: {  	[sflag:s23] =	ssyncset.done $0x0  }
0xa4: {  	s25 =	simm.s32 $0x1B8E;
	s24 =	sld [smem:$0x3FFE];
	[sflag:s23] =	ssyncadd.s32 $0xFFFFFFFF  }
0xa5: {  	s26 =	simm.s32 $execute0_lowered;
	[smem:$0x3FD2] =	sst s25  }
0xa6: {  	s4 =	sshll.u32 s26, $0x1;
	_ =	strace $0x80000049;
	[dreg:$0x1] =	wrdreg $0xFFFFFFFF  }
0xa7: {  	s28 =	simm.s32 $_size_execute0_lowered;
	s2 =	sadd.s32 s2, s4;
	[dreg:$0x0] =	wrdreg $0x0  }
0xa8: {  	s4 =	sshll.u32 s28, $0x1;
	[dreg:$0x2] =	wrdreg s2  }
0xa9: {  	[dreg:$0x3] =	wrdreg s4  }
0xaa: {  	[dreg:$0x4] =	wrdreg $0xC0  }
0xab: {  	_ =	task [dreg:s6], $0x5FFFF  }
0xac: {  	[dreg:$0x1] =	wrdreg $0xFFFFFFFF  }
0xad: {  	[dreg:$0x0] =	wrdreg $0x60  }
0xae: {  	[dreg:$0x2] =	wrdreg s24  }
0xaf: {  	[dreg:$0x3] =	wrdreg $0xD0000  }
0xb0: {  	[dreg:$0x4] =	wrdreg $0x9  }
0xb1: {  	_ =	task.clear_ibuf [dreg:s6], $0x5FFFF;
	_ =	strace $0x90000049  }
0xb2: {  	s29 =	simm.s32 $0x9;
	_ =	strace $0x8000004B  }
0xb3: {  	_ =	swait.ge [sflag:s29], $0x1  }
0xb4: {  	[sflag:s29] =	ssyncadd.s32 $0xFFFFFFFF  }
0xb5: {  	_ =	strace $0x9000004B  }
0xb6: {  	_ =	sfence  }
0xb7: {  	s30 =	sld [smem:$0x0];
	_ =	sdelay $0x2  }
0xb8: {  	s31 =	sshll.u32 s1, $0xD;
	s1 =	sshrl.u32 s1, $0x2  }
0xb9: {  	s3 =	sand.u32 $0x4000, s31;
	s1 =	sadd.s32 s1, s30  }
0xba: {  	s0 =	sor.u32 s3, s0;
	s1 =	sshll.u32 s1, $0x11  }
0xbb: {  	s0 =	sor.u32 s1, s0  }
0xbc: {  	s0 =	sadd.s32 $0x8F2B, s0  }
0xbd: {  	[sflag:s0] =	ssyncadd.remote.s32 $0x1  }
0xbe: {  	_ =	sfence.sel $0xFFFF  }
0xbf: {  	[dreg:$0x0] =	wrdreg $0xFFFFFFFF;
	(pc) =	sbr.abs _section_cstart, $3  }
0xc0: {  	[dreg:$0x1] =	wrdreg $0xFFFFFFFF  }
0xc1: {  	_ =	task.clear_ibuf [dreg:s6], $0x2FFFF;
	_ =	strace $0x9FFFFFFF  }
0xc2: {  	(tm) =	ssettm $0x7FFFFFFF  }
0xc3: {  	_ =	shalt  }
tec
execute0_lowered:
.L_overlay_start_1:
0x0: {  	(tag) =	ssettag $0x1  }
0x1: {  	s5 =	rddreg [dreg:$0x0]  }
0x2: {  	s2 =	rddreg [dreg:$0x1]  }
0x3: {  	s0 =	rddreg [dreg:$0x2];
	s4 =	srdreg.scid  }
0x4: {  	s1 =	stileid.u32;
	s3 =	simm.s32 $0x0;
	s14 =	simm.s32 $0x8000  }
0x5: {  	s15 =	simm.s32 $0x9;
	s16 =	simm.s32 $0xA800;
	s17 =	simm.s32 $0x80  }
0x6: {  	s18 =	simm.s32 $0x6000;
	s19 =	simm.s32 $0x0;
	s7 =	smul.u32 $0x9E00, s1  }
0x7: {  	s6 =	sand.u32 $0x1, s4;
	[smem:$0x7FF] =	sst s3;
	s10 =	smul.u32 $0x27800, s1  }
0x8: {  	s4 =	sshll.u32 s6, $0x4;
	s8 =	smul.u32 $0x9E000, s6;
	_ =	strace $0x8000004A  }
0x9: {  	s6 =	ssub.s32 $0x2, s6;
	s9 =	sor.u32 s1, s4;
	s4 =	sadd.s32 $0x15E00, s5  }
0xa: {  	s30 =	sshrl.u32 s6, $0x1;
	s31 =	sshrl.u32 s10, $0x2;
	s9 =	smul.u32 $0x500, s9  }
0xb: {  	s8 =	sadd.s32 s7, s8;
	s13 =	ssub.s32 s6, s30;
	s11 =	sadd.s32 s31, s2  }
0xc: {  	s7 =	sadd.s32 s7, s2;
	s8 =	sshrl.u32 s8, $0x3;
	s10 =	sadd.s32 $0x6000, s11  }
0xd: {  	s13 =	smax.u32 s13, $0x1;
	s9 =	sadd.s32 s9, s5;
	s12 =	sadd.s32 s8, s5  }
0xe: {  	s8 =	sadd.s32 $0x2000, s11;
	s5 =	sadd.s32 $0xBE00, s9;
	s6 =	sadd.s32 $0x1E00, s9  }
0xf: {  	v0 =	vimm.f32 $0.0e+00;
	s9 =	sadd.s32 $0x4000, s11;
	s11 =	sadd.s32 $0x8000, s11;
	s12 =	sadd.s32 $0x29800, s12  }
.LBB2_1:
0x10: {  	s20 =	sand.u32 $0x7F00, s3  }
0x11: {  	s21 =	sand.u32 $0x30, s3;
	s22 =	sshrl.u32 s20, $0x2  }
0x12: {  	s20 =	simm.s32 $0x40;
	s22 =	sor.u32 s21, s22;
	s21 =	simm.s32 $0x0  }
.LBB2_2:
0x13: {  	p0 =	sne.s32 s20, $0x7FC0  }
0x14: {  	[tilespmem:s22+$0x0] =	vst v0;
	s21 =	sadd.s32 $0x10, s21;
	s22 =	smov.u32 s20;
	s20 =	sadd.s32 $0x40, s20  }
.Ltmp0:
0x15: {  	(pc) =	sbr.rel @p0 .LBB2_2-.Ltmp0, $4  }
0x16: {  	_ = 	snop  }
0x17: {  	s22 =	sand.u32 $0x7F00, s22  }
0x18: {  	s23 =	sand.u32 $0x30, s21;
	s22 =	sshrl.u32 s22, $0x2  }
0x19: {  	s22 =	sor.u32 s23, s22  }
0x1a: {  	[tilespmem:s22+$0x0] =	vst v0;
	s20 =	simm.s32 $0x0  }
0x1b: {  	[tilespmem:s14], [sflag:$0x9] =	stream.linear.gather [hbm4b:s5+s20], $0x2800, $0x38;
	[tilespmem:$0x16E00] =	vst v63  }
0x1c: {  	_ =	swait.ge [sflag:s15], $0x2800  }
0x1d: {  	[sflag:s15] =	ssyncset.done $0x0  }
0x1e: {  	[sflag:s15] =	ssyncadd.s32 $0xFFFFD800  }
0x1f: {  	[tilespmem:s16], [sflag:$0x9] =	stream.linear.gather [hbm4b:s6+s20], $0x2800, $0x38;
	[tilespmem:$0x16E00] =	vst v63  }
0x20: {  	_ =	swait.ge [sflag:s15], $0x2800  }
0x21: {  	[sflag:s15] =	ssyncset.done $0x0  }
0x22: {  	[sflag:s15] =	ssyncadd.s32 $0xFFFFD800  }
0x23: {  	[spmem:s7] =	stream.linear.scatter [tilespmem:s20], [sflag:$0x9], $0x2000, $0x38;
	[tilespmem:$0x16E00] =	vst v63  }
0x24: {  	_ =	swait.ge [sflag:s15], $0x2000  }
0x25: {  	[sflag:s15] =	ssyncset.done $0x0  }
0x26: {  	[sflag:s15] =	ssyncadd.s32 $0xFFFFE000  }
0x27: {  	[spmem:s8] =	stream.linear.scatter [tilespmem:s20], [sflag:$0x9], $0x2000, $0x38;
	[tilespmem:$0x16E00] =	vst v63  }
0x28: {  	_ =	swait.ge [sflag:s15], $0x2000  }
0x29: {  	[sflag:s15] =	ssyncset.done $0x0  }
0x2a: {  	[sflag:s15] =	ssyncadd.s32 $0xFFFFE000  }
0x2b: {  	[spmem:s9] =	stream.linear.scatter [tilespmem:s20], [sflag:$0x9], $0x2000, $0x38;
	[tilespmem:$0x16E00] =	vst v63  }
0x2c: {  	_ =	swait.ge [sflag:s15], $0x2000  }
0x2d: {  	[sflag:s15] =	ssyncset.done $0x0  }
0x2e: {  	[sflag:s15] =	ssyncadd.s32 $0xFFFFE000  }
0x2f: {  	[spmem:s10] =	stream.linear.scatter [tilespmem:s20], [sflag:$0x9], $0x2000, $0x38;
	[tilespmem:$0x16E00] =	vst v63  }
0x30: {  	_ =	swait.ge [sflag:s15], $0x2000  }
0x31: {  	[sflag:s15] =	ssyncset.done $0x0  }
0x32: {  	[sflag:s15] =	ssyncadd.s32 $0xFFFFE000  }
0x33: {  	[spmem:s11] =	stream.linear.scatter [tilespmem:s20], [sflag:$0x9], $0x1E00, $0x38;
	[tilespmem:$0x16E00] =	vst v63  }
0x34: {  	_ =	swait.ge [sflag:s15], $0x1E00  }
0x35: {  	[sflag:s15] =	ssyncset.done $0x0  }
0x36: {  	[sflag:s15] =	ssyncadd.s32 $0xFFFFE200  }
0x37: {  	s21 =	simm.s32 $0x3;
	[bflag:$0x0] =	sbarrier.arrive $0xFFFF  }
.LBB2_4:
0x38: {  	s22 =	sadd.s32 $0xFFFFFFF9, s21  }
0x39: {  	p0 =	sgt.u32 s22, $0x4F  }
0x3a: {  	s22 =	simm.s32 @!p0 $0x5  }
0x3b: {  	_ =	swait.ge @!p0 [sflag:s22], $0x2000  }
0x3c: {  	p1 =	seq.s32 s20, $0xA000;
	[sflag:s22] =	ssyncset.done @!p0 $0x0  }
0x3d: {  	[sflag:s22] =	ssyncadd.s32 @!p0 $0xFFFFE000;
	s22 =	sshra.s32 @!p1 s20, $0x2  }
0x3e: {  	s24 =	simm.s32 @!p1 $0x80;
	s25 =	simm.s32 @!p1 $0x0;
	s23 =	sadd.s32 @!p1 $0x8000, s22  }
0x3f: {  	[tilespmem:s25], [sflag:$0x1] =	stream.indirect.gather @!p1 [hbm4b:s4+s24], $0x40, s23, s24, $0xb8;
	[tilespmem:$0x16E00] =	vst v63  }
0x40: {  	s23 =	simm.s32 @!p0 $0x3  }
0x41: {  	_ =	swait.ge @!p0 [sflag:s23], $0x2000  }
0x42: {  	[sflag:s23] =	ssyncset.done @!p0 $0x0  }
0x43: {  	p2 =	sne.s32 s20, $0x0;
	[sflag:s23] =	ssyncadd.s32 @!p0 $0xFFFFE000;
	s23 =	sshra.s32 @!p0 s20, $0x2  }
0x44: {  	s26 =	simm.s32 @!p0 $0x4000;
	s25 =	simm.s32 @!p0 $0x80;
	s23 =	sadd.s32 @!p0 $0xA700, s23  }
0x45: {  	[spmem:s2] =	stream.indirect.scatter.add.f32 @!p0 [tilespmem:s26], [sflag:$0x7], $0x40, s23, s25, $0xb8;
	[tilespmem:$0x16E00] =	vst v63  }
0x46: {  	s23 =	simm.s32 @p2 $0x6  }
0x47: {  	p3 =	seq.s32 @p2 s20, $0xA000;
	_ =	swait.ge @p2 [sflag:s23], $0x2000  }
0x48: {  	p3 =	por p3, !p2;
	[sflag:s23] =	ssyncset.done @p2 $0x0  }
0x49: {  	[sflag:s23] =	ssyncadd.s32 @p2 $0xFFFFE000;
	s23 =	sshra.s32 @!p3 s20, $0x2  }
0x4a: {  	s25 =	simm.s32 @!p3 $0x80;
	s26 =	simm.s32 @!p3 $0x2000;
	s23 =	sadd.s32 @!p3 $0x8080, s23  }
0x4b: {  	[tilespmem:s26], [sflag:$0x2] =	stream.indirect.gather @!p3 [hbm4b:s4+s25], $0x40, s23, s25, $0xb8;
	[tilespmem:$0x16E00] =	vst v63  }
0x4c: {  	s23 =	simm.s32 @p2 $0x4  }
0x4d: {  	_ =	swait.ge @p2 [sflag:s23], $0x2000  }
0x4e: {  	[sflag:s23] =	ssyncset.done @p2 $0x0  }
0x4f: {  	[sflag:s23] =	ssyncadd.s32 @p2 $0xFFFFE000;
	s23 =	sshra.s32 @p2 s20, $0x2  }
0x50: {  	s25 =	simm.s32 @p2 $0x80;
	s26 =	simm.s32 @p2 $0x6000;
	s23 =	sadd.s32 @p2 $0xA780, s23  }
0x51: {  	[spmem:s2] =	stream.indirect.scatter.add.f32 @p2 [tilespmem:s26], [sflag:$0x8], $0x40, s23, s25, $0xb8;
	[tilespmem:$0x16E00] =	vst v63  }
0x52: {  	s23 =	simm.s32 @!p2 $0x80;
	s25 =	simm.s32 @!p2 $0x8080;
	s26 =	simm.s32 @!p2 $0x2000  }
0x53: {  	[tilespmem:s26], [sflag:$0x2] =	stream.indirect.gather @!p2 [hbm4b:s4+s23], $0x40, s25, s23, $0xb8;
	[tilespmem:$0x16E00] =	vst v63  }
0x54: {  	s23 =	simm.s32 @!p0 $0x7  }
0x55: {  	_ =	swait.ge @!p0 [sflag:s23], $0x2000  }
0x56: {  	s31 =	sadd.s32 $0xFFFFFFFF, s21;
	s22 =	sadd.s32 @!p1 $0x8100, s22;
	[sflag:s23] =	ssyncset.done @!p0 $0x0  }
0x57: {  	[sflag:s23] =	ssyncadd.s32 @!p0 $0xFFFFE000;
	s23 =	simm.s32 @!p1 $0x4000;
	p0 =	sgt.u32 s31, $0x51  }
0x58: {  	[tilespmem:s23], [sflag:$0x3] =	stream.indirect.gather @!p1 [hbm4b:s4+s24], $0x40, s22, s24, $0xb8;
	[tilespmem:$0x16E00] =	vst v63  }
0x59: {  	s22 =	simm.s32 @!p0 $0x1  }
0x5a: {  	_ =	swait.ge @!p0 [sflag:s22], $0x2000  }
0x5b: {  	[sflag:s22] =	ssyncset.done @!p0 $0x0  }
0x5c: {  	[sflag:s22] =	ssyncadd.s32 @!p0 $0xFFFFE000;
	s22 =	sshra.s32 @!p0 s20, $0x2  }
0x5d: {  	s23 =	simm.s32 @!p0 $0x80;
	s24 =	simm.s32 @!p0 $0x0;
	s22 =	sadd.s32 @!p0 $0xA800, s22  }
0x5e: {  	[spmem:s2] =	stream.indirect.scatter.add.f32 @!p0 [tilespmem:s24], [sflag:$0x5], $0x40, s22, s23, $0xb8;
	[tilespmem:$0x16E00] =	vst v63  }
0x5f: {  	p0 =	seq.s32 s20, $0x0  }
0x60: {  	s22 =	simm.s32 @!p0 $0x8  }
0x61: {  	p1 =	seq.s32 @!p0 s20, $0xA000;
	_ =	swait.ge @!p0 [sflag:s22], $0x2000  }
0x62: {  	p1 =	por p0, !p1;
	[sflag:s22] =	ssyncset.done @!p0 $0x0  }
0x63: {  	[sflag:s22] =	ssyncadd.s32 @!p0 $0xFFFFE000;
	s22 =	sshra.s32 @p1 s20, $0x2  }
0x64: {  	p0 =	sgt.u32 s21, $0x51;
	s22 =	sadd.s32 @p1 $0x8180, s22  }
0x65: {  	[tilespmem:s18], [sflag:$0x4] =	stream.indirect.gather @p1 [hbm4b:s4+s17], $0x40, s22, s17, $0xb8;
	[tilespmem:$0x16E00] =	vst v63  }
0x66: {  	s22 =	simm.s32 @!p0 $0x2  }
0x67: {  	_ =	swait.ge @!p0 [sflag:s22], $0x2000  }
0x68: {  	[sflag:s22] =	ssyncset.done @!p0 $0x0  }
0x69: {  	s23 =	simm.s32 @!p0 $0x80;
	[sflag:s22] =	ssyncadd.s32 @!p0 $0xFFFFE000;
	s22 =	sshra.s32 @!p0 s20, $0x2  }
0x6a: {  	s24 =	simm.s32 @!p0 $0x2000;
	s20 =	sadd.s32 $0x800, s20;
	s22 =	sadd.s32 @!p0 $0xA880, s22  }
0x6b: {  	[spmem:s2] =	stream.indirect.scatter.add.f32 @!p0 [tilespmem:s24], [sflag:$0x6], $0x40, s22, s23, $0xb8;
	[tilespmem:$0x16E00] =	vst v63  }
0x6c: {  	p0 =	sne.s32 s20, $0xA800  }
.Ltmp1:
0x6d: {  	_ = 	snop;
	(pc) =	sbr.rel @p0 .LBB2_4-.Ltmp1, $2  }
0x6e: {  	_ =	sdelay $0x2  }
0x6f: {  	s21 =	sadd.s32 $0x4, s21  }
0x70: {  	s19 =	sadd.s32 $0x1, s19  }
0x71: {  	s20 =	sshll.u32 s1, $0x6;
	[bflag:$0x0] =	sbarrier.arrive $0xFFFF;
	p0 =	sne.s32 s19, s13  }
.Ltmp2:
0x72: {  	s21 =	sshrl.u32 s7, $0x3;
	s20 =	sor.u32 $0x1C09, s20;
	(pc) =	sbr.rel @p0 .LBB2_1-.Ltmp2, $4  }
0x73: {  	[hbm:s12], [sflag:s20] =	dma.local [spmem:s21], $0x13C0  }
0x74: {  	_ =	swait.ge [sflag:s15], $0x13C0  }
0x75: {  	[sflag:s15] =	ssyncset.done $0x0  }
0x76: {  	[sflag:s15] =	ssyncadd.s32 $0xFFFFEC40  }
0x77: {  	_ =	sfence.sel $0x180000  }
0x78: {  	[bflag:$0x0] =	sbarrier.arrive $0xFFFF  }
0x79: {  	p0 =	sne.s32 s1, $0x0;
	_ =	strace $0x9000004A  }
0x7a: {  	s0 =	sadd.s32 @!p0 $0x100000, s0;
	[bflag:$0x2] =	sbarrier.arrive $0xFFFF  }
0x7b: {  	[sflag:s0] =	ssyncadd.tile.s32 @!p0 $0x1;
	_ =	shalt  }
.Lfunc_end2:
_tile_overlayer_lowered:
.L_overlay_start_2:
0x7c: {  	(tag) =	ssettag $0x2  }
0x7d: {  	s0 =	rddreg [dreg:$0x0];
	s2 =	stileid.u32  }
0x7e: {  	s1 =	rddreg [dreg:$0x1];
	p0 =	sne.s32 s2, $0x0  }
0x7f: {  	s3 =	rddreg [dreg:$0x2];
	[bflag:$0x3] =	sbarrier.arrive $0xFFFF;
	s2 =	simm.s32 @!p0 $0x1C09  }
0x80: {  	[timem:s3], [sflag:s2] =	dma.local @!p0 [hbm:s0], s1  }
0x81: {  	s0 =	simm.s32 @!p0 $0x9  }
0x82: {  	_ =	swait.ge @!p0 [sflag:s0], s1  }
0x83: {  	s1 =	ssub.s32 @!p0 $0x0, s1;
	[sflag:s0] =	ssyncset.done @!p0 $0x0  }
0x84: {  	[sflag:s0] =	ssyncadd.s32 @!p0 s1  }
0x85: {  	[bflag:$0x3] =	sbarrier.arrive $0xFFFF  }
0x86: {  	_ =	shalt  }

// kernel: kernel.14.cloned.1.call-start
scs
__scs_entry_jumppad:
0x0: {  	(pc) =	sbr.rel $0x88, $3  }
0x1: {  	(tag) =	ssettag $0x0;
	lr =	simm.s32 $0x1  }
0x2: {  	[smem:$0x3F99] =	sst lr;
	_ =	strace $0xD0000000  }
0x3: {  	_ = 	snop  }
0x4: {  	_ = 	snop  }
0x5: {  	_ = 	snop  }
0x6: {  	_ = 	snop  }
0x7: {  	_ = 	snop  }
__scs_overlays_trampoline_lowered:
0x8: {  	[smem:$0x3FA8] =	sst s0  }
0x9: {  	[smem:$0x3FA9] =	sst s1  }
0xa: {  	[smem:$0x3FAA] =	sst s2  }
0xb: {  	[smem:$0x3FAB] =	sst s3  }
0xc: {  	[smem:$0x3FAC] =	sst s4  }
0xd: {  	[smem:$0x3FAD] =	sst s5  }
0xe: {  	[smem:$0x3FAE] =	sst s6  }
0xf: {  	[smem:$0x3FAF] =	sst s7  }
0x10: {  	[smem:$0x3FB0] =	sst s8  }
0x11: {  	[smem:$0x3FB1] =	sst s9;
	s0 =	simm.s32 @!p0 $0x0  }
0x12: {  	s1 =	sld [smem:$0x3F97];
	s0 =	simm.s32 @p0 $0x1  }
0x13: {  	[smem:$0x3FB2] =	sst s0;
	s0 =	simm.s32 @!p1 $0x0  }
0x14: {  	s2 =	sld [smem:$0x3F96];
	s0 =	simm.s32 @p1 $0x1  }
0x15: {  	[smem:$0x3FB3] =	sst s0;
	s0 =	simm.s32 @!p2 $0x0  }
0x16: {  	s3 =	sld [smem:$0x3FDB];
	s0 =	simm.s32 @p2 $0x1  }
0x17: {  	s4 =	simm.s32 $0x1BF5;
	[smem:$0x3FB5] =	sst s0  }
0x18: {  	s0 =	sld [smem:$0x3F98];
	_ =	swait.ge [sflag:s4], $0x0  }
0x19: {  	s7 =	sld [smem:$0x3F99]  }
0x1a: {  	s8 =	sadd.s32 $0xFFFFE003, lr  }
0x1b: {  	s9 =	sadd.s32 $0xFFFFFEF7, lr;
	s5 =	simm.s32 $0xFFFFFFFF;
	p2 =	slt.u32 s8, $0xFFFFF086  }
0x1c: {  	p1 =	slt.u32 s9, $0xF7A;
	s5 =	simm.s32 @!p2 $0x0  }
0x1d: {  	s5 =	simm.s32 @p1 $0x1;
	p0 =	seq.s32 s7, s2  }
0x1e: {  	s7 =	smul.u32 @!p0 $0xF7A, s2;
	p2 =	seq.s32 @!p0 s5, $0x0  }
0x1f: {  	s9 =	smul.u32 $0xF7A, s1;
	s8 =	simm.s32 @!p0 $0x1BF5;
	p2 =	por !p2, p0  }
0x20: {  	[sflag:s8] =	ssyncset.s32 @!p0 $0xFFFFF086;
	s6 =	sadd.s32 @!p0 s3, s7;
	s7 =	simm.s32 @!p0 $0x108  }
0x21: {  	s3 =	sadd.s32 s3, s9;
	s6 =	sadd.s32 @!p0 $0x88, s6;
	s7 =	simm.s32 @p2 $0x1082  }
0x22: {  	[simem:s7], [sflag:s8] =	dma.local @!p0 [hbm:s6], $0xF7A  }
0x23: {  	s9 =	sor.u32 $0xD0000000, s2;
	s6 =	simm.s32 $0x108;
	_ =	swait.ge @!p0 [sflag:s8], $0x0  }
0x24: {  	s3 =	sadd.s32 $0x88, s3;
	s6 =	simm.s32 @!p1 $0x1082;
	[sflag:s4] =	ssyncset.s32 $0xFFFFF086  }
0x25: {  	[simem:s6], [sflag:s4] =	dma.local [hbm:s3], $0xF7A  }
0x26: {  	[smem:$0x3F99] =	sst s1;
	(tag) =	ssettag s2;
	_ =	strace s9  }
0x27: {  	s1 =	sld [smem:$0x3FA9]  }
0x28: {  	s2 =	sld [smem:$0x3FAA]  }
0x29: {  	s4 =	sld [smem:$0x3FAC]  }
0x2a: {  	p0 =	seq.s32 s5, $0x0;
	s5 =	sld [smem:$0x3FAD]  }
0x2b: {  	s6 =	sld [smem:$0x3FAE]  }
0x2c: {  	s7 =	sld [smem:$0x3FAF]  }
0x2d: {  	s3 =	simm.s32 $0x108;
	s8 =	sld [smem:$0x3FB0]  }
0x2e: {  	s3 =	simm.s32 @!p0 $0x1082;
	s9 =	sld [smem:$0x3FB1]  }
0x2f: {  	lr =	sadd.s32 s0, s3;
	s0 =	sld [smem:$0x3FA8]  }
0x30: {  	s3 =	sld [smem:$0x3FAB]  }
0x31: {  	[smem:$0x3FB4] =	sst s10  }
0x32: {  	s10 =	sld [smem:$0x3FB2];
	_ =	sdelay $0x3  }
0x33: {  	p0 =	seq.s32 s10, $0x1;
	s10 =	sld [smem:$0x3FB4];
	_ =	sdelay $0x3  }
0x34: {  	[smem:$0x3FB4] =	sst s10  }
0x35: {  	s10 =	sld [smem:$0x3FB3];
	_ =	sdelay $0x3  }
0x36: {  	p1 =	seq.s32 s10, $0x1;
	s10 =	sld [smem:$0x3FB4];
	_ =	sdelay $0x3  }
0x37: {  	[smem:$0x3FB4] =	sst s10  }
0x38: {  	s10 =	sld [smem:$0x3FB5]  }
0x39: {  	_ = 	snop;
	(pc) =	sbr.ind lr, $3  }
0x3a: {  	_ = 	snop  }
0x3b: {  	_ = 	snop  }
0x3c: {  	p2 =	seq.s32 s10, $0x1;
	s10 =	sld [smem:$0x3FB4]  }
0x3d: {  	_ =	shalt  }
0x3e: {  	_ =	shalt  }
0x3f: {  	_ =	shalt  }
0x40: {  	_ =	shalt  }
0x41: {  	_ =	shalt  }
0x42: {  	_ =	shalt  }
0x43: {  	_ =	shalt  }
0x44: {  	_ =	shalt  }
0x45: {  	_ =	shalt  }
0x46: {  	_ =	shalt  }
0x47: {  	_ =	shalt  }
0x48: {  	_ =	shalt  }
0x49: {  	_ =	shalt  }
0x4a: {  	_ =	shalt  }
0x4b: {  	_ =	shalt  }
0x4c: {  	_ =	shalt  }
0x4d: {  	_ =	shalt  }
0x4e: {  	_ =	shalt  }
0x4f: {  	_ =	shalt  }
0x50: {  	_ =	shalt  }
0x51: {  	_ =	shalt  }
0x52: {  	_ =	shalt  }
0x53: {  	_ =	shalt  }
0x54: {  	_ =	shalt  }
0x55: {  	_ =	shalt  }
0x56: {  	_ =	shalt  }
0x57: {  	_ =	shalt  }
0x58: {  	_ =	shalt  }
0x59: {  	_ =	shalt  }
0x5a: {  	_ =	shalt  }
0x5b: {  	_ =	shalt  }
0x5c: {  	_ =	shalt  }
0x5d: {  	_ =	shalt  }
0x5e: {  	_ =	shalt  }
0x5f: {  	_ =	shalt  }
0x60: {  	_ =	shalt  }
0x61: {  	_ =	shalt  }
0x62: {  	_ =	shalt  }
0x63: {  	_ =	shalt  }
0x64: {  	_ =	shalt  }
0x65: {  	_ =	shalt  }
0x66: {  	_ =	shalt  }
0x67: {  	_ =	shalt  }
0x68: {  	_ =	shalt  }
0x69: {  	_ =	shalt  }
0x6a: {  	_ =	shalt  }
0x6b: {  	_ =	shalt  }
0x6c: {  	_ =	shalt  }
0x6d: {  	_ =	shalt  }
0x6e: {  	_ =	shalt  }
0x6f: {  	_ =	shalt  }
0x70: {  	_ =	shalt  }
0x71: {  	_ =	shalt  }
0x72: {  	_ =	shalt  }
0x73: {  	_ =	shalt  }
0x74: {  	_ =	shalt  }
0x75: {  	_ =	shalt  }
0x76: {  	_ =	shalt  }
0x77: {  	_ =	shalt  }
0x78: {  	_ =	shalt  }
0x79: {  	_ =	shalt  }
0x7a: {  	_ =	shalt  }
0x7b: {  	_ =	shalt  }
0x7c: {  	_ =	shalt  }
0x7d: {  	_ =	shalt  }
0x7e: {  	_ =	shalt  }
0x7f: {  	_ =	shalt  }
0x80: {  	_ =	shalt  }
0x81: {  	_ =	shalt  }
0x82: {  	_ =	shalt  }
0x83: {  	_ =	shalt  }
0x84: {  	_ =	shalt  }
0x85: {  	_ =	shalt  }
0x86: {  	_ =	shalt  }
0x87: {  	_ =	shalt  }
.Lfunc_end0:
.L_simem_size_0:
called_computation.2_lowered:
.L_overlay_start_0:
0x88: {  	s2 =	sld [smem:$0x3FD9]  }
0x89: {  	s3 =	sld [smem:$0x3FFE];
	_ =	sdelay $0x1  }
0x8a: {  	s1 =	srdreg.scid  }
0x8b: {  	s0 =	sand.u32 $0x1, s1  }
0x8c: {  	s16 =	sshll.u32 s0, $0xA;
	s2 =	sadd.s32 s3, s2  }
0x8d: {  	s2 =	sadd.s32 s2, s16  }
0x8e: {  	[smem:$0x3FC0] =	sst s2  }
0x8f: {  	_ = 	snop  }
0x90: {  	(tm) =	ssettm $0x1  }
0x91: {  	s17 =	sld [smem:$0x3FFB];
	_ =	sdelay $0x3  }
0x92: {  	_ =	strace s17  }
0x93: {  	s2 =	sld [smem:$0x3FFC];
	_ =	sdelay $0x3  }
0x94: {  	_ =	strace s2  }
0x95: {  	s2 =	sld [smem:$0x3FFD];
	_ =	sdelay $0x3  }
0x96: {  	_ =	strace s2  }
0x97: {  	_ =	strace $0x8FFFFFFF  }
0x98: {  	s18 =	sld [smem:$0x3FDB];
	_ =	sdelay $0x1  }
0x99: {  	s19 =	simm.s32 $_scs_section_size  }
0x9a: {  	s4 =	simm.s32 $_size__tile_overlayer_lowered;
	s5 =	simm.s32 $_tile_overlayer_lowered  }
0x9b: {  	s22 =	simm.s32 $0x1BFF;
	s21 =	sshll.u32 s5, $0x1;
	s2 =	sadd.s32 s19, s18  }
0x9c: {  	s6 =	simm.s32 $0x0;
	s20 =	sshll.u32 s4, $0x1;
	s4 =	sadd.s32 s21, s2  }
0x9d: {  	[timem:s6], [sflag:s22] =	dma.local [hbm:s4], s20  }
0x9e: {  	_ =	swait.ge [sflag:s22], s20  }
0x9f: {  	s3 =	ssub.s32 $0x0, s20;
	[sflag:s22] =	ssyncset.done $0x0  }
0xa0: {  	[sflag:s22] =	ssyncadd.s32 s3;
	_ =	sdelay $0x1  }
0xa1: {  	s23 =	simm.s32 $0x1B8B  }
0xa2: {  	_ =	swait.ge [sflag:s23], $0x1  }
0xa3: {  	[sflag:s23] =	ssyncset.done $0x0  }
0xa4: {  	s25 =	simm.s32 $0x1B8E;
	s24 =	sld [smem:$0x3FFE];
	[sflag:s23] =	ssyncadd.s32 $0xFFFFFFFF  }
0xa5: {  	s26 =	simm.s32 $execute0_lowered;
	[smem:$0x3FD2] =	sst s25  }
0xa6: {  	s4 =	sshll.u32 s26, $0x1;
	_ =	strace $0x8000004C;
	[dreg:$0x1] =	wrdreg $0xFFFFFFFF  }
0xa7: {  	s28 =	simm.s32 $_size_execute0_lowered;
	s2 =	sadd.s32 s2, s4;
	[dreg:$0x0] =	wrdreg $0x0  }
0xa8: {  	s4 =	sshll.u32 s28, $0x1;
	[dreg:$0x2] =	wrdreg s2  }
0xa9: {  	[dreg:$0x3] =	wrdreg s4  }
0xaa: {  	[dreg:$0x4] =	wrdreg $0xC0  }
0xab: {  	_ =	task [dreg:s6], $0x5FFFF  }
0xac: {  	[dreg:$0x1] =	wrdreg $0xFFFFFFFF  }
0xad: {  	[dreg:$0x0] =	wrdreg $0x60  }
0xae: {  	[dreg:$0x2] =	wrdreg s24  }
0xaf: {  	[dreg:$0x3] =	wrdreg $0xD0000  }
0xb0: {  	[dreg:$0x4] =	wrdreg $0x9  }
0xb1: {  	_ =	task.clear_ibuf [dreg:s6], $0x5FFFF;
	_ =	strace $0x9000004C  }
0xb2: {  	s29 =	simm.s32 $0x9;
	_ =	strace $0x8000004E  }
0xb3: {  	_ =	swait.ge [sflag:s29], $0x1  }
0xb4: {  	[sflag:s29] =	ssyncadd.s32 $0xFFFFFFFF  }
0xb5: {  	_ =	strace $0x9000004E  }
0xb6: {  	_ =	sfence  }
0xb7: {  	s30 =	sld [smem:$0x0];
	_ =	sdelay $0x2  }
0xb8: {  	s31 =	sshll.u32 s1, $0xD;
	s1 =	sshrl.u32 s1, $0x2  }
0xb9: {  	s3 =	sand.u32 $0x4000, s31;
	s1 =	sadd.s32 s1, s30  }
0xba: {  	s0 =	sor.u32 s3, s0;
	s1 =	sshll.u32 s1, $0x11  }
0xbb: {  	s0 =	sor.u32 s1, s0  }
0xbc: {  	s0 =	sadd.s32 $0x8F2B, s0  }
0xbd: {  	[sflag:s0] =	ssyncadd.remote.s32 $0x1  }
0xbe: {  	_ =	sfence.sel $0xFFFF  }
0xbf: {  	[dreg:$0x0] =	wrdreg $0xFFFFFFFF;
	(pc) =	sbr.abs _section_cstart, $3  }
0xc0: {  	[dreg:$0x1] =	wrdreg $0xFFFFFFFF  }
0xc1: {  	_ =	task.clear_ibuf [dreg:s6], $0x2FFFF;
	_ =	strace $0x9FFFFFFF  }
0xc2: {  	(tm) =	ssettm $0x7FFFFFFF  }
0xc3: {  	_ =	shalt  }
tec
execute0_lowered:
.L_overlay_start_1:
0x0: {  	(tag) =	ssettag $0x1  }
0x1: {  	s5 =	rddreg [dreg:$0x0]  }
0x2: {  	s2 =	rddreg [dreg:$0x1]  }
0x3: {  	s0 =	rddreg [dreg:$0x2];
	s4 =	srdreg.scid  }
0x4: {  	s1 =	stileid.u32;
	s3 =	simm.s32 $0x0;
	s14 =	simm.s32 $0x8000  }
0x5: {  	s15 =	simm.s32 $0x9;
	s16 =	simm.s32 $0xA800;
	s17 =	simm.s32 $0x80  }
0x6: {  	s18 =	simm.s32 $0x6000;
	s19 =	simm.s32 $0x0;
	s7 =	smul.u32 $0x9E00, s1  }
0x7: {  	s6 =	sand.u32 $0x1, s4;
	[smem:$0x7FF] =	sst s3;
	s10 =	smul.u32 $0x27800, s1  }
0x8: {  	s4 =	sshll.u32 s6, $0x4;
	s8 =	smul.u32 $0x9E000, s6;
	_ =	strace $0x8000004D  }
0x9: {  	s6 =	ssub.s32 $0x2, s6;
	s9 =	sor.u32 s1, s4;
	s4 =	sadd.s32 $0x15E00, s5  }
0xa: {  	s30 =	sshrl.u32 s6, $0x1;
	s31 =	sshrl.u32 s10, $0x2;
	s9 =	smul.u32 $0x500, s9  }
0xb: {  	s8 =	sadd.s32 s7, s8;
	s13 =	ssub.s32 s6, s30;
	s11 =	sadd.s32 s31, s2  }
0xc: {  	s7 =	sadd.s32 s7, s2;
	s8 =	sshrl.u32 s8, $0x3;
	s10 =	sadd.s32 $0x6000, s11  }
0xd: {  	s13 =	smax.u32 s13, $0x1;
	s9 =	sadd.s32 s9, s5;
	s12 =	sadd.s32 s8, s5  }
0xe: {  	s8 =	sadd.s32 $0x2000, s11;
	s5 =	sadd.s32 $0xBE00, s9;
	s6 =	sadd.s32 $0x1E00, s9  }
0xf: {  	v0 =	vimm.f32 $0.0e+00;
	s9 =	sadd.s32 $0x4000, s11;
	s11 =	sadd.s32 $0x8000, s11;
	s12 =	sadd.s32 $0x29800, s12  }
.LBB2_1:
0x10: {  	s20 =	sand.u32 $0x7F00, s3  }
0x11: {  	s21 =	sand.u32 $0x30, s3;
	s22 =	sshrl.u32 s20, $0x2  }
0x12: {  	s20 =	simm.s32 $0x40;
	s22 =	sor.u32 s21, s22;
	s21 =	simm.s32 $0x0  }
.LBB2_2:
0x13: {  	p0 =	sne.s32 s20, $0x7FC0  }
0x14: {  	[tilespmem:s22+$0x0] =	vst v0;
	s21 =	sadd.s32 $0x10, s21;
	s22 =	smov.u32 s20;
	s20 =	sadd.s32 $0x40, s20  }
.Ltmp0:
0x15: {  	(pc) =	sbr.rel @p0 .LBB2_2-.Ltmp0, $4  }
0x16: {  	_ = 	snop  }
0x17: {  	s22 =	sand.u32 $0x7F00, s22  }
0x18: {  	s23 =	sand.u32 $0x30, s21;
	s22 =	sshrl.u32 s22, $0x2  }
0x19: {  	s22 =	sor.u32 s23, s22  }
0x1a: {  	[tilespmem:s22+$0x0] =	vst v0;
	s20 =	simm.s32 $0x0  }
0x1b: {  	[tilespmem:s14], [sflag:$0x9] =	stream.linear.gather [hbm4b:s5+s20], $0x2800, $0x38;
	[tilespmem:$0x16E00] =	vst v63  }
0x1c: {  	_ =	swait.ge [sflag:s15], $0x2800  }
0x1d: {  	[sflag:s15] =	ssyncset.done $0x0  }
0x1e: {  	[sflag:s15] =	ssyncadd.s32 $0xFFFFD800  }
0x1f: {  	[tilespmem:s16], [sflag:$0x9] =	stream.linear.gather [hbm4b:s6+s20], $0x2800, $0x38;
	[tilespmem:$0x16E00] =	vst v63  }
0x20: {  	_ =	swait.ge [sflag:s15], $0x2800  }
0x21: {  	[sflag:s15] =	ssyncset.done $0x0  }
0x22: {  	[sflag:s15] =	ssyncadd.s32 $0xFFFFD800  }
0x23: {  	[spmem:s7] =	stream.linear.scatter [tilespmem:s20], [sflag:$0x9], $0x2000, $0x38;
	[tilespmem:$0x16E00] =	vst v63  }
0x24: {  	_ =	swait.ge [sflag:s15], $0x2000  }
0x25: {  	[sflag:s15] =	ssyncset.done $0x0  }
0x26: {  	[sflag:s15] =	ssyncadd.s32 $0xFFFFE000  }
0x27: {  	[spmem:s8] =	stream.linear.scatter [tilespmem:s20], [sflag:$0x9], $0x2000, $0x38;
	[tilespmem:$0x16E00] =	vst v63  }
0x28: {  	_ =	swait.ge [sflag:s15], $0x2000  }
0x29: {  	[sflag:s15] =	ssyncset.done $0x0  }
0x2a: {  	[sflag:s15] =	ssyncadd.s32 $0xFFFFE000  }
0x2b: {  	[spmem:s9] =	stream.linear.scatter [tilespmem:s20], [sflag:$0x9], $0x2000, $0x38;
	[tilespmem:$0x16E00] =	vst v63  }
0x2c: {  	_ =	swait.ge [sflag:s15], $0x2000  }
0x2d: {  	[sflag:s15] =	ssyncset.done $0x0  }
0x2e: {  	[sflag:s15] =	ssyncadd.s32 $0xFFFFE000  }
0x2f: {  	[spmem:s10] =	stream.linear.scatter [tilespmem:s20], [sflag:$0x9], $0x2000, $0x38;
	[tilespmem:$0x16E00] =	vst v63  }
0x30: {  	_ =	swait.ge [sflag:s15], $0x2000  }
0x31: {  	[sflag:s15] =	ssyncset.done $0x0  }
0x32: {  	[sflag:s15] =	ssyncadd.s32 $0xFFFFE000  }
0x33: {  	[spmem:s11] =	stream.linear.scatter [tilespmem:s20], [sflag:$0x9], $0x1E00, $0x38;
	[tilespmem:$0x16E00] =	vst v63  }
0x34: {  	_ =	swait.ge [sflag:s15], $0x1E00  }
0x35: {  	[sflag:s15] =	ssyncset.done $0x0  }
0x36: {  	[sflag:s15] =	ssyncadd.s32 $0xFFFFE200  }
0x37: {  	s21 =	simm.s32 $0x3;
	[bflag:$0x0] =	sbarrier.arrive $0xFFFF  }
.LBB2_4:
0x38: {  	s22 =	sadd.s32 $0xFFFFFFF9, s21  }
0x39: {  	p0 =	sgt.u32 s22, $0x4F  }
0x3a: {  	s22 =	simm.s32 @!p0 $0x5  }
0x3b: {  	_ =	swait.ge @!p0 [sflag:s22], $0x2000  }
0x3c: {  	p1 =	seq.s32 s20, $0xA000;
	[sflag:s22] =	ssyncset.done @!p0 $0x0  }
0x3d: {  	[sflag:s22] =	ssyncadd.s32 @!p0 $0xFFFFE000;
	s22 =	sshra.s32 @!p1 s20, $0x2  }
0x3e: {  	s24 =	simm.s32 @!p1 $0x80;
	s25 =	simm.s32 @!p1 $0x0;
	s23 =	sadd.s32 @!p1 $0x8000, s22  }
0x3f: {  	[tilespmem:s25], [sflag:$0x1] =	stream.indirect.gather @!p1 [hbm4b:s4+s24], $0x40, s23, s24, $0xb8;
	[tilespmem:$0x16E00] =	vst v63  }
0x40: {  	s23 =	simm.s32 @!p0 $0x3  }
0x41: {  	_ =	swait.ge @!p0 [sflag:s23], $0x2000  }
0x42: {  	[sflag:s23] =	ssyncset.done @!p0 $0x0  }
0x43: {  	p2 =	sne.s32 s20, $0x0;
	[sflag:s23] =	ssyncadd.s32 @!p0 $0xFFFFE000;
	s23 =	sshra.s32 @!p0 s20, $0x2  }
0x44: {  	s26 =	simm.s32 @!p0 $0x4000;
	s25 =	simm.s32 @!p0 $0x80;
	s23 =	sadd.s32 @!p0 $0xA700, s23  }
0x45: {  	[spmem:s2] =	stream.indirect.scatter.add.f32 @!p0 [tilespmem:s26], [sflag:$0x7], $0x40, s23, s25, $0xb8;
	[tilespmem:$0x16E00] =	vst v63  }
0x46: {  	s23 =	simm.s32 @p2 $0x6  }
0x47: {  	p3 =	seq.s32 @p2 s20, $0xA000;
	_ =	swait.ge @p2 [sflag:s23], $0x2000  }
0x48: {  	p3 =	por p3, !p2;
	[sflag:s23] =	ssyncset.done @p2 $0x0  }
0x49: {  	[sflag:s23] =	ssyncadd.s32 @p2 $0xFFFFE000;
	s23 =	sshra.s32 @!p3 s20, $0x2  }
0x4a: {  	s25 =	simm.s32 @!p3 $0x80;
	s26 =	simm.s32 @!p3 $0x2000;
	s23 =	sadd.s32 @!p3 $0x8080, s23  }
0x4b: {  	[tilespmem:s26], [sflag:$0x2] =	stream.indirect.gather @!p3 [hbm4b:s4+s25], $0x40, s23, s25, $0xb8;
	[tilespmem:$0x16E00] =	vst v63  }
0x4c: {  	s23 =	simm.s32 @p2 $0x4  }
0x4d: {  	_ =	swait.ge @p2 [sflag:s23], $0x2000  }
0x4e: {  	[sflag:s23] =	ssyncset.done @p2 $0x0  }
0x4f: {  	[sflag:s23] =	ssyncadd.s32 @p2 $0xFFFFE000;
	s23 =	sshra.s32 @p2 s20, $0x2  }
0x50: {  	s25 =	simm.s32 @p2 $0x80;
	s26 =	simm.s32 @p2 $0x6000;
	s23 =	sadd.s32 @p2 $0xA780, s23  }
0x51: {  	[spmem:s2] =	stream.indirect.scatter.add.f32 @p2 [tilespmem:s26], [sflag:$0x8], $0x40, s23, s25, $0xb8;
	[tilespmem:$0x16E00] =	vst v63  }
0x52: {  	s23 =	simm.s32 @!p2 $0x80;
	s25 =	simm.s32 @!p2 $0x8080;
	s26 =	simm.s32 @!p2 $0x2000  }
0x53: {  	[tilespmem:s26], [sflag:$0x2] =	stream.indirect.gather @!p2 [hbm4b:s4+s23], $0x40, s25, s23, $0xb8;
	[tilespmem:$0x16E00] =	vst v63  }
0x54: {  	s23 =	simm.s32 @!p0 $0x7  }
0x55: {  	_ =	swait.ge @!p0 [sflag:s23], $0x2000  }
0x56: {  	s31 =	sadd.s32 $0xFFFFFFFF, s21;
	s22 =	sadd.s32 @!p1 $0x8100, s22;
	[sflag:s23] =	ssyncset.done @!p0 $0x0  }
0x57: {  	[sflag:s23] =	ssyncadd.s32 @!p0 $0xFFFFE000;
	s23 =	simm.s32 @!p1 $0x4000;
	p0 =	sgt.u32 s31, $0x51  }
0x58: {  	[tilespmem:s23], [sflag:$0x3] =	stream.indirect.gather @!p1 [hbm4b:s4+s24], $0x40, s22, s24, $0xb8;
	[tilespmem:$0x16E00] =	vst v63  }
0x59: {  	s22 =	simm.s32 @!p0 $0x1  }
0x5a: {  	_ =	swait.ge @!p0 [sflag:s22], $0x2000  }
0x5b: {  	[sflag:s22] =	ssyncset.done @!p0 $0x0  }
0x5c: {  	[sflag:s22] =	ssyncadd.s32 @!p0 $0xFFFFE000;
	s22 =	sshra.s32 @!p0 s20, $0x2  }
0x5d: {  	s23 =	simm.s32 @!p0 $0x80;
	s24 =	simm.s32 @!p0 $0x0;
	s22 =	sadd.s32 @!p0 $0xA800, s22  }
0x5e: {  	[spmem:s2] =	stream.indirect.scatter.add.f32 @!p0 [tilespmem:s24], [sflag:$0x5], $0x40, s22, s23, $0xb8;
	[tilespmem:$0x16E00] =	vst v63  }
0x5f: {  	p0 =	seq.s32 s20, $0x0  }
0x60: {  	s22 =	simm.s32 @!p0 $0x8  }
0x61: {  	p1 =	seq.s32 @!p0 s20, $0xA000;
	_ =	swait.ge @!p0 [sflag:s22], $0x2000  }
0x62: {  	p1 =	por p0, !p1;
	[sflag:s22] =	ssyncset.done @!p0 $0x0  }
0x63: {  	[sflag:s22] =	ssyncadd.s32 @!p0 $0xFFFFE000;
	s22 =	sshra.s32 @p1 s20, $0x2  }
0x64: {  	p0 =	sgt.u32 s21, $0x51;
	s22 =	sadd.s32 @p1 $0x8180, s22  }
0x65: {  	[tilespmem:s18], [sflag:$0x4] =	stream.indirect.gather @p1 [hbm4b:s4+s17], $0x40, s22, s17, $0xb8;
	[tilespmem:$0x16E00] =	vst v63  }
0x66: {  	s22 =	simm.s32 @!p0 $0x2  }
0x67: {  	_ =	swait.ge @!p0 [sflag:s22], $0x2000  }
0x68: {  	[sflag:s22] =	ssyncset.done @!p0 $0x0  }
0x69: {  	s23 =	simm.s32 @!p0 $0x80;
	[sflag:s22] =	ssyncadd.s32 @!p0 $0xFFFFE000;
	s22 =	sshra.s32 @!p0 s20, $0x2  }
0x6a: {  	s24 =	simm.s32 @!p0 $0x2000;
	s20 =	sadd.s32 $0x800, s20;
	s22 =	sadd.s32 @!p0 $0xA880, s22  }
0x6b: {  	[spmem:s2] =	stream.indirect.scatter.add.f32 @!p0 [tilespmem:s24], [sflag:$0x6], $0x40, s22, s23, $0xb8;
	[tilespmem:$0x16E00] =	vst v63  }
0x6c: {  	p0 =	sne.s32 s20, $0xA800  }
.Ltmp1:
0x6d: {  	_ = 	snop;
	(pc) =	sbr.rel @p0 .LBB2_4-.Ltmp1, $2  }
0x6e: {  	_ =	sdelay $0x2  }
0x6f: {  	s21 =	sadd.s32 $0x4, s21  }
0x70: {  	s19 =	sadd.s32 $0x1, s19  }
0x71: {  	s20 =	sshll.u32 s1, $0x6;
	[bflag:$0x0] =	sbarrier.arrive $0xFFFF;
	p0 =	sne.s32 s19, s13  }
.Ltmp2:
0x72: {  	s21 =	sshrl.u32 s7, $0x3;
	s20 =	sor.u32 $0x1C09, s20;
	(pc) =	sbr.rel @p0 .LBB2_1-.Ltmp2, $4  }
0x73: {  	[hbm:s12], [sflag:s20] =	dma.local [spmem:s21], $0x13C0  }
0x74: {  	_ =	swait.ge [sflag:s15], $0x13C0  }
0x75: {  	[sflag:s15] =	ssyncset.done $0x0  }
0x76: {  	[sflag:s15] =	ssyncadd.s32 $0xFFFFEC40  }
0x77: {  	_ =	sfence.sel $0x180000  }
0x78: {  	[bflag:$0x0] =	sbarrier.arrive $0xFFFF  }
0x79: {  	p0 =	sne.s32 s1, $0x0;
	_ =	strace $0x9000004D  }
0x7a: {  	s0 =	sadd.s32 @!p0 $0x100000, s0;
	[bflag:$0x2] =	sbarrier.arrive $0xFFFF  }
0x7b: {  	[sflag:s0] =	ssyncadd.tile.s32 @!p0 $0x1;
	_ =	shalt  }
.Lfunc_end2:
_tile_overlayer_lowered:
.L_overlay_start_2:
0x7c: {  	(tag) =	ssettag $0x2  }
0x7d: {  	s0 =	rddreg [dreg:$0x0];
	s2 =	stileid.u32  }
0x7e: {  	s1 =	rddreg [dreg:$0x1];
	p0 =	sne.s32 s2, $0x0  }
0x7f: {  	s3 =	rddreg [dreg:$0x2];
	[bflag:$0x3] =	sbarrier.arrive $0xFFFF;
	s2 =	simm.s32 @!p0 $0x1C09  }
0x80: {  	[timem:s3], [sflag:s2] =	dma.local @!p0 [hbm:s0], s1  }
0x81: {  	s0 =	simm.s32 @!p0 $0x9  }
0x82: {  	_ =	swait.ge @!p0 [sflag:s0], s1  }
0x83: {  	s1 =	ssub.s32 @!p0 $0x0, s1;
	[sflag:s0] =	ssyncset.done @!p0 $0x0  }
0x84: {  	[sflag:s0] =	ssyncadd.s32 @!p0 s1  }
0x85: {  	[bflag:$0x3] =	sbarrier.arrive $0xFFFF  }
0x86: {  	_ =	shalt  }

// kernel: kernel.8.cloned.1.call-start
scs
__scs_entry_jumppad:
0x0: {  	(pc) =	sbr.rel $0x88, $3  }
0x1: {  	(tag) =	ssettag $0x0;
	lr =	simm.s32 $0x1  }
0x2: {  	[smem:$0x3F99] =	sst lr;
	_ =	strace $0xD0000000  }
0x3: {  	_ = 	snop  }
0x4: {  	_ = 	snop  }
0x5: {  	_ = 	snop  }
0x6: {  	_ = 	snop  }
0x7: {  	_ = 	snop  }
__scs_overlays_trampoline_lowered:
0x8: {  	[smem:$0x3FA8] =	sst s0  }
0x9: {  	[smem:$0x3FA9] =	sst s1  }
0xa: {  	[smem:$0x3FAA] =	sst s2  }
0xb: {  	[smem:$0x3FAB] =	sst s3  }
0xc: {  	[smem:$0x3FAC] =	sst s4  }
0xd: {  	[smem:$0x3FAD] =	sst s5  }
0xe: {  	[smem:$0x3FAE] =	sst s6  }
0xf: {  	[smem:$0x3FAF] =	sst s7  }
0x10: {  	[smem:$0x3FB0] =	sst s8  }
0x11: {  	[smem:$0x3FB1] =	sst s9;
	s0 =	simm.s32 @!p0 $0x0  }
0x12: {  	s1 =	sld [smem:$0x3F97];
	s0 =	simm.s32 @p0 $0x1  }
0x13: {  	[smem:$0x3FB2] =	sst s0;
	s0 =	simm.s32 @!p1 $0x0  }
0x14: {  	s2 =	sld [smem:$0x3F96];
	s0 =	simm.s32 @p1 $0x1  }
0x15: {  	[smem:$0x3FB3] =	sst s0;
	s0 =	simm.s32 @!p2 $0x0  }
0x16: {  	s3 =	sld [smem:$0x3FDB];
	s0 =	simm.s32 @p2 $0x1  }
0x17: {  	s4 =	simm.s32 $0x1BF5;
	[smem:$0x3FB5] =	sst s0  }
0x18: {  	s0 =	sld [smem:$0x3F98];
	_ =	swait.ge [sflag:s4], $0x0  }
0x19: {  	s7 =	sld [smem:$0x3F99]  }
0x1a: {  	s8 =	sadd.s32 $0xFFFFE003, lr  }
0x1b: {  	s9 =	sadd.s32 $0xFFFFFEF7, lr;
	s5 =	simm.s32 $0xFFFFFFFF;
	p2 =	slt.u32 s8, $0xFFFFF086  }
0x1c: {  	p1 =	slt.u32 s9, $0xF7A;
	s5 =	simm.s32 @!p2 $0x0  }
0x1d: {  	s5 =	simm.s32 @p1 $0x1;
	p0 =	seq.s32 s7, s2  }
0x1e: {  	s7 =	smul.u32 @!p0 $0xF7A, s2;
	p2 =	seq.s32 @!p0 s5, $0x0  }
0x1f: {  	s9 =	smul.u32 $0xF7A, s1;
	s8 =	simm.s32 @!p0 $0x1BF5;
	p2 =	por !p2, p0  }
0x20: {  	[sflag:s8] =	ssyncset.s32 @!p0 $0xFFFFF086;
	s6 =	sadd.s32 @!p0 s3, s7;
	s7 =	simm.s32 @!p0 $0x108  }
0x21: {  	s3 =	sadd.s32 s3, s9;
	s6 =	sadd.s32 @!p0 $0x88, s6;
	s7 =	simm.s32 @p2 $0x1082  }
0x22: {  	[simem:s7], [sflag:s8] =	dma.local @!p0 [hbm:s6], $0xF7A  }
0x23: {  	s9 =	sor.u32 $0xD0000000, s2;
	s6 =	simm.s32 $0x108;
	_ =	swait.ge @!p0 [sflag:s8], $0x0  }
0x24: {  	s3 =	sadd.s32 $0x88, s3;
	s6 =	simm.s32 @!p1 $0x1082;
	[sflag:s4] =	ssyncset.s32 $0xFFFFF086  }
0x25: {  	[simem:s6], [sflag:s4] =	dma.local [hbm:s3], $0xF7A  }
0x26: {  	[smem:$0x3F99] =	sst s1;
	(tag) =	ssettag s2;
	_ =	strace s9  }
0x27: {  	s1 =	sld [smem:$0x3FA9]  }
0x28: {  	s2 =	sld [smem:$0x3FAA]  }
0x29: {  	s4 =	sld [smem:$0x3FAC]  }
0x2a: {  	p0 =	seq.s32 s5, $0x0;
	s5 =	sld [smem:$0x3FAD]  }
0x2b: {  	s6 =	sld [smem:$0x3FAE]  }
0x2c: {  	s7 =	sld [smem:$0x3FAF]  }
0x2d: {  	s3 =	simm.s32 $0x108;
	s8 =	sld [smem:$0x3FB0]  }
0x2e: {  	s3 =	simm.s32 @!p0 $0x1082;
	s9 =	sld [smem:$0x3FB1]  }
0x2f: {  	lr =	sadd.s32 s0, s3;
	s0 =	sld [smem:$0x3FA8]  }
0x30: {  	s3 =	sld [smem:$0x3FAB]  }
0x31: {  	[smem:$0x3FB4] =	sst s10  }
0x32: {  	s10 =	sld [smem:$0x3FB2];
	_ =	sdelay $0x3  }
0x33: {  	p0 =	seq.s32 s10, $0x1;
	s10 =	sld [smem:$0x3FB4];
	_ =	sdelay $0x3  }
0x34: {  	[smem:$0x3FB4] =	sst s10  }
0x35: {  	s10 =	sld [smem:$0x3FB3];
	_ =	sdelay $0x3  }
0x36: {  	p1 =	seq.s32 s10, $0x1;
	s10 =	sld [smem:$0x3FB4];
	_ =	sdelay $0x3  }
0x37: {  	[smem:$0x3FB4] =	sst s10  }
0x38: {  	s10 =	sld [smem:$0x3FB5]  }
0x39: {  	_ = 	snop;
	(pc) =	sbr.ind lr, $3  }
0x3a: {  	_ = 	snop  }
0x3b: {  	_ = 	snop  }
0x3c: {  	p2 =	seq.s32 s10, $0x1;
	s10 =	sld [smem:$0x3FB4]  }
0x3d: {  	_ =	shalt  }
0x3e: {  	_ =	shalt  }
0x3f: {  	_ =	shalt  }
0x40: {  	_ =	shalt  }
0x41: {  	_ =	shalt  }
0x42: {  	_ =	shalt  }
0x43: {  	_ =	shalt  }
0x44: {  	_ =	shalt  }
0x45: {  	_ =	shalt  }
0x46: {  	_ =	shalt  }
0x47: {  	_ =	shalt  }
0x48: {  	_ =	shalt  }
0x49: {  	_ =	shalt  }
0x4a: {  	_ =	shalt  }
0x4b: {  	_ =	shalt  }
0x4c: {  	_ =	shalt  }
0x4d: {  	_ =	shalt  }
0x4e: {  	_ =	shalt  }
0x4f: {  	_ =	shalt  }
0x50: {  	_ =	shalt  }
0x51: {  	_ =	shalt  }
0x52: {  	_ =	shalt  }
0x53: {  	_ =	shalt  }
0x54: {  	_ =	shalt  }
0x55: {  	_ =	shalt  }
0x56: {  	_ =	shalt  }
0x57: {  	_ =	shalt  }
0x58: {  	_ =	shalt  }
0x59: {  	_ =	shalt  }
0x5a: {  	_ =	shalt  }
0x5b: {  	_ =	shalt  }
0x5c: {  	_ =	shalt  }
0x5d: {  	_ =	shalt  }
0x5e: {  	_ =	shalt  }
0x5f: {  	_ =	shalt  }
0x60: {  	_ =	shalt  }
0x61: {  	_ =	shalt  }
0x62: {  	_ =	shalt  }
0x63: {  	_ =	shalt  }
0x64: {  	_ =	shalt  }
0x65: {  	_ =	shalt  }
0x66: {  	_ =	shalt  }
0x67: {  	_ =	shalt  }
0x68: {  	_ =	shalt  }
0x69: {  	_ =	shalt  }
0x6a: {  	_ =	shalt  }
0x6b: {  	_ =	shalt  }
0x6c: {  	_ =	shalt  }
0x6d: {  	_ =	shalt  }
0x6e: {  	_ =	shalt  }
0x6f: {  	_ =	shalt  }
0x70: {  	_ =	shalt  }
0x71: {  	_ =	shalt  }
0x72: {  	_ =	shalt  }
0x73: {  	_ =	shalt  }
0x74: {  	_ =	shalt  }
0x75: {  	_ =	shalt  }
0x76: {  	_ =	shalt  }
0x77: {  	_ =	shalt  }
0x78: {  	_ =	shalt  }
0x79: {  	_ =	shalt  }
0x7a: {  	_ =	shalt  }
0x7b: {  	_ =	shalt  }
0x7c: {  	_ =	shalt  }
0x7d: {  	_ =	shalt  }
0x7e: {  	_ =	shalt  }
0x7f: {  	_ =	shalt  }
0x80: {  	_ =	shalt  }
0x81: {  	_ =	shalt  }
0x82: {  	_ =	shalt  }
0x83: {  	_ =	shalt  }
0x84: {  	_ =	shalt  }
0x85: {  	_ =	shalt  }
0x86: {  	_ =	shalt  }
0x87: {  	_ =	shalt  }
.Lfunc_end0:
.L_simem_size_0:
called_computation_lowered:
.L_overlay_start_0:
0x88: {  	s2 =	sld [smem:$0x3FD9]  }
0x89: {  	s3 =	sld [smem:$0x3FFE];
	_ =	sdelay $0x1  }
0x8a: {  	s1 =	srdreg.scid  }
0x8b: {  	s0 =	sand.u32 $0x1, s1  }
0x8c: {  	s14 =	sshll.u32 s0, $0xA;
	s2 =	sadd.s32 s3, s2  }
0x8d: {  	s2 =	sadd.s32 s2, s14  }
0x8e: {  	[smem:$0x3FC0] =	sst s2  }
0x8f: {  	_ = 	snop  }
0x90: {  	s2 =	sld [smem:$0x3FD0];
	_ =	sdelay $0x2  }
0x91: {  	s15 =	simm.s32 $0xA;
	s4 =	simm.s32 $0x10  }
0x92: {  	[smem:s4], [sflag:s15] =	dma.local [hbm:s2], $0x1  }
0x93: {  	_ =	swait.eq [sflag:s15], $0x1  }
0x94: {  	[sflag:s15] =	ssyncset.done $0x0  }
0x95: {  	[sflag:s15] =	ssyncadd.s32 $0xFFFFFFFF  }
0x96: {  	s16 =	sld [smem:$0x11];
	(tm) =	ssettm $0x1  }
0x97: {  	s17 =	sld [smem:$0x3FFB];
	_ =	sdelay $0x3  }
0x98: {  	_ =	strace s17  }
0x99: {  	s3 =	sld [smem:$0x3FFC];
	_ =	sdelay $0x3  }
0x9a: {  	_ =	strace s3  }
0x9b: {  	s3 =	sld [smem:$0x3FFD];
	_ =	sdelay $0x3  }
0x9c: {  	_ =	strace s3  }
0x9d: {  	_ =	strace $0x8FFFFFFF  }
0x9e: {  	s18 =	sld [smem:$0x3FDB];
	_ =	sdelay $0x1  }
0x9f: {  	s19 =	simm.s32 $_scs_section_size  }
0xa0: {  	s5 =	simm.s32 $_size__tile_overlayer_lowered;
	s6 =	simm.s32 $_tile_overlayer_lowered  }
0xa1: {  	s22 =	simm.s32 $0x1BFF;
	s21 =	sshll.u32 s6, $0x1;
	s3 =	sadd.s32 s19, s18  }
0xa2: {  	s7 =	simm.s32 $0x0;
	s20 =	sshll.u32 s5, $0x1;
	s5 =	sadd.s32 s21, s3  }
0xa3: {  	[timem:s7], [sflag:s22] =	dma.local [hbm:s5], s20  }
0xa4: {  	_ =	swait.ge [sflag:s22], s20  }
0xa5: {  	s4 =	ssub.s32 $0x0, s20;
	[sflag:s22] =	ssyncset.done $0x0  }
0xa6: {  	[sflag:s22] =	ssyncadd.s32 s4;
	_ =	sdelay $0x1  }
0xa7: {  	s23 =	simm.s32 $0x1B8B  }
0xa8: {  	_ =	swait.ge [sflag:s23], $0x1  }
0xa9: {  	[sflag:s23] =	ssyncset.done $0x0  }
0xaa: {  	s25 =	simm.s32 $0x1B8E;
	s24 =	sld [smem:$0x3FFE];
	[sflag:s23] =	ssyncadd.s32 $0xFFFFFFFF  }
0xab: {  	s26 =	simm.s32 $execute0_lowered;
	[smem:$0x3FD2] =	sst s25  }
0xac: {  	s5 =	sshll.u32 s26, $0x1;
	_ =	strace $0x80000046;
	[dreg:$0x1] =	wrdreg $0xFFFFFFFF  }
0xad: {  	s28 =	simm.s32 $_size_execute0_lowered;
	s3 =	sadd.s32 s3, s5;
	[dreg:$0x0] =	wrdreg $0x0  }
0xae: {  	s5 =	sshll.u32 s28, $0x1;
	[dreg:$0x2] =	wrdreg s3  }
0xaf: {  	[dreg:$0x3] =	wrdreg s5  }
0xb0: {  	[dreg:$0x4] =	wrdreg $0xC0  }
0xb1: {  	_ =	task [dreg:s7], $0x5FFFF  }
0xb2: {  	[dreg:$0x1] =	wrdreg $0xFFFFFFFF  }
0xb3: {  	[dreg:$0x0] =	wrdreg $0x60  }
0xb4: {  	[dreg:$0x2] =	wrdreg s24  }
0xb5: {  	[dreg:$0x3] =	wrdreg s16  }
0xb6: {  	[dreg:$0x4] =	wrdreg $0x38000  }
0xb7: {  	[dreg:$0x5] =	wrdreg $0x9  }
0xb8: {  	_ =	task.clear_ibuf [dreg:s7], $0x6FFFF;
	_ =	strace $0x90000046  }
0xb9: {  	s29 =	simm.s32 $0x9;
	_ =	strace $0x80000048  }
0xba: {  	_ =	swait.ge [sflag:s29], $0x1  }
0xbb: {  	[sflag:s29] =	ssyncadd.s32 $0xFFFFFFFF  }
0xbc: {  	_ =	strace $0x90000048  }
0xbd: {  	_ =	sfence  }
0xbe: {  	s30 =	sld [smem:$0x0];
	_ =	sdelay $0x2  }
0xbf: {  	s31 =	sshll.u32 s1, $0xD;
	s1 =	sshrl.u32 s1, $0x2  }
0xc0: {  	s3 =	sand.u32 $0x4000, s31;
	s1 =	sadd.s32 s1, s30  }
0xc1: {  	s0 =	sor.u32 s3, s0;
	s1 =	sshll.u32 s1, $0x11  }
0xc2: {  	s0 =	sor.u32 s1, s0  }
0xc3: {  	s0 =	sadd.s32 $0x8F2B, s0  }
0xc4: {  	[sflag:s0] =	ssyncadd.remote.s32 $0x1  }
0xc5: {  	_ =	sfence.sel $0xFFFF  }
0xc6: {  	[dreg:$0x0] =	wrdreg $0xFFFFFFFF;
	(pc) =	sbr.abs _section_cstart, $3  }
0xc7: {  	[dreg:$0x1] =	wrdreg $0xFFFFFFFF  }
0xc8: {  	_ =	task.clear_ibuf [dreg:s7], $0x2FFFF;
	_ =	strace $0x9FFFFFFF  }
0xc9: {  	(tm) =	ssettm $0x7FFFFFFF  }
tec
execute0_lowered:
.L_overlay_start_1:
0x0: {  	(tag) =	ssettag $0x1  }
0x1: {  	s4 =	rddreg [dreg:$0x0]  }
0x2: {  	s0 =	srdreg.scid;
	s10 =	rddreg [dreg:$0x1]  }
0x3: {  	s2 =	rddreg [dreg:$0x2];
	s1 =	stileid.u32  }
0x4: {  	s3 =	simm.s32 $0x0;
	s13 =	simm.s32 $0x2;
	s14 =	simm.s32 $0x800  }
0x5: {  	s15 =	simm.s32 $0x80;
	s16 =	simm.s32 $0x1;
	s19 =	simm.s32 $0x0  }
0x6: {  	s5 =	sand.u32 $0x1, s0;
	s0 =	rddreg [dreg:$0x3];
	s7 =	smul.u32 $0x9E00, s1  }
0x7: {  	[smem:$0x7FF] =	sst s3;
	s8 =	smul.u32 $0x2780, s1;
	s17 =	sshll.u32 s1, $0x6  }
0x8: {  	s6 =	sshll.u32 s5, $0x4;
	_ =	strace $0x80000047;
	s30 =	ssub.s32 $0x2, s5  }
0x9: {  	s11 =	smul.u32 $0x27800, s5;
	s17 =	sor.u32 $0x1C02, s17;
	s6 =	sor.u32 s1, s6  }
0xa: {  	s9 =	sshrl.u32 s30, $0x1;
	s7 =	sshrl.u32 s7, $0x2;
	s5 =	sadd.s32 s8, s2  }
0xb: {  	s6 =	smul.u32 $0x500, s6;
	s12 =	ssub.s32 s30, s9;
	s31 =	sadd.s32 s7, s2  }
0xc: {  	s11 =	sadd.s32 s8, s11;
	s18 =	sshrl.u32 s5, $0x3;
	s7 =	sadd.s32 $0x1000, s31  }
0xd: {  	s8 =	sadd.s32 $0x1800, s31;
	s11 =	sshrl.u32 s11, $0x3;
	s9 =	sadd.s32 $0x2000, s31  }
0xe: {  	s4 =	sadd.s32 s6, s4;
	s6 =	sadd.s32 $0x800, s31;
	s10 =	sadd.s32 s10, s11  }
0xf: {  	v0 =	vimm.f32 $1.000000000e+00;
	v1 =	vimm.f32 $0.0e+00;
	s11 =	smax.u32 s12, $0x1;
	s12 =	simm.s32 $0x1000;
	s4 =	sadd.s32 $0x1E00, s4  }
.LBB2_1:
0x10: {  	s20 =	simm.s32 $0x0  }
.LBB2_2:
0x11: {  	p0 =	sne.s32 s20, $0x1FC0  }
.Ltmp0:
0x12: {  	_ = 	snop;
	(pc) =	sbr.rel @p0 .LBB2_2-.Ltmp0, $3  }
0x13: {  	_ =	sdelay $0x1  }
0x14: {  	s21 =	sshra.s32 s20, $0x2  }
0x15: {  	s20 =	sadd.s32 $0x40, s20;
	[tilespmem:s21+$0x0] =	vst v0  }
0x16: {  	s20 =	simm.s32 $0x40;
	s21 =	simm.s32 $0x0  }
.LBB2_4:
0x17: {  	p0 =	sne.s32 s20, $0x1FC0;
	[tilespmem:s21+$0x800] =	vst v1;
	s21 =	smov.u32 s20;
	s20 =	sadd.s32 $0x40, s20  }
.Ltmp1:
0x18: {  	(pc) =	sbr.rel @p0 .LBB2_4-.Ltmp1, $2  }
0x19: {  	_ =	sdelay $0x2  }
0x1a: {  	s21 =	sshra.s32 s21, $0x2  }
0x1b: {  	[tilespmem:s21+$0x800] =	vst v1;
	s20 =	simm.s32 $0x0  }
0x1c: {  	[tilespmem:s12], [sflag:$0x2] =	stream.linear.gather [hbm4b:s4+s20], $0x2800, $0x38;
	[tilespmem:$0x5F80] =	vst v63  }
0x1d: {  	_ =	swait.ge [sflag:s13], $0x2800  }
0x1e: {  	[sflag:s13] =	ssyncset.done $0x0  }
0x1f: {  	[sflag:s13] =	ssyncadd.s32 $0xFFFFD800  }
0x20: {  	[spmem:s5] =	stream.linear.scatter [tilespmem:s14], [sflag:$0x2], $0x800, $0x38;
	[tilespmem:$0x5F80] =	vst v63  }
0x21: {  	_ =	swait.ge [sflag:s13], $0x800  }
0x22: {  	[sflag:s13] =	ssyncset.done $0x0  }
0x23: {  	[sflag:s13] =	ssyncadd.s32 $0xFFFFF800  }
0x24: {  	[spmem:s6] =	stream.linear.scatter [tilespmem:s14], [sflag:$0x2], $0x800, $0x38;
	[tilespmem:$0x5F80] =	vst v63  }
0x25: {  	_ =	swait.ge [sflag:s13], $0x800  }
0x26: {  	[sflag:s13] =	ssyncset.done $0x0  }
0x27: {  	[sflag:s13] =	ssyncadd.s32 $0xFFFFF800  }
0x28: {  	[spmem:s7] =	stream.linear.scatter [tilespmem:s14], [sflag:$0x2], $0x800, $0x38;
	[tilespmem:$0x5F80] =	vst v63  }
0x29: {  	_ =	swait.ge [sflag:s13], $0x800  }
0x2a: {  	[sflag:s13] =	ssyncset.done $0x0  }
0x2b: {  	[sflag:s13] =	ssyncadd.s32 $0xFFFFF800  }
0x2c: {  	[spmem:s8] =	stream.linear.scatter [tilespmem:s14], [sflag:$0x2], $0x800, $0x38;
	[tilespmem:$0x5F80] =	vst v63  }
0x2d: {  	_ =	swait.ge [sflag:s13], $0x800  }
0x2e: {  	[sflag:s13] =	ssyncset.done $0x0  }
0x2f: {  	[sflag:s13] =	ssyncadd.s32 $0xFFFFF800  }
0x30: {  	[spmem:s9] =	stream.linear.scatter [tilespmem:s14], [sflag:$0x2], $0x780, $0x38;
	[tilespmem:$0x5F80] =	vst v63  }
0x31: {  	_ =	swait.ge [sflag:s13], $0x780  }
0x32: {  	[sflag:s13] =	ssyncset.done $0x0  }
0x33: {  	[sflag:s13] =	ssyncadd.s32 $0xFFFFF880  }
0x34: {  	s23 =	simm.s32 $0x1000;
	[bflag:$0x0] =	sbarrier.arrive $0xFFFF  }
0x35: {  	[spmem:s2] =	stream.indirect.scatter.add.f32 [tilespmem:s3], [sflag:$0x1], $0x10, s23, s15, $0xb8;
	[tilespmem:$0x5F80] =	vst v63  }
0x36: {  	s24 =	simm.s32 $0x1080  }
0x37: {  	[spmem:s2] =	stream.indirect.scatter.add.f32 [tilespmem:s3], [sflag:$0x1], $0x10, s24, s15, $0xb8;
	[tilespmem:$0x5F80] =	vst v63  }
0x38: {  	s25 =	simm.s32 $0x1100  }
0x39: {  	[spmem:s2] =	stream.indirect.scatter.add.f32 [tilespmem:s3], [sflag:$0x1], $0x10, s25, s15, $0xb8;
	[tilespmem:$0x5F80] =	vst v63  }
0x3a: {  	s26 =	simm.s32 $0x1180  }
0x3b: {  	[spmem:s2] =	stream.indirect.scatter.add.f32 [tilespmem:s3], [sflag:$0x1], $0x10, s26, s15, $0xb8;
	[tilespmem:$0x5F80] =	vst v63  }
0x3c: {  	s28 =	simm.s32 $0x1200  }
0x3d: {  	[spmem:s2] =	stream.indirect.scatter.add.f32 [tilespmem:s3], [sflag:$0x1], $0x10, s28, s15, $0xb8;
	[tilespmem:$0x5F80] =	vst v63  }
0x3e: {  	s29 =	simm.s32 $0x1280  }
0x3f: {  	[spmem:s2] =	stream.indirect.scatter.add.f32 [tilespmem:s3], [sflag:$0x1], $0x10, s29, s15, $0xb8;
	[tilespmem:$0x5F80] =	vst v63  }
0x40: {  	s30 =	simm.s32 $0x1300  }
0x41: {  	[spmem:s2] =	stream.indirect.scatter.add.f32 [tilespmem:s3], [sflag:$0x1], $0x10, s30, s15, $0xb8;
	[tilespmem:$0x5F80] =	vst v63  }
0x42: {  	s31 =	simm.s32 $0x1380  }
0x43: {  	[spmem:s2] =	stream.indirect.scatter.add.f32 [tilespmem:s3], [sflag:$0x1], $0x10, s31, s15, $0xb8;
	[tilespmem:$0x5F80] =	vst v63  }
0x44: {  	_ =	swait.ge [sflag:s16], $0x800  }
0x45: {  	[sflag:s16] =	ssyncset.done $0x0  }
0x46: {  	[sflag:s16] =	ssyncadd.s32 $0xFFFFF800  }
0x47: {  	_ =	swait.ge [sflag:s16], $0x800  }
0x48: {  	[sflag:s16] =	ssyncset.done $0x0  }
0x49: {  	[sflag:s16] =	ssyncadd.s32 $0xFFFFF800  }
0x4a: {  	_ =	swait.ge [sflag:s16], $0x800  }
0x4b: {  	[sflag:s16] =	ssyncset.done $0x0  }
0x4c: {  	[sflag:s16] =	ssyncadd.s32 $0xFFFFF800  }
0x4d: {  	_ =	swait.ge [sflag:s16], $0x800  }
0x4e: {  	[sflag:s16] =	ssyncset.done $0x0  }
0x4f: {  	[sflag:s16] =	ssyncadd.s32 $0xFFFFF800  }
0x50: {  	_ =	swait.ge [sflag:s16], $0x800  }
0x51: {  	[sflag:s16] =	ssyncset.done $0x0  }
0x52: {  	[sflag:s16] =	ssyncadd.s32 $0xFFFFF800  }
0x53: {  	_ =	swait.ge [sflag:s16], $0x800  }
0x54: {  	[sflag:s16] =	ssyncset.done $0x0  }
0x55: {  	[sflag:s16] =	ssyncadd.s32 $0xFFFFF800  }
0x56: {  	_ =	swait.ge [sflag:s16], $0x800  }
0x57: {  	[sflag:s16] =	ssyncset.done $0x0  }
0x58: {  	[sflag:s16] =	ssyncadd.s32 $0xFFFFF800  }
0x59: {  	_ =	swait.ge [sflag:s16], $0x800  }
0x5a: {  	s22 =	simm.s32 $0x400;
	s23 =	simm.s32 $0x2000;
	[sflag:s16] =	ssyncset.done $0x0  }
.LBB2_6:
0x5b: {  	s24 =	sadd.s32 $0x1000, s22  }
0x5c: {  	[sflag:s16] =	ssyncadd.s32 $0xFFFFF800;
	s21 =	smov.u32 s23;
	s20 =	sadd.s32 $0x1000, s23  }
0x5d: {  	[spmem:s2] =	stream.indirect.scatter.add.f32 [tilespmem:s3], [sflag:$0x1], $0x10, s24, s15, $0xb8;
	[tilespmem:$0x5F80] =	vst v63  }
0x5e: {  	p0 =	sne.s32 s23, $0x9000;
	s23 =	sadd.s32 $0x1080, s22  }
0x5f: {  	[spmem:s2] =	stream.indirect.scatter.add.f32 [tilespmem:s3], [sflag:$0x1], $0x10, s23, s15, $0xb8;
	[tilespmem:$0x5F80] =	vst v63  }
0x60: {  	s23 =	sadd.s32 $0x1100, s22  }
0x61: {  	[spmem:s2] =	stream.indirect.scatter.add.f32 [tilespmem:s3], [sflag:$0x1], $0x10, s23, s15, $0xb8;
	[tilespmem:$0x5F80] =	vst v63  }
0x62: {  	s23 =	sadd.s32 $0x1180, s22  }
0x63: {  	[spmem:s2] =	stream.indirect.scatter.add.f32 [tilespmem:s3], [sflag:$0x1], $0x10, s23, s15, $0xb8;
	[tilespmem:$0x5F80] =	vst v63  }
0x64: {  	s23 =	sadd.s32 $0x1200, s22  }
0x65: {  	[spmem:s2] =	stream.indirect.scatter.add.f32 [tilespmem:s3], [sflag:$0x1], $0x10, s23, s15, $0xb8;
	[tilespmem:$0x5F80] =	vst v63  }
0x66: {  	s23 =	sadd.s32 $0x1280, s22  }
0x67: {  	[spmem:s2] =	stream.indirect.scatter.add.f32 [tilespmem:s3], [sflag:$0x1], $0x10, s23, s15, $0xb8;
	[tilespmem:$0x5F80] =	vst v63  }
0x68: {  	s23 =	sadd.s32 $0x1300, s22  }
0x69: {  	[spmem:s2] =	stream.indirect.scatter.add.f32 [tilespmem:s3], [sflag:$0x1], $0x10, s23, s15, $0xb8;
	[tilespmem:$0x5F80] =	vst v63  }
0x6a: {  	s22 =	sadd.s32 $0x1380, s22  }
0x6b: {  	[spmem:s2] =	stream.indirect.scatter.add.f32 [tilespmem:s3], [sflag:$0x1], $0x10, s22, s15, $0xb8;
	[tilespmem:$0x5F80] =	vst v63  }
0x6c: {  	_ =	swait.ge [sflag:s16], $0x800  }
0x6d: {  	[sflag:s16] =	ssyncset.done $0x0  }
0x6e: {  	[sflag:s16] =	ssyncadd.s32 $0xFFFFF800  }
0x6f: {  	_ =	swait.ge [sflag:s16], $0x800  }
0x70: {  	[sflag:s16] =	ssyncset.done $0x0  }
0x71: {  	[sflag:s16] =	ssyncadd.s32 $0xFFFFF800  }
0x72: {  	_ =	swait.ge [sflag:s16], $0x800  }
0x73: {  	[sflag:s16] =	ssyncset.done $0x0  }
0x74: {  	[sflag:s16] =	ssyncadd.s32 $0xFFFFF800  }
0x75: {  	_ =	swait.ge [sflag:s16], $0x800  }
0x76: {  	[sflag:s16] =	ssyncset.done $0x0  }
0x77: {  	[sflag:s16] =	ssyncadd.s32 $0xFFFFF800  }
0x78: {  	_ =	swait.ge [sflag:s16], $0x800  }
0x79: {  	[sflag:s16] =	ssyncset.done $0x0  }
0x7a: {  	[sflag:s16] =	ssyncadd.s32 $0xFFFFF800  }
0x7b: {  	_ =	swait.ge [sflag:s16], $0x800  }
0x7c: {  	[sflag:s16] =	ssyncset.done $0x0  }
0x7d: {  	[sflag:s16] =	ssyncadd.s32 $0xFFFFF800  }
.Ltmp2:
0x7e: {  	_ =	swait.ge [sflag:s16], $0x800;
	(pc) =	sbr.rel @p0 .LBB2_6-.Ltmp2, $4  }
0x7f: {  	[sflag:s16] =	ssyncset.done $0x0  }
0x80: {  	[sflag:s16] =	ssyncadd.s32 $0xFFFFF800  }
0x81: {  	_ =	swait.ge [sflag:s16], $0x800  }
0x82: {  	s23 =	smov.u32 s20;
	s22 =	sshra.s32 s21, $0x2;
	[sflag:s16] =	ssyncset.done $0x0  }
0x83: {  	s20 =	sadd.s32 $0x1000, s22;
	[sflag:s16] =	ssyncadd.s32 $0xFFFFF800  }
0x84: {  	[spmem:s2] =	stream.indirect.scatter.add.f32 [tilespmem:s3], [sflag:$0x1], $0x10, s20, s15, $0xb8;
	[tilespmem:$0x5F80] =	vst v63  }
0x85: {  	s24 =	sadd.s32 $0x1080, s22  }
0x86: {  	[spmem:s2] =	stream.indirect.scatter.add.f32 [tilespmem:s3], [sflag:$0x1], $0x10, s24, s15, $0xb8;
	[tilespmem:$0x5F80] =	vst v63  }
0x87: {  	s25 =	sadd.s32 $0x1100, s22  }
0x88: {  	[spmem:s2] =	stream.indirect.scatter.add.f32 [tilespmem:s3], [sflag:$0x1], $0x10, s25, s15, $0xb8;
	[tilespmem:$0x5F80] =	vst v63  }
0x89: {  	s26 =	sadd.s32 $0x1180, s22  }
0x8a: {  	[spmem:s2] =	stream.indirect.scatter.add.f32 [tilespmem:s3], [sflag:$0x1], $0x10, s26, s15, $0xb8;
	[tilespmem:$0x5F80] =	vst v63  }
0x8b: {  	s28 =	sadd.s32 $0x1200, s22  }
0x8c: {  	[spmem:s2] =	stream.indirect.scatter.add.f32 [tilespmem:s3], [sflag:$0x1], $0x10, s28, s15, $0xb8;
	[tilespmem:$0x5F80] =	vst v63  }
0x8d: {  	s29 =	sadd.s32 $0x1280, s22  }
0x8e: {  	[spmem:s2] =	stream.indirect.scatter.add.f32 [tilespmem:s3], [sflag:$0x1], $0x10, s29, s15, $0xb8;
	[tilespmem:$0x5F80] =	vst v63  }
0x8f: {  	s30 =	sadd.s32 $0x1300, s22  }
0x90: {  	[spmem:s2] =	stream.indirect.scatter.add.f32 [tilespmem:s3], [sflag:$0x1], $0x10, s30, s15, $0xb8;
	[tilespmem:$0x5F80] =	vst v63  }
0x91: {  	s31 =	sadd.s32 $0x1380, s22  }
0x92: {  	[spmem:s2] =	stream.indirect.scatter.add.f32 [tilespmem:s3], [sflag:$0x1], $0x10, s31, s15, $0xb8;
	[tilespmem:$0x5F80] =	vst v63  }
0x93: {  	_ =	swait.ge [sflag:s16], $0x800  }
0x94: {  	[sflag:s16] =	ssyncset.done $0x0  }
0x95: {  	[sflag:s16] =	ssyncadd.s32 $0xFFFFF800  }
0x96: {  	_ =	swait.ge [sflag:s16], $0x800  }
0x97: {  	[sflag:s16] =	ssyncset.done $0x0  }
0x98: {  	[sflag:s16] =	ssyncadd.s32 $0xFFFFF800  }
0x99: {  	_ =	swait.ge [sflag:s16], $0x800  }
0x9a: {  	[sflag:s16] =	ssyncset.done $0x0  }
0x9b: {  	[sflag:s16] =	ssyncadd.s32 $0xFFFFF800  }
0x9c: {  	_ =	swait.ge [sflag:s16], $0x800  }
0x9d: {  	[sflag:s16] =	ssyncset.done $0x0  }
0x9e: {  	[sflag:s16] =	ssyncadd.s32 $0xFFFFF800  }
0x9f: {  	_ =	swait.ge [sflag:s16], $0x800  }
0xa0: {  	[sflag:s16] =	ssyncset.done $0x0  }
0xa1: {  	[sflag:s16] =	ssyncadd.s32 $0xFFFFF800  }
0xa2: {  	_ =	swait.ge [sflag:s16], $0x800  }
0xa3: {  	[sflag:s16] =	ssyncset.done $0x0  }
0xa4: {  	[sflag:s16] =	ssyncadd.s32 $0xFFFFF800  }
0xa5: {  	_ =	swait.ge [sflag:s16], $0x800  }
0xa6: {  	[sflag:s16] =	ssyncset.done $0x0  }
0xa7: {  	[sflag:s16] =	ssyncadd.s32 $0xFFFFF800  }
0xa8: {  	_ =	swait.ge [sflag:s16], $0x800  }
0xa9: {  	s19 =	sadd.s32 $0x1, s19;
	[sflag:s16] =	ssyncset.done $0x0  }
0xaa: {  	p0 =	sne.s32 s19, s11;
	[sflag:s16] =	ssyncadd.s32 $0xFFFFF800  }
.Ltmp3:
0xab: {  	[bflag:$0x0] =	sbarrier.arrive $0xFFFF;
	(pc) =	sbr.rel @p0 .LBB2_1-.Ltmp3, $4  }
0xac: {  	[hbm:s10], [sflag:s17] =	dma.local [spmem:s18], $0x4F0  }
0xad: {  	_ =	swait.ge [sflag:s13], $0x4F0  }
0xae: {  	[sflag:s13] =	ssyncset.done $0x0  }
0xaf: {  	[sflag:s13] =	ssyncadd.s32 $0xFFFFFB10  }
0xb0: {  	_ =	sfence.sel $0x180000  }
0xb1: {  	[bflag:$0x0] =	sbarrier.arrive $0xFFFF  }
0xb2: {  	p0 =	sne.s32 s1, $0x0;
	_ =	strace $0x90000047  }
0xb3: {  	s0 =	sadd.s32 @!p0 $0x100000, s0;
	[bflag:$0x2] =	sbarrier.arrive $0xFFFF  }
0xb4: {  	[sflag:s0] =	ssyncadd.tile.s32 @!p0 $0x1;
	_ =	shalt  }
.Lfunc_end2:
_tile_overlayer_lowered:
.L_overlay_start_2:
0xb5: {  	(tag) =	ssettag $0x2  }
0xb6: {  	s0 =	rddreg [dreg:$0x0];
	s2 =	stileid.u32  }
0xb7: {  	s1 =	rddreg [dreg:$0x1];
	p0 =	sne.s32 s2, $0x0  }
0xb8: {  	s3 =	rddreg [dreg:$0x2];
	[bflag:$0x3] =	sbarrier.arrive $0xFFFF;
	s2 =	simm.s32 @!p0 $0x1C02  }
0xb9: {  	[timem:s3], [sflag:s2] =	dma.local @!p0 [hbm:s0], s1  }
0xba: {  	s0 =	simm.s32 @!p0 $0x2  }
0xbb: {  	_ =	swait.ge @!p0 [sflag:s0], s1  }
0xbc: {  	s1 =	ssub.s32 @!p0 $0x0, s1;
	[sflag:s0] =	ssyncset.done @!p0 $0x0  }
0xbd: {  	[sflag:s0] =	ssyncadd.s32 @!p0 s1  }
0xbe: {  	[bflag:$0x3] =	sbarrier.arrive $0xFFFF  }
0xbf: {  	_ =	shalt  }

</sc_bundles>
